<compile_context>
chip_gen: v7x
topology: tpu7x:2x2x1
jax: 0.10.2.dev20260603
libtpu: 0.0.44.dev20260713+nightly
codegen_flags: <defaults>
</compile_context>

<pallas_src>
import functools
import math

import jax
import jax.numpy as jnp
from jax import lax
from jax.experimental import pallas as pl
from jax.experimental.pallas import tpu as pltpu
from jax.experimental.pallas import tpu_sc as plsc

K = 8
N_TOTAL = 1048576
NC, NS = 2, 16
NW = NC * NS
PTS_PER_W = N_TOTAL // NW
CHUNKS_PER_W = PTS_PER_W // 128

_P5 = (0.0002749113568904233, -0.007451849578973424, 0.08095877541048518,
       -0.4594725080359905, 1.5935532480567003, -1.1936463569922442)


def _make_sc_kernel():
    mesh = plsc.VectorSubcoreMesh(core_axis_name="c", subcore_axis_name="s")

    @functools.partial(
        pl.kernel, mesh=mesh,
        out_type=jax.ShapeDtypeStruct((N_TOTAL,), jnp.float32),
        scratch_types=[
            pltpu.VMEM((2 * PTS_PER_W,), jnp.float32),
            pltpu.VMEM((PTS_PER_W,), jnp.float32),
            pltpu.VMEM((5 * K * 16,), jnp.float32),
        ],
    )
    def sc_kernel(x_hbm, coefv_hbm, out_hbm, xin, res, cf):
        wid = lax.axis_index("s") * NC + lax.axis_index("c")
        pltpu.sync_copy(coefv_hbm, cf)
        pltpu.sync_copy(x_hbm.at[pl.ds(wid * (2 * PTS_PER_W), 2 * PTS_PER_W)],
                        xin)

        def chunk_body(j, carry):
            for sub in range(8):
                off = j * 256 + sub * 16
                x0 = xin[pl.ds(off, 16)]
                x1 = xin[pl.ds(off + 128, 16)]
                x0sq = x0 * x0
                x1sq = x1 * x1
                lps = []
                for k in range(K):
                    a0 = cf[pl.ds((0 * K + k) * 16, 16)]
                    b0 = cf[pl.ds((1 * K + k) * 16, 16)]
                    a1 = cf[pl.ds((2 * K + k) * 16, 16)]
                    b1 = cf[pl.ds((3 * K + k) * 16, 16)]
                    e = cf[pl.ds((4 * K + k) * 16, 16)]
                    lps.append(a0 * x0sq + b0 * x0 + a1 * x1sq + b1 * x1 + e)
                m = lps[0]
                for k in range(1, K):
                    m = jnp.maximum(m, lps[k])
                s = jnp.exp(lps[0] - m)
                for k in range(1, K):
                    s = s + jnp.exp(lps[k] - m)
                y = jnp.full((16,), _P5[0], dtype=jnp.float32)
                for c in _P5[1:]:
                    y = y * s + c
                y = y + s * jnp.exp(-y) - 1.0
                y = y + s * jnp.exp(-y) - 1.0
                res[pl.ds(j * 128 + sub * 16, 16)] = m + y
            return carry

        lax.fori_loop(0, CHUNKS_PER_W, chunk_body, 0)
        pltpu.sync_copy(res, out_hbm.at[pl.ds(wid * PTS_PER_W, PTS_PER_W)])

    return sc_kernel


_SC_KERNEL = _make_sc_kernel()


def kernel(x, logits, means, scales):
    n = x.shape[0]
    logw = jax.nn.log_softmax(logits)
    inv2 = 1.0 / (scales * scales)
    a = -0.5 * inv2
    b = means * inv2
    e = (logw - jnp.sum(jnp.log(scales), axis=1)
         - math.log(2.0 * math.pi)
         - 0.5 * jnp.sum(means * means * inv2, axis=1))
    coef = jnp.stack([a[:, 0], b[:, 0], a[:, 1], b[:, 1], e])
    coefv = jnp.repeat(coef.reshape(-1), 16)

    pairs = n // 128
    xflat = (x.reshape(pairs, 128, 2).swapaxes(1, 2)
             .reshape(2 * pairs, 128).reshape(-1))
    return _SC_KERNEL(xflat, coefv)

# --- scband reference (transcript-rebuilt; emitter-appended) ---
"""Pipeline reference for scband-mix-xy-35768487641203 (READ-ONLY COPY).

The authoritative reference and input builder live on the scoring server;
editing this copy changes nothing except your own understanding.
"""

import jax, jax.numpy as jnp
import numpy as np

K = 8
N = 1048576
D = 2

def setup_inputs(seed: int = 0) -> dict:
    key = jax.random.key(seed)
    k1, k2, k3, k4 = jax.random.split(key, 4)
    x = jax.random.normal(k1, (N, D), dtype=jnp.float32)
    logits = jax.random.normal(k2, (K,), dtype=jnp.float32)
    means = jax.random.normal(k3, (K, D), dtype=jnp.float32) * 2.0
    scales = jax.random.uniform(k4, (K, D), dtype=jnp.float32, minval=0.5, maxval=1.5)
    return {"x": x, "logits": logits, "means": means, "scales": scales}

def reference(x, logits, means, scales):
    # MixXY.log_prob: stack per-component log-probs, add log-softmax mixture
    # weights, logsumexp over the component axis.
    # Each component is an Independent(Normal(loc[D], scale[D]), 1):
    #   lp_k(x) = sum_d [ -0.5*((x_d-mu_kd)/s_kd)^2 - log(s_kd) - 0.5*log(2*pi) ]
    diff = (x[None, :, :] - means[:, None, :]) / scales[:, None, :]          # [K, N, D]
    lp = jnp.sum(-0.5 * diff * diff - jnp.log(scales)[:, None, :]
                 - 0.5 * jnp.log(2.0 * jnp.pi), axis=-1)                     # [K, N]
    logw = jax.nn.log_softmax(logits, axis=0)[:, None]                       # [K, 1]
    return jax.scipy.special.logsumexp(logw + lp, axis=0)                    # [N]

if __name__ == "__main__":
    import jax
    _d = setup_inputs()
    print(jax.jit(kernel)(*tuple(_d.values())))

</pallas_src>

<mosaic_0001>
#map = affine_map<(d0, d1) -> (0)>
module attributes {stable_mosaic.version = 14 : i64} {
  func.func @sc_kernel(%arg0: i32, %arg1: i32, %arg2: memref<2097152xf32, #tpu.memory_space<hbm>>, %arg3: memref<640xf32, #tpu.memory_space<hbm>>, %arg4: memref<1048576xf32, #tpu.memory_space<hbm>>, %arg5: memref<65536xf32, #tpu.memory_space<vmem>>, %arg6: memref<32768xf32, #tpu.memory_space<vmem>>, %arg7: memref<640xf32, #tpu.memory_space<vmem>>) attributes {dimension_semantics = [#tpu.dimension_semantics<core_parallel>, #tpu.dimension_semantics<subcore_parallel>], iteration_bounds = array<i64: 2, 16>, scalar_prefetch = 0 : i64, scratch_operands = 3 : i64, tpu.core_type = #tpu.core_type<sc_vector_subcore>, window_params = [{transform_indices = #map}, {transform_indices = #map}, {transform_indices = #map}]} {
    %mul3A = arith.constant 2 : i32
    %mul3A_0 = arith.muli %arg1, %mul3A : i32
    %add3A = arith.addi %mul3A_0, %arg0 : i32
    "tpu.region"() ({
      %run_scoped3A = tpu.sem_alloc : memref<!tpu.dma_semaphore, #tpu.memory_space<semaphore_mem>>
      tpu.enqueue_dma source(%arg3 : memref<640xf32, #tpu.memory_space<hbm>>) target(%arg7 : memref<640xf32, #tpu.memory_space<vmem>>) target_semaphore(%run_scoped3A : memref<!tpu.dma_semaphore, #tpu.memory_space<semaphore_mem>>)
      tpu.wait_dma2 semaphore(%run_scoped3A : memref<!tpu.dma_semaphore, #tpu.memory_space<semaphore_mem>>) src(%arg3 : memref<640xf32, #tpu.memory_space<hbm>>) dst(%arg7 : memref<640xf32, #tpu.memory_space<vmem>>)
      tpu.yield
    }) : () -> ()
    %mul3A_1 = arith.constant 65536 : i32
    %mul3A_2 = arith.muli %add3A, %mul3A_1 : i32
    "tpu.region"() ({
      %run_scoped3A = tpu.sem_alloc : memref<!tpu.dma_semaphore, #tpu.memory_space<semaphore_mem>>
      %dma_start3A = tpu.memref_slice %arg2[%mul3A_2] : memref<2097152xf32, #tpu.memory_space<hbm>> -> memref<65536xf32, #tpu.memory_space<hbm>>
      %dma_start3A_10 = tpu.memref_slice %arg2[%mul3A_2] : memref<2097152xf32, #tpu.memory_space<hbm>> -> memref<65536xf32, #tpu.memory_space<hbm>>
      tpu.enqueue_dma source(%dma_start3A_10 : memref<65536xf32, #tpu.memory_space<hbm>>) target(%arg5 : memref<65536xf32, #tpu.memory_space<vmem>>) target_semaphore(%run_scoped3A : memref<!tpu.dma_semaphore, #tpu.memory_space<semaphore_mem>>)
      %dma_wait3A = tpu.memref_slice %arg2[%mul3A_2] : memref<2097152xf32, #tpu.memory_space<hbm>> -> memref<65536xf32, #tpu.memory_space<hbm>>
      %dma_wait3A_11 = tpu.memref_slice %arg2[%mul3A_2] : memref<2097152xf32, #tpu.memory_space<hbm>> -> memref<65536xf32, #tpu.memory_space<hbm>>
      tpu.wait_dma2 semaphore(%run_scoped3A : memref<!tpu.dma_semaphore, #tpu.memory_space<semaphore_mem>>) src(%dma_wait3A_11 : memref<65536xf32, #tpu.memory_space<hbm>>) dst(%arg5 : memref<65536xf32, #tpu.memory_space<vmem>>)
      tpu.yield
    }) : () -> ()
    %scan3A = arith.constant 0 : i32
    %scan3A_3 = arith.constant 0 : i32
    %scan3A_4 = arith.constant 256 : i32
    %scan3A_5 = arith.addi %scan3A_3, %scan3A_4 : i32
    %scan3A_6 = arith.constant 1 : i32
    scf.for %scan3A_10 = %scan3A_3 to %scan3A_5 step %scan3A_6  : i32 {
      %mul3A_11 = arith.constant 256 : i32
      %mul3A_12 = arith.muli %scan3A_10, %mul3A_11 : i32
      %add3A_13 = arith.constant 0 : i32
      %add3A_14 = arith.addi %mul3A_12, %add3A_13 : i32
      %get3A = arith.index_cast %add3A_14 : i32 to index
      %get3A_15 = tpu.vector_load %arg5[%get3A] {strides = array<i32>} : memref<65536xf32, #tpu.memory_space<vmem>>, vector<16xf32>,
      %get3A_16 = vector.shape_cast %get3A_15 : vector<16xf32> to vector<16xf32>
      %add3A_17 = arith.constant 128 : i32
      %add3A_18 = arith.addi %add3A_14, %add3A_17 : i32
      %get3A_19 = arith.index_cast %add3A_18 : i32 to index
      %get3A_20 = tpu.vector_load %arg5[%get3A_19] {strides = array<i32>} : memref<65536xf32, #tpu.memory_space<vmem>>, vector<16xf32>,
      %get3A_21 = vector.shape_cast %get3A_20 : vector<16xf32> to vector<16xf32>
      %mul3A_22 = arith.mulf %get3A_16, %get3A_16 : vector<16xf32>
      %mul3A_23 = arith.mulf %get3A_21, %get3A_21 : vector<16xf32>
      %get3A_24 = arith.constant 0 : index
      %get3A_25 = tpu.vector_load %arg7[%get3A_24] {strides = array<i32>} : memref<640xf32, #tpu.memory_space<vmem>>, vector<16xf32>,
      %get3A_26 = vector.shape_cast %get3A_25 : vector<16xf32> to vector<16xf32>
      %get3A_27 = arith.constant 128 : index
      %get3A_28 = tpu.vector_load %arg7[%get3A_27] {strides = array<i32>} : memref<640xf32, #tpu.memory_space<vmem>>, vector<16xf32>,
      %get3A_29 = vector.shape_cast %get3A_28 : vector<16xf32> to vector<16xf32>
      %get3A_30 = arith.constant 256 : index
      %get3A_31 = tpu.vector_load %arg7[%get3A_30] {strides = array<i32>} : memref<640xf32, #tpu.memory_space<vmem>>, vector<16xf32>,
      %get3A_32 = vector.shape_cast %get3A_31 : vector<16xf32> to vector<16xf32>
      %get3A_33 = arith.constant 384 : index
      %get3A_34 = tpu.vector_load %arg7[%get3A_33] {strides = array<i32>} : memref<640xf32, #tpu.memory_space<vmem>>, vector<16xf32>,
      %get3A_35 = vector.shape_cast %get3A_34 : vector<16xf32> to vector<16xf32>
      %get3A_36 = arith.constant 512 : index
      %get3A_37 = tpu.vector_load %arg7[%get3A_36] {strides = array<i32>} : memref<640xf32, #tpu.memory_space<vmem>>, vector<16xf32>,
      %get3A_38 = vector.shape_cast %get3A_37 : vector<16xf32> to vector<16xf32>
      %mul3A_39 = arith.mulf %get3A_26, %mul3A_22 : vector<16xf32>
      %mul3A_40 = arith.mulf %get3A_29, %get3A_16 : vector<16xf32>
      %add3A_41 = arith.addf %mul3A_39, %mul3A_40 : vector<16xf32>
      %mul3A_42 = arith.mulf %get3A_32, %mul3A_23 : vector<16xf32>
      %add3A_43 = arith.addf %add3A_41, %mul3A_42 : vector<16xf32>
      %mul3A_44 = arith.mulf %get3A_35, %get3A_21 : vector<16xf32>
      %add3A_45 = arith.addf %add3A_43, %mul3A_44 : vector<16xf32>
      %add3A_46 = arith.addf %add3A_45, %get3A_38 : vector<16xf32>
      %get3A_47 = arith.constant 16 : index
      %get3A_48 = tpu.vector_load %arg7[%get3A_47] {strides = array<i32>} : memref<640xf32, #tpu.memory_space<vmem>>, vector<16xf32>,
      %get3A_49 = vector.shape_cast %get3A_48 : vector<16xf32> to vector<16xf32>
      %get3A_50 = arith.constant 144 : index
      %get3A_51 = tpu.vector_load %arg7[%get3A_50] {strides = array<i32>} : memref<640xf32, #tpu.memory_space<vmem>>, vector<16xf32>,
      %get3A_52 = vector.shape_cast %get3A_51 : vector<16xf32> to vector<16xf32>
      %get3A_53 = arith.constant 272 : index
      %get3A_54 = tpu.vector_load %arg7[%get3A_53] {strides = array<i32>} : memref<640xf32, #tpu.memory_space<vmem>>, vector<16xf32>,
      %get3A_55 = vector.shape_cast %get3A_54 : vector<16xf32> to vector<16xf32>
      %get3A_56 = arith.constant 400 : index
      %get3A_57 = tpu.vector_load %arg7[%get3A_56] {strides = array<i32>} : memref<640xf32, #tpu.memory_space<vmem>>, vector<16xf32>,
      %get3A_58 = vector.shape_cast %get3A_57 : vector<16xf32> to vector<16xf32>
      %get3A_59 = arith.constant 528 : index
      %get3A_60 = tpu.vector_load %arg7[%get3A_59] {strides = array<i32>} : memref<640xf32, #tpu.memory_space<vmem>>, vector<16xf32>,
      %get3A_61 = vector.shape_cast %get3A_60 : vector<16xf32> to vector<16xf32>
      %mul3A_62 = arith.mulf %get3A_49, %mul3A_22 : vector<16xf32>
      %mul3A_63 = arith.mulf %get3A_52, %get3A_16 : vector<16xf32>
      %add3A_64 = arith.addf %mul3A_62, %mul3A_63 : vector<16xf32>
      %mul3A_65 = arith.mulf %get3A_55, %mul3A_23 : vector<16xf32>
      %add3A_66 = arith.addf %add3A_64, %mul3A_65 : vector<16xf32>
      %mul3A_67 = arith.mulf %get3A_58, %get3A_21 : vector<16xf32>
      %add3A_68 = arith.addf %add3A_66, %mul3A_67 : vector<16xf32>
      %add3A_69 = arith.addf %add3A_68, %get3A_61 : vector<16xf32>
      %get3A_70 = arith.constant 32 : index
      %get3A_71 = tpu.vector_load %arg7[%get3A_70] {strides = array<i32>} : memref<640xf32, #tpu.memory_space<vmem>>, vector<16xf32>,
      %get3A_72 = vector.shape_cast %get3A_71 : vector<16xf32> to vector<16xf32>
      %get3A_73 = arith.constant 160 : index
      %get3A_74 = tpu.vector_load %arg7[%get3A_73] {strides = array<i32>} : memref<640xf32, #tpu.memory_space<vmem>>, vector<16xf32>,
      %get3A_75 = vector.shape_cast %get3A_74 : vector<16xf32> to vector<16xf32>
      %get3A_76 = arith.constant 288 : index
      %get3A_77 = tpu.vector_load %arg7[%get3A_76] {strides = array<i32>} : memref<640xf32, #tpu.memory_space<vmem>>, vector<16xf32>,
      %get3A_78 = vector.shape_cast %get3A_77 : vector<16xf32> to vector<16xf32>
      %get3A_79 = arith.constant 416 : index
      %get3A_80 = tpu.vector_load %arg7[%get3A_79] {strides = array<i32>} : memref<640xf32, #tpu.memory_space<vmem>>, vector<16xf32>,
      %get3A_81 = vector.shape_cast %get3A_80 : vector<16xf32> to vector<16xf32>
      %get3A_82 = arith.constant 544 : index
      %get3A_83 = tpu.vector_load %arg7[%get3A_82] {strides = array<i32>} : memref<640xf32, #tpu.memory_space<vmem>>, vector<16xf32>,
      %get3A_84 = vector.shape_cast %get3A_83 : vector<16xf32> to vector<16xf32>
      %mul3A_85 = arith.mulf %get3A_72, %mul3A_22 : vector<16xf32>
      %mul3A_86 = arith.mulf %get3A_75, %get3A_16 : vector<16xf32>
      %add3A_87 = arith.addf %mul3A_85, %mul3A_86 : vector<16xf32>
      %mul3A_88 = arith.mulf %get3A_78, %mul3A_23 : vector<16xf32>
      %add3A_89 = arith.addf %add3A_87, %mul3A_88 : vector<16xf32>
      %mul3A_90 = arith.mulf %get3A_81, %get3A_21 : vector<16xf32>
      %add3A_91 = arith.addf %add3A_89, %mul3A_90 : vector<16xf32>
      %add3A_92 = arith.addf %add3A_91, %get3A_84 : vector<16xf32>
      %get3A_93 = arith.constant 48 : index
      %get3A_94 = tpu.vector_load %arg7[%get3A_93] {strides = array<i32>} : memref<640xf32, #tpu.memory_space<vmem>>, vector<16xf32>,
      %get3A_95 = vector.shape_cast %get3A_94 : vector<16xf32> to vector<16xf32>
      %get3A_96 = arith.constant 176 : index
      %get3A_97 = tpu.vector_load %arg7[%get3A_96] {strides = array<i32>} : memref<640xf32, #tpu.memory_space<vmem>>, vector<16xf32>,
      %get3A_98 = vector.shape_cast %get3A_97 : vector<16xf32> to vector<16xf32>
      %get3A_99 = arith.constant 304 : index
      %get3A_100 = tpu.vector_load %arg7[%get3A_99] {strides = array<i32>} : memref<640xf32, #tpu.memory_space<vmem>>, vector<16xf32>,
      %get3A_101 = vector.shape_cast %get3A_100 : vector<16xf32> to vector<16xf32>
      %get3A_102 = arith.constant 432 : index
      %get3A_103 = tpu.vector_load %arg7[%get3A_102] {strides = array<i32>} : memref<640xf32, #tpu.memory_space<vmem>>, vector<16xf32>,
      %get3A_104 = vector.shape_cast %get3A_103 : vector<16xf32> to vector<16xf32>
      %get3A_105 = arith.constant 560 : index
      %get3A_106 = tpu.vector_load %arg7[%get3A_105] {strides = array<i32>} : memref<640xf32, #tpu.memory_space<vmem>>, vector<16xf32>,
      %get3A_107 = vector.shape_cast %get3A_106 : vector<16xf32> to vector<16xf32>
      %mul3A_108 = arith.mulf %get3A_95, %mul3A_22 : vector<16xf32>
      %mul3A_109 = arith.mulf %get3A_98, %get3A_16 : vector<16xf32>
      %add3A_110 = arith.addf %mul3A_108, %mul3A_109 : vector<16xf32>
      %mul3A_111 = arith.mulf %get3A_101, %mul3A_23 : vector<16xf32>
      %add3A_112 = arith.addf %add3A_110, %mul3A_111 : vector<16xf32>
      %mul3A_113 = arith.mulf %get3A_104, %get3A_21 : vector<16xf32>
      %add3A_114 = arith.addf %add3A_112, %mul3A_113 : vector<16xf32>
      %add3A_115 = arith.addf %add3A_114, %get3A_107 : vector<16xf32>
      %get3A_116 = arith.constant 64 : index
      %get3A_117 = tpu.vector_load %arg7[%get3A_116] {strides = array<i32>} : memref<640xf32, #tpu.memory_space<vmem>>, vector<16xf32>,
      %get3A_118 = vector.shape_cast %get3A_117 : vector<16xf32> to vector<16xf32>
      %get3A_119 = arith.constant 192 : index
      %get3A_120 = tpu.vector_load %arg7[%get3A_119] {strides = array<i32>} : memref<640xf32, #tpu.memory_space<vmem>>, vector<16xf32>,
      %get3A_121 = vector.shape_cast %get3A_120 : vector<16xf32> to vector<16xf32>
      %get3A_122 = arith.constant 320 : index
      %get3A_123 = tpu.vector_load %arg7[%get3A_122] {strides = array<i32>} : memref<640xf32, #tpu.memory_space<vmem>>, vector<16xf32>,
      %get3A_124 = vector.shape_cast %get3A_123 : vector<16xf32> to vector<16xf32>
      %get3A_125 = arith.constant 448 : index
      %get3A_126 = tpu.vector_load %arg7[%get3A_125] {strides = array<i32>} : memref<640xf32, #tpu.memory_space<vmem>>, vector<16xf32>,
      %get3A_127 = vector.shape_cast %get3A_126 : vector<16xf32> to vector<16xf32>
      %get3A_128 = arith.constant 576 : index
      %get3A_129 = tpu.vector_load %arg7[%get3A_128] {strides = array<i32>} : memref<640xf32, #tpu.memory_space<vmem>>, vector<16xf32>,
      %get3A_130 = vector.shape_cast %get3A_129 : vector<16xf32> to vector<16xf32>
      %mul3A_131 = arith.mulf %get3A_118, %mul3A_22 : vector<16xf32>
      %mul3A_132 = arith.mulf %get3A_121, %get3A_16 : vector<16xf32>
      %add3A_133 = arith.addf %mul3A_131, %mul3A_132 : vector<16xf32>
      %mul3A_134 = arith.mulf %get3A_124, %mul3A_23 : vector<16xf32>
      %add3A_135 = arith.addf %add3A_133, %mul3A_134 : vector<16xf32>
      %mul3A_136 = arith.mulf %get3A_127, %get3A_21 : vector<16xf32>
      %add3A_137 = arith.addf %add3A_135, %mul3A_136 : vector<16xf32>
      %add3A_138 = arith.addf %add3A_137, %get3A_130 : vector<16xf32>
      %get3A_139 = arith.constant 80 : index
      %get3A_140 = tpu.vector_load %arg7[%get3A_139] {strides = array<i32>} : memref<640xf32, #tpu.memory_space<vmem>>, vector<16xf32>,
      %get3A_141 = vector.shape_cast %get3A_140 : vector<16xf32> to vector<16xf32>
      %get3A_142 = arith.constant 208 : index
      %get3A_143 = tpu.vector_load %arg7[%get3A_142] {strides = array<i32>} : memref<640xf32, #tpu.memory_space<vmem>>, vector<16xf32>,
      %get3A_144 = vector.shape_cast %get3A_143 : vector<16xf32> to vector<16xf32>
      %get3A_145 = arith.constant 336 : index
      %get3A_146 = tpu.vector_load %arg7[%get3A_145] {strides = array<i32>} : memref<640xf32, #tpu.memory_space<vmem>>, vector<16xf32>,
      %get3A_147 = vector.shape_cast %get3A_146 : vector<16xf32> to vector<16xf32>
      %get3A_148 = arith.constant 464 : index
      %get3A_149 = tpu.vector_load %arg7[%get3A_148] {strides = array<i32>} : memref<640xf32, #tpu.memory_space<vmem>>, vector<16xf32>,
      %get3A_150 = vector.shape_cast %get3A_149 : vector<16xf32> to vector<16xf32>
      %get3A_151 = arith.constant 592 : index
      %get3A_152 = tpu.vector_load %arg7[%get3A_151] {strides = array<i32>} : memref<640xf32, #tpu.memory_space<vmem>>, vector<16xf32>,
      %get3A_153 = vector.shape_cast %get3A_152 : vector<16xf32> to vector<16xf32>
      %mul3A_154 = arith.mulf %get3A_141, %mul3A_22 : vector<16xf32>
      %mul3A_155 = arith.mulf %get3A_144, %get3A_16 : vector<16xf32>
      %add3A_156 = arith.addf %mul3A_154, %mul3A_155 : vector<16xf32>
      %mul3A_157 = arith.mulf %get3A_147, %mul3A_23 : vector<16xf32>
      %add3A_158 = arith.addf %add3A_156, %mul3A_157 : vector<16xf32>
      %mul3A_159 = arith.mulf %get3A_150, %get3A_21 : vector<16xf32>
      %add3A_160 = arith.addf %add3A_158, %mul3A_159 : vector<16xf32>
      %add3A_161 = arith.addf %add3A_160, %get3A_153 : vector<16xf32>
      %get3A_162 = arith.constant 96 : index
      %get3A_163 = tpu.vector_load %arg7[%get3A_162] {strides = array<i32>} : memref<640xf32, #tpu.memory_space<vmem>>, vector<16xf32>,
      %get3A_164 = vector.shape_cast %get3A_163 : vector<16xf32> to vector<16xf32>
      %get3A_165 = arith.constant 224 : index
      %get3A_166 = tpu.vector_load %arg7[%get3A_165] {strides = array<i32>} : memref<640xf32, #tpu.memory_space<vmem>>, vector<16xf32>,
      %get3A_167 = vector.shape_cast %get3A_166 : vector<16xf32> to vector<16xf32>
      %get3A_168 = arith.constant 352 : index
      %get3A_169 = tpu.vector_load %arg7[%get3A_168] {strides = array<i32>} : memref<640xf32, #tpu.memory_space<vmem>>, vector<16xf32>,
      %get3A_170 = vector.shape_cast %get3A_169 : vector<16xf32> to vector<16xf32>
      %get3A_171 = arith.constant 480 : index
      %get3A_172 = tpu.vector_load %arg7[%get3A_171] {strides = array<i32>} : memref<640xf32, #tpu.memory_space<vmem>>, vector<16xf32>,
      %get3A_173 = vector.shape_cast %get3A_172 : vector<16xf32> to vector<16xf32>
      %get3A_174 = arith.constant 608 : index
      %get3A_175 = tpu.vector_load %arg7[%get3A_174] {strides = array<i32>} : memref<640xf32, #tpu.memory_space<vmem>>, vector<16xf32>,
      %get3A_176 = vector.shape_cast %get3A_175 : vector<16xf32> to vector<16xf32>
      %mul3A_177 = arith.mulf %get3A_164, %mul3A_22 : vector<16xf32>
      %mul3A_178 = arith.mulf %get3A_167, %get3A_16 : vector<16xf32>
      %add3A_179 = arith.addf %mul3A_177, %mul3A_178 : vector<16xf32>
      %mul3A_180 = arith.mulf %get3A_170, %mul3A_23 : vector<16xf32>
      %add3A_181 = arith.addf %add3A_179, %mul3A_180 : vector<16xf32>
      %mul3A_182 = arith.mulf %get3A_173, %get3A_21 : vector<16xf32>
      %add3A_183 = arith.addf %add3A_181, %mul3A_182 : vector<16xf32>
      %add3A_184 = arith.addf %add3A_183, %get3A_176 : vector<16xf32>
      %get3A_185 = arith.constant 112 : index
      %get3A_186 = tpu.vector_load %arg7[%get3A_185] {strides = array<i32>} : memref<640xf32, #tpu.memory_space<vmem>>, vector<16xf32>,
      %get3A_187 = vector.shape_cast %get3A_186 : vector<16xf32> to vector<16xf32>
      %get3A_188 = arith.constant 240 : index
      %get3A_189 = tpu.vector_load %arg7[%get3A_188] {strides = array<i32>} : memref<640xf32, #tpu.memory_space<vmem>>, vector<16xf32>,
      %get3A_190 = vector.shape_cast %get3A_189 : vector<16xf32> to vector<16xf32>
      %get3A_191 = arith.constant 368 : index
      %get3A_192 = tpu.vector_load %arg7[%get3A_191] {strides = array<i32>} : memref<640xf32, #tpu.memory_space<vmem>>, vector<16xf32>,
      %get3A_193 = vector.shape_cast %get3A_192 : vector<16xf32> to vector<16xf32>
      %get3A_194 = arith.constant 496 : index
      %get3A_195 = tpu.vector_load %arg7[%get3A_194] {strides = array<i32>} : memref<640xf32, #tpu.memory_space<vmem>>, vector<16xf32>,
      %get3A_196 = vector.shape_cast %get3A_195 : vector<16xf32> to vector<16xf32>
      %get3A_197 = arith.constant 624 : index
      %get3A_198 = tpu.vector_load %arg7[%get3A_197] {strides = array<i32>} : memref<640xf32, #tpu.memory_space<vmem>>, vector<16xf32>,
      %get3A_199 = vector.shape_cast %get3A_198 : vector<16xf32> to vector<16xf32>
      %mul3A_200 = arith.mulf %get3A_187, %mul3A_22 : vector<16xf32>
      %mul3A_201 = arith.mulf %get3A_190, %get3A_16 : vector<16xf32>
      %add3A_202 = arith.addf %mul3A_200, %mul3A_201 : vector<16xf32>
      %mul3A_203 = arith.mulf %get3A_193, %mul3A_23 : vector<16xf32>
      %add3A_204 = arith.addf %add3A_202, %mul3A_203 : vector<16xf32>
      %mul3A_205 = arith.mulf %get3A_196, %get3A_21 : vector<16xf32>
      %add3A_206 = arith.addf %add3A_204, %mul3A_205 : vector<16xf32>
      %add3A_207 = arith.addf %add3A_206, %get3A_199 : vector<16xf32>
      %max3A = arith.maximumf %add3A_46, %add3A_69 : vector<16xf32>
      %max3A_208 = arith.maximumf %max3A, %add3A_92 : vector<16xf32>
      %max3A_209 = arith.maximumf %max3A_208, %add3A_115 : vector<16xf32>
      %max3A_210 = arith.maximumf %max3A_209, %add3A_138 : vector<16xf32>
      %max3A_211 = arith.maximumf %max3A_210, %add3A_161 : vector<16xf32>
      %max3A_212 = arith.maximumf %max3A_211, %add3A_184 : vector<16xf32>
      %max3A_213 = arith.maximumf %max3A_212, %add3A_207 : vector<16xf32>
      %sub3A = arith.subf %add3A_46, %max3A_213 : vector<16xf32>
      %exp3A = math.exp %sub3A : vector<16xf32>
      %sub3A_214 = arith.subf %add3A_69, %max3A_213 : vector<16xf32>
      %exp3A_215 = math.exp %sub3A_214 : vector<16xf32>
      %add3A_216 = arith.addf %exp3A, %exp3A_215 : vector<16xf32>
      %sub3A_217 = arith.subf %add3A_92, %max3A_213 : vector<16xf32>
      %exp3A_218 = math.exp %sub3A_217 : vector<16xf32>
      %add3A_219 = arith.addf %add3A_216, %exp3A_218 : vector<16xf32>
      %sub3A_220 = arith.subf %add3A_115, %max3A_213 : vector<16xf32>
      %exp3A_221 = math.exp %sub3A_220 : vector<16xf32>
      %add3A_222 = arith.addf %add3A_219, %exp3A_221 : vector<16xf32>
      %sub3A_223 = arith.subf %add3A_138, %max3A_213 : vector<16xf32>
      %exp3A_224 = math.exp %sub3A_223 : vector<16xf32>
      %add3A_225 = arith.addf %add3A_222, %exp3A_224 : vector<16xf32>
      %sub3A_226 = arith.subf %add3A_161, %max3A_213 : vector<16xf32>
      %exp3A_227 = math.exp %sub3A_226 : vector<16xf32>
      %add3A_228 = arith.addf %add3A_225, %exp3A_227 : vector<16xf32>
      %sub3A_229 = arith.subf %add3A_184, %max3A_213 : vector<16xf32>
      %exp3A_230 = math.exp %sub3A_229 : vector<16xf32>
      %add3A_231 = arith.addf %add3A_228, %exp3A_230 : vector<16xf32>
      %sub3A_232 = arith.subf %add3A_207, %max3A_213 : vector<16xf32>
      %exp3A_233 = math.exp %sub3A_232 : vector<16xf32>
      %add3A_234 = arith.addf %add3A_231, %exp3A_233 : vector<16xf32>
      %broadcast_in_dim3A = arith.constant 2.74911348E-4 : f32
      %broadcast_in_dim3A_235 = vector.broadcast %broadcast_in_dim3A : f32 to vector<16xf32>
      %mul3A_236 = arith.mulf %broadcast_in_dim3A_235, %add3A_234 : vector<16xf32>
      %add3A_237 = arith.constant -0.00745184952 : f32
      %add3A_238 = vector.broadcast %add3A_237 : f32 to vector<16xf32>
      %add3A_239 = arith.addf %mul3A_236, %add3A_238 : vector<16xf32>
      %mul3A_240 = arith.mulf %add3A_239, %add3A_234 : vector<16xf32>
      %add3A_241 = arith.constant 0.0809587761 : f32
      %add3A_242 = vector.broadcast %add3A_241 : f32 to vector<16xf32>
      %add3A_243 = arith.addf %mul3A_240, %add3A_242 : vector<16xf32>
      %mul3A_244 = arith.mulf %add3A_243, %add3A_234 : vector<16xf32>
      %add3A_245 = arith.constant -0.459472507 : f32
      %add3A_246 = vector.broadcast %add3A_245 : f32 to vector<16xf32>
      %add3A_247 = arith.addf %mul3A_244, %add3A_246 : vector<16xf32>
      %mul3A_248 = arith.mulf %add3A_247, %add3A_234 : vector<16xf32>
      %add3A_249 = arith.constant 1.5935533 : f32
      %add3A_250 = vector.broadcast %add3A_249 : f32 to vector<16xf32>
      %add3A_251 = arith.addf %mul3A_248, %add3A_250 : vector<16xf32>
      %mul3A_252 = arith.mulf %add3A_251, %add3A_234 : vector<16xf32>
      %add3A_253 = arith.constant -1.19364631 : f32
      %add3A_254 = vector.broadcast %add3A_253 : f32 to vector<16xf32>
      %add3A_255 = arith.addf %mul3A_252, %add3A_254 : vector<16xf32>
      %neg3A = arith.constant 0.000000e+00 : f32
      %neg3A_256 = vector.broadcast %neg3A : f32 to vector<16xf32>
      %neg3A_257 = arith.subf %neg3A_256, %add3A_255 : vector<16xf32>
      %exp3A_258 = math.exp %neg3A_257 : vector<16xf32>
      %mul3A_259 = arith.mulf %add3A_234, %exp3A_258 : vector<16xf32>
      %add3A_260 = arith.addf %add3A_255, %mul3A_259 : vector<16xf32>
      %sub3A_261 = arith.constant 1.000000e+00 : f32
      %sub3A_262 = vector.broadcast %sub3A_261 : f32 to vector<16xf32>
      %sub3A_263 = arith.subf %add3A_260, %sub3A_262 : vector<16xf32>
      %neg3A_264 = arith.constant 0.000000e+00 : f32
      %neg3A_265 = vector.broadcast %neg3A_264 : f32 to vector<16xf32>
      %neg3A_266 = arith.subf %neg3A_265, %sub3A_263 : vector<16xf32>
      %exp3A_267 = math.exp %neg3A_266 : vector<16xf32>
      %mul3A_268 = arith.mulf %add3A_234, %exp3A_267 : vector<16xf32>
      %add3A_269 = arith.addf %sub3A_263, %mul3A_268 : vector<16xf32>
      %sub3A_270 = arith.constant 1.000000e+00 : f32
      %sub3A_271 = vector.broadcast %sub3A_270 : f32 to vector<16xf32>
      %sub3A_272 = arith.subf %add3A_269, %sub3A_271 : vector<16xf32>
      %add3A_273 = arith.addf %max3A_213, %sub3A_272 : vector<16xf32>
      %mul3A_274 = arith.constant 128 : i32
      %mul3A_275 = arith.muli %scan3A_10, %mul3A_274 : i32
      %add3A_276 = arith.constant 0 : i32
      %add3A_277 = arith.addi %mul3A_275, %add3A_276 : i32
      %swap3A = arith.index_cast %add3A_277 : i32 to index
      %swap3A_278 = tpu.vector_load %arg6[%swap3A] {strides = array<i32>} : memref<32768xf32, #tpu.memory_space<vmem>>, vector<16xf32>,
      %swap3A_279 = vector.shape_cast %swap3A_278 : vector<16xf32> to vector<16xf32>
      %swap3A_280 = vector.shape_cast %add3A_273 : vector<16xf32> to vector<16xf32>
      tpu.vector_store %arg6[%swap3A], %swap3A_280 {strides = array<i32>} : memref<32768xf32, #tpu.memory_space<vmem>>, vector<16xf32>,
      %mul3A_281 = arith.constant 256 : i32
      %mul3A_282 = arith.muli %scan3A_10, %mul3A_281 : i32
      %add3A_283 = arith.constant 16 : i32
      %add3A_284 = arith.addi %mul3A_282, %add3A_283 : i32
      %get3A_285 = arith.index_cast %add3A_284 : i32 to index
      %get3A_286 = tpu.vector_load %arg5[%get3A_285] {strides = array<i32>} : memref<65536xf32, #tpu.memory_space<vmem>>, vector<16xf32>,
      %get3A_287 = vector.shape_cast %get3A_286 : vector<16xf32> to vector<16xf32>
      %add3A_288 = arith.constant 128 : i32
      %add3A_289 = arith.addi %add3A_284, %add3A_288 : i32
      %get3A_290 = arith.index_cast %add3A_289 : i32 to index
      %get3A_291 = tpu.vector_load %arg5[%get3A_290] {strides = array<i32>} : memref<65536xf32, #tpu.memory_space<vmem>>, vector<16xf32>,
      %get3A_292 = vector.shape_cast %get3A_291 : vector<16xf32> to vector<16xf32>
      %mul3A_293 = arith.mulf %get3A_287, %get3A_287 : vector<16xf32>
      %mul3A_294 = arith.mulf %get3A_292, %get3A_292 : vector<16xf32>
      %get3A_295 = arith.constant 0 : index
      %get3A_296 = tpu.vector_load %arg7[%get3A_295] {strides = array<i32>} : memref<640xf32, #tpu.memory_space<vmem>>, vector<16xf32>,
      %get3A_297 = vector.shape_cast %get3A_296 : vector<16xf32> to vector<16xf32>
      %get3A_298 = arith.constant 128 : index
      %get3A_299 = tpu.vector_load %arg7[%get3A_298] {strides = array<i32>} : memref<640xf32, #tpu.memory_space<vmem>>, vector<16xf32>,
      %get3A_300 = vector.shape_cast %get3A_299 : vector<16xf32> to vector<16xf32>
      %get3A_301 = arith.constant 256 : index
      %get3A_302 = tpu.vector_load %arg7[%get3A_301] {strides = array<i32>} : memref<640xf32, #tpu.memory_space<vmem>>, vector<16xf32>,
      %get3A_303 = vector.shape_cast %get3A_302 : vector<16xf32> to vector<16xf32>
      %get3A_304 = arith.constant 384 : index
      %get3A_305 = tpu.vector_load %arg7[%get3A_304] {strides = array<i32>} : memref<640xf32, #tpu.memory_space<vmem>>, vector<16xf32>,
      %get3A_306 = vector.shape_cast %get3A_305 : vector<16xf32> to vector<16xf32>
      %get3A_307 = arith.constant 512 : index
      %get3A_308 = tpu.vector_load %arg7[%get3A_307] {strides = array<i32>} : memref<640xf32, #tpu.memory_space<vmem>>, vector<16xf32>,
      %get3A_309 = vector.shape_cast %get3A_308 : vector<16xf32> to vector<16xf32>
      %mul3A_310 = arith.mulf %get3A_297, %mul3A_293 : vector<16xf32>
      %mul3A_311 = arith.mulf %get3A_300, %get3A_287 : vector<16xf32>
      %add3A_312 = arith.addf %mul3A_310, %mul3A_311 : vector<16xf32>
      %mul3A_313 = arith.mulf %get3A_303, %mul3A_294 : vector<16xf32>
      %add3A_314 = arith.addf %add3A_312, %mul3A_313 : vector<16xf32>
      %mul3A_315 = arith.mulf %get3A_306, %get3A_292 : vector<16xf32>
      %add3A_316 = arith.addf %add3A_314, %mul3A_315 : vector<16xf32>
      %add3A_317 = arith.addf %add3A_316, %get3A_309 : vector<16xf32>
      %get3A_318 = arith.constant 16 : index
      %get3A_319 = tpu.vector_load %arg7[%get3A_318] {strides = array<i32>} : memref<640xf32, #tpu.memory_space<vmem>>, vector<16xf32>,
      %get3A_320 = vector.shape_cast %get3A_319 : vector<16xf32> to vector<16xf32>
      %get3A_321 = arith.constant 144 : index
      %get3A_322 = tpu.vector_load %arg7[%get3A_321] {strides = array<i32>} : memref<640xf32, #tpu.memory_space<vmem>>, vector<16xf32>,
      %get3A_323 = vector.shape_cast %get3A_322 : vector<16xf32> to vector<16xf32>
      %get3A_324 = arith.constant 272 : index
      %get3A_325 = tpu.vector_load %arg7[%get3A_324] {strides = array<i32>} : memref<640xf32, #tpu.memory_space<vmem>>, vector<16xf32>,
      %get3A_326 = vector.shape_cast %get3A_325 : vector<16xf32> to vector<16xf32>
      %get3A_327 = arith.constant 400 : index
      %get3A_328 = tpu.vector_load %arg7[%get3A_327] {strides = array<i32>} : memref<640xf32, #tpu.memory_space<vmem>>, vector<16xf32>,
      %get3A_329 = vector.shape_cast %get3A_328 : vector<16xf32> to vector<16xf32>
      %get3A_330 = arith.constant 528 : index
      %get3A_331 = tpu.vector_load %arg7[%get3A_330] {strides = array<i32>} : memref<640xf32, #tpu.memory_space<vmem>>, vector<16xf32>,
      %get3A_332 = vector.shape_cast %get3A_331 : vector<16xf32> to vector<16xf32>
      %mul3A_333 = arith.mulf %get3A_320, %mul3A_293 : vector<16xf32>
      %mul3A_334 = arith.mulf %get3A_323, %get3A_287 : vector<16xf32>
      %add3A_335 = arith.addf %mul3A_333, %mul3A_334 : vector<16xf32>
      %mul3A_336 = arith.mulf %get3A_326, %mul3A_294 : vector<16xf32>
      %add3A_337 = arith.addf %add3A_335, %mul3A_336 : vector<16xf32>
      %mul3A_338 = arith.mulf %get3A_329, %get3A_292 : vector<16xf32>
      %add3A_339 = arith.addf %add3A_337, %mul3A_338 : vector<16xf32>
      %add3A_340 = arith.addf %add3A_339, %get3A_332 : vector<16xf32>
      %get3A_341 = arith.constant 32 : index
      %get3A_342 = tpu.vector_load %arg7[%get3A_341] {strides = array<i32>} : memref<640xf32, #tpu.memory_space<vmem>>, vector<16xf32>,
      %get3A_343 = vector.shape_cast %get3A_342 : vector<16xf32> to vector<16xf32>
      %get3A_344 = arith.constant 160 : index
      %get3A_345 = tpu.vector_load %arg7[%get3A_344] {strides = array<i32>} : memref<640xf32, #tpu.memory_space<vmem>>, vector<16xf32>,
      %get3A_346 = vector.shape_cast %get3A_345 : vector<16xf32> to vector<16xf32>
      %get3A_347 = arith.constant 288 : index
      %get3A_348 = tpu.vector_load %arg7[%get3A_347] {strides = array<i32>} : memref<640xf32, #tpu.memory_space<vmem>>, vector<16xf32>,
      %get3A_349 = vector.shape_cast %get3A_348 : vector<16xf32> to vector<16xf32>
      %get3A_350 = arith.constant 416 : index
      %get3A_351 = tpu.vector_load %arg7[%get3A_350] {strides = array<i32>} : memref<640xf32, #tpu.memory_space<vmem>>, vector<16xf32>,
      %get3A_352 = vector.shape_cast %get3A_351 : vector<16xf32> to vector<16xf32>
      %get3A_353 = arith.constant 544 : index
      %get3A_354 = tpu.vector_load %arg7[%get3A_353] {strides = array<i32>} : memref<640xf32, #tpu.memory_space<vmem>>, vector<16xf32>,
      %get3A_355 = vector.shape_cast %get3A_354 : vector<16xf32> to vector<16xf32>
      %mul3A_356 = arith.mulf %get3A_343, %mul3A_293 : vector<16xf32>
      %mul3A_357 = arith.mulf %get3A_346, %get3A_287 : vector<16xf32>
      %add3A_358 = arith.addf %mul3A_356, %mul3A_357 : vector<16xf32>
      %mul3A_359 = arith.mulf %get3A_349, %mul3A_294 : vector<16xf32>
      %add3A_360 = arith.addf %add3A_358, %mul3A_359 : vector<16xf32>
      %mul3A_361 = arith.mulf %get3A_352, %get3A_292 : vector<16xf32>
      %add3A_362 = arith.addf %add3A_360, %mul3A_361 : vector<16xf32>
      %add3A_363 = arith.addf %add3A_362, %get3A_355 : vector<16xf32>
      %get3A_364 = arith.constant 48 : index
      %get3A_365 = tpu.vector_load %arg7[%get3A_364] {strides = array<i32>} : memref<640xf32, #tpu.memory_space<vmem>>, vector<16xf32>,
      %get3A_366 = vector.shape_cast %get3A_365 : vector<16xf32> to vector<16xf32>
      %get3A_367 = arith.constant 176 : index
      %get3A_368 = tpu.vector_load %arg7[%get3A_367] {strides = array<i32>} : memref<640xf32, #tpu.memory_space<vmem>>, vector<16xf32>,
      %get3A_369 = vector.shape_cast %get3A_368 : vector<16xf32> to vector<16xf32>
      %get3A_370 = arith.constant 304 : index
      %get3A_371 = tpu.vector_load %arg7[%get3A_370] {strides = array<i32>} : memref<640xf32, #tpu.memory_space<vmem>>, vector<16xf32>,
      %get3A_372 = vector.shape_cast %get3A_371 : vector<16xf32> to vector<16xf32>
      %get3A_373 = arith.constant 432 : index
      %get3A_374 = tpu.vector_load %arg7[%get3A_373] {strides = array<i32>} : memref<640xf32, #tpu.memory_space<vmem>>, vector<16xf32>,
      %get3A_375 = vector.shape_cast %get3A_374 : vector<16xf32> to vector<16xf32>
      %get3A_376 = arith.constant 560 : index
      %get3A_377 = tpu.vector_load %arg7[%get3A_376] {strides = array<i32>} : memref<640xf32, #tpu.memory_space<vmem>>, vector<16xf32>,
      %get3A_378 = vector.shape_cast %get3A_377 : vector<16xf32> to vector<16xf32>
      %mul3A_379 = arith.mulf %get3A_366, %mul3A_293 : vector<16xf32>
      %mul3A_380 = arith.mulf %get3A_369, %get3A_287 : vector<16xf32>
      %add3A_381 = arith.addf %mul3A_379, %mul3A_380 : vector<16xf32>
      %mul3A_382 = arith.mulf %get3A_372, %mul3A_294 : vector<16xf32>
      %add3A_383 = arith.addf %add3A_381, %mul3A_382 : vector<16xf32>
      %mul3A_384 = arith.mulf %get3A_375, %get3A_292 : vector<16xf32>
      %add3A_385 = arith.addf %add3A_383, %mul3A_384 : vector<16xf32>
      %add3A_386 = arith.addf %add3A_385, %get3A_378 : vector<16xf32>
      %get3A_387 = arith.constant 64 : index
      %get3A_388 = tpu.vector_load %arg7[%get3A_387] {strides = array<i32>} : memref<640xf32, #tpu.memory_space<vmem>>, vector<16xf32>,
      %get3A_389 = vector.shape_cast %get3A_388 : vector<16xf32> to vector<16xf32>
      %get3A_390 = arith.constant 192 : index
      %get3A_391 = tpu.vector_load %arg7[%get3A_390] {strides = array<i32>} : memref<640xf32, #tpu.memory_space<vmem>>, vector<16xf32>,
      %get3A_392 = vector.shape_cast %get3A_391 : vector<16xf32> to vector<16xf32>
      %get3A_393 = arith.constant 320 : index
      %get3A_394 = tpu.vector_load %arg7[%get3A_393] {strides = array<i32>} : memref<640xf32, #tpu.memory_space<vmem>>, vector<16xf32>,
      %get3A_395 = vector.shape_cast %get3A_394 : vector<16xf32> to vector<16xf32>
      %get3A_396 = arith.constant 448 : index
      %get3A_397 = tpu.vector_load %arg7[%get3A_396] {strides = array<i32>} : memref<640xf32, #tpu.memory_space<vmem>>, vector<16xf32>,
      %get3A_398 = vector.shape_cast %get3A_397 : vector<16xf32> to vector<16xf32>
      %get3A_399 = arith.constant 576 : index
      %get3A_400 = tpu.vector_load %arg7[%get3A_399] {strides = array<i32>} : memref<640xf32, #tpu.memory_space<vmem>>, vector<16xf32>,
      %get3A_401 = vector.shape_cast %get3A_400 : vector<16xf32> to vector<16xf32>
      %mul3A_402 = arith.mulf %get3A_389, %mul3A_293 : vector<16xf32>
      %mul3A_403 = arith.mulf %get3A_392, %get3A_287 : vector<16xf32>
      %add3A_404 = arith.addf %mul3A_402, %mul3A_403 : vector<16xf32>
      %mul3A_405 = arith.mulf %get3A_395, %mul3A_294 : vector<16xf32>
      %add3A_406 = arith.addf %add3A_404, %mul3A_405 : vector<16xf32>
      %mul3A_407 = arith.mulf %get3A_398, %get3A_292 : vector<16xf32>
      %add3A_408 = arith.addf %add3A_406, %mul3A_407 : vector<16xf32>
      %add3A_409 = arith.addf %add3A_408, %get3A_401 : vector<16xf32>
      %get3A_410 = arith.constant 80 : index
      %get3A_411 = tpu.vector_load %arg7[%get3A_410] {strides = array<i32>} : memref<640xf32, #tpu.memory_space<vmem>>, vector<16xf32>,
      %get3A_412 = vector.shape_cast %get3A_411 : vector<16xf32> to vector<16xf32>
      %get3A_413 = arith.constant 208 : index
      %get3A_414 = tpu.vector_load %arg7[%get3A_413] {strides = array<i32>} : memref<640xf32, #tpu.memory_space<vmem>>, vector<16xf32>,
      %get3A_415 = vector.shape_cast %get3A_414 : vector<16xf32> to vector<16xf32>
      %get3A_416 = arith.constant 336 : index
      %get3A_417 = tpu.vector_load %arg7[%get3A_416] {strides = array<i32>} : memref<640xf32, #tpu.memory_space<vmem>>, vector<16xf32>,
      %get3A_418 = vector.shape_cast %get3A_417 : vector<16xf32> to vector<16xf32>
      %get3A_419 = arith.constant 464 : index
      %get3A_420 = tpu.vector_load %arg7[%get3A_419] {strides = array<i32>} : memref<640xf32, #tpu.memory_space<vmem>>, vector<16xf32>,
      %get3A_421 = vector.shape_cast %get3A_420 : vector<16xf32> to vector<16xf32>
      %get3A_422 = arith.constant 592 : index
      %get3A_423 = tpu.vector_load %arg7[%get3A_422] {strides = array<i32>} : memref<640xf32, #tpu.memory_space<vmem>>, vector<16xf32>,
      %get3A_424 = vector.shape_cast %get3A_423 : vector<16xf32> to vector<16xf32>
      %mul3A_425 = arith.mulf %get3A_412, %mul3A_293 : vector<16xf32>
      %mul3A_426 = arith.mulf %get3A_415, %get3A_287 : vector<16xf32>
      %add3A_427 = arith.addf %mul3A_425, %mul3A_426 : vector<16xf32>
      %mul3A_428 = arith.mulf %get3A_418, %mul3A_294 : vector<16xf32>
      %add3A_429 = arith.addf %add3A_427, %mul3A_428 : vector<16xf32>
      %mul3A_430 = arith.mulf %get3A_421, %get3A_292 : vector<16xf32>
      %add3A_431 = arith.addf %add3A_429, %mul3A_430 : vector<16xf32>
      %add3A_432 = arith.addf %add3A_431, %get3A_424 : vector<16xf32>
      %get3A_433 = arith.constant 96 : index
      %get3A_434 = tpu.vector_load %arg7[%get3A_433] {strides = array<i32>} : memref<640xf32, #tpu.memory_space<vmem>>, vector<16xf32>,
      %get3A_435 = vector.shape_cast %get3A_434 : vector<16xf32> to vector<16xf32>
      %get3A_436 = arith.constant 224 : index
      %get3A_437 = tpu.vector_load %arg7[%get3A_436] {strides = array<i32>} : memref<640xf32, #tpu.memory_space<vmem>>, vector<16xf32>,
      %get3A_438 = vector.shape_cast %get3A_437 : vector<16xf32> to vector<16xf32>
      %get3A_439 = arith.constant 352 : index
      %get3A_440 = tpu.vector_load %arg7[%get3A_439] {strides = array<i32>} : memref<640xf32, #tpu.memory_space<vmem>>, vector<16xf32>,
      %get3A_441 = vector.shape_cast %get3A_440 : vector<16xf32> to vector<16xf32>
      %get3A_442 = arith.constant 480 : index
      %get3A_443 = tpu.vector_load %arg7[%get3A_442] {strides = array<i32>} : memref<640xf32, #tpu.memory_space<vmem>>, vector<16xf32>,
      %get3A_444 = vector.shape_cast %get3A_443 : vector<16xf32> to vector<16xf32>
      %get3A_445 = arith.constant 608 : index
      %get3A_446 = tpu.vector_load %arg7[%get3A_445] {strides = array<i32>} : memref<640xf32, #tpu.memory_space<vmem>>, vector<16xf32>,
      %get3A_447 = vector.shape_cast %get3A_446 : vector<16xf32> to vector<16xf32>
      %mul3A_448 = arith.mulf %get3A_435, %mul3A_293 : vector<16xf32>
      %mul3A_449 = arith.mulf %get3A_438, %get3A_287 : vector<16xf32>
      %add3A_450 = arith.addf %mul3A_448, %mul3A_449 : vector<16xf32>
      %mul3A_451 = arith.mulf %get3A_441, %mul3A_294 : vector<16xf32>
      %add3A_452 = arith.addf %add3A_450, %mul3A_451 : vector<16xf32>
      %mul3A_453 = arith.mulf %get3A_444, %get3A_292 : vector<16xf32>
      %add3A_454 = arith.addf %add3A_452, %mul3A_453 : vector<16xf32>
      %add3A_455 = arith.addf %add3A_454, %get3A_447 : vector<16xf32>
      %get3A_456 = arith.constant 112 : index
      %get3A_457 = tpu.vector_load %arg7[%get3A_456] {strides = array<i32>} : memref<640xf32, #tpu.memory_space<vmem>>, vector<16xf32>,
      %get3A_458 = vector.shape_cast %get3A_457 : vector<16xf32> to vector<16xf32>
      %get3A_459 = arith.constant 240 : index
      %get3A_460 = tpu.vector_load %arg7[%get3A_459] {strides = array<i32>} : memref<640xf32, #tpu.memory_space<vmem>>, vector<16xf32>,
      %get3A_461 = vector.shape_cast %get3A_460 : vector<16xf32> to vector<16xf32>
      %get3A_462 = arith.constant 368 : index
      %get3A_463 = tpu.vector_load %arg7[%get3A_462] {strides = array<i32>} : memref<640xf32, #tpu.memory_space<vmem>>, vector<16xf32>,
      %get3A_464 = vector.shape_cast %get3A_463 : vector<16xf32> to vector<16xf32>
      %get3A_465 = arith.constant 496 : index
      %get3A_466 = tpu.vector_load %arg7[%get3A_465] {strides = array<i32>} : memref<640xf32, #tpu.memory_space<vmem>>, vector<16xf32>,
      %get3A_467 = vector.shape_cast %get3A_466 : vector<16xf32> to vector<16xf32>
      %get3A_468 = arith.constant 624 : index
      %get3A_469 = tpu.vector_load %arg7[%get3A_468] {strides = array<i32>} : memref<640xf32, #tpu.memory_space<vmem>>, vector<16xf32>,
      %get3A_470 = vector.shape_cast %get3A_469 : vector<16xf32> to vector<16xf32>
      %mul3A_471 = arith.mulf %get3A_458, %mul3A_293 : vector<16xf32>
      %mul3A_472 = arith.mulf %get3A_461, %get3A_287 : vector<16xf32>
      %add3A_473 = arith.addf %mul3A_471, %mul3A_472 : vector<16xf32>
      %mul3A_474 = arith.mulf %get3A_464, %mul3A_294 : vector<16xf32>
      %add3A_475 = arith.addf %add3A_473, %mul3A_474 : vector<16xf32>
      %mul3A_476 = arith.mulf %get3A_467, %get3A_292 : vector<16xf32>
      %add3A_477 = arith.addf %add3A_475, %mul3A_476 : vector<16xf32>
      %add3A_478 = arith.addf %add3A_477, %get3A_470 : vector<16xf32>
      %max3A_479 = arith.maximumf %add3A_317, %add3A_340 : vector<16xf32>
      %max3A_480 = arith.maximumf %max3A_479, %add3A_363 : vector<16xf32>
      %max3A_481 = arith.maximumf %max3A_480, %add3A_386 : vector<16xf32>
      %max3A_482 = arith.maximumf %max3A_481, %add3A_409 : vector<16xf32>
      %max3A_483 = arith.maximumf %max3A_482, %add3A_432 : vector<16xf32>
      %max3A_484 = arith.maximumf %max3A_483, %add3A_455 : vector<16xf32>
      %max3A_485 = arith.maximumf %max3A_484, %add3A_478 : vector<16xf32>
      %sub3A_486 = arith.subf %add3A_317, %max3A_485 : vector<16xf32>
      %exp3A_487 = math.exp %sub3A_486 : vector<16xf32>
      %sub3A_488 = arith.subf %add3A_340, %max3A_485 : vector<16xf32>
      %exp3A_489 = math.exp %sub3A_488 : vector<16xf32>
      %add3A_490 = arith.addf %exp3A_487, %exp3A_489 : vector<16xf32>
      %sub3A_491 = arith.subf %add3A_363, %max3A_485 : vector<16xf32>
      %exp3A_492 = math.exp %sub3A_491 : vector<16xf32>
      %add3A_493 = arith.addf %add3A_490, %exp3A_492 : vector<16xf32>
      %sub3A_494 = arith.subf %add3A_386, %max3A_485 : vector<16xf32>
      %exp3A_495 = math.exp %sub3A_494 : vector<16xf32>
      %add3A_496 = arith.addf %add3A_493, %exp3A_495 : vector<16xf32>
      %sub3A_497 = arith.subf %add3A_409, %max3A_485 : vector<16xf32>
      %exp3A_498 = math.exp %sub3A_497 : vector<16xf32>
      %add3A_499 = arith.addf %add3A_496, %exp3A_498 : vector<16xf32>
      %sub3A_500 = arith.subf %add3A_432, %max3A_485 : vector<16xf32>
      %exp3A_501 = math.exp %sub3A_500 : vector<16xf32>
      %add3A_502 = arith.addf %add3A_499, %exp3A_501 : vector<16xf32>
      %sub3A_503 = arith.subf %add3A_455, %max3A_485 : vector<16xf32>
      %exp3A_504 = math.exp %sub3A_503 : vector<16xf32>
      %add3A_505 = arith.addf %add3A_502, %exp3A_504 : vector<16xf32>
      %sub3A_506 = arith.subf %add3A_478, %max3A_485 : vector<16xf32>
      %exp3A_507 = math.exp %sub3A_506 : vector<16xf32>
      %add3A_508 = arith.addf %add3A_505, %exp3A_507 : vector<16xf32>
      %broadcast_in_dim3A_509 = arith.constant 2.74911348E-4 : f32
      %broadcast_in_dim3A_510 = vector.broadcast %broadcast_in_dim3A_509 : f32 to vector<16xf32>
      %mul3A_511 = arith.mulf %broadcast_in_dim3A_510, %add3A_508 : vector<16xf32>
      %add3A_512 = arith.constant -0.00745184952 : f32
      %add3A_513 = vector.broadcast %add3A_512 : f32 to vector<16xf32>
      %add3A_514 = arith.addf %mul3A_511, %add3A_513 : vector<16xf32>
      %mul3A_515 = arith.mulf %add3A_514, %add3A_508 : vector<16xf32>
      %add3A_516 = arith.constant 0.0809587761 : f32
      %add3A_517 = vector.broadcast %add3A_516 : f32 to vector<16xf32>
      %add3A_518 = arith.addf %mul3A_515, %add3A_517 : vector<16xf32>
      %mul3A_519 = arith.mulf %add3A_518, %add3A_508 : vector<16xf32>
      %add3A_520 = arith.constant -0.459472507 : f32
      %add3A_521 = vector.broadcast %add3A_520 : f32 to vector<16xf32>
      %add3A_522 = arith.addf %mul3A_519, %add3A_521 : vector<16xf32>
      %mul3A_523 = arith.mulf %add3A_522, %add3A_508 : vector<16xf32>
      %add3A_524 = arith.constant 1.5935533 : f32
      %add3A_525 = vector.broadcast %add3A_524 : f32 to vector<16xf32>
      %add3A_526 = arith.addf %mul3A_523, %add3A_525 : vector<16xf32>
      %mul3A_527 = arith.mulf %add3A_526, %add3A_508 : vector<16xf32>
      %add3A_528 = arith.constant -1.19364631 : f32
      %add3A_529 = vector.broadcast %add3A_528 : f32 to vector<16xf32>
      %add3A_530 = arith.addf %mul3A_527, %add3A_529 : vector<16xf32>
      %neg3A_531 = arith.constant 0.000000e+00 : f32
      %neg3A_532 = vector.broadcast %neg3A_531 : f32 to vector<16xf32>
      %neg3A_533 = arith.subf %neg3A_532, %add3A_530 : vector<16xf32>
      %exp3A_534 = math.exp %neg3A_533 : vector<16xf32>
      %mul3A_535 = arith.mulf %add3A_508, %exp3A_534 : vector<16xf32>
      %add3A_536 = arith.addf %add3A_530, %mul3A_535 : vector<16xf32>
      %sub3A_537 = arith.constant 1.000000e+00 : f32
      %sub3A_538 = vector.broadcast %sub3A_537 : f32 to vector<16xf32>
      %sub3A_539 = arith.subf %add3A_536, %sub3A_538 : vector<16xf32>
      %neg3A_540 = arith.constant 0.000000e+00 : f32
      %neg3A_541 = vector.broadcast %neg3A_540 : f32 to vector<16xf32>
      %neg3A_542 = arith.subf %neg3A_541, %sub3A_539 : vector<16xf32>
      %exp3A_543 = math.exp %neg3A_542 : vector<16xf32>
      %mul3A_544 = arith.mulf %add3A_508, %exp3A_543 : vector<16xf32>
      %add3A_545 = arith.addf %sub3A_539, %mul3A_544 : vector<16xf32>
      %sub3A_546 = arith.constant 1.000000e+00 : f32
      %sub3A_547 = vector.broadcast %sub3A_546 : f32 to vector<16xf32>
      %sub3A_548 = arith.subf %add3A_545, %sub3A_547 : vector<16xf32>
      %add3A_549 = arith.addf %max3A_485, %sub3A_548 : vector<16xf32>
      %mul3A_550 = arith.constant 128 : i32
      %mul3A_551 = arith.muli %scan3A_10, %mul3A_550 : i32
      %add3A_552 = arith.constant 16 : i32
      %add3A_553 = arith.addi %mul3A_551, %add3A_552 : i32
      %swap3A_554 = arith.index_cast %add3A_553 : i32 to index
      %swap3A_555 = tpu.vector_load %arg6[%swap3A_554] {strides = array<i32>} : memref<32768xf32, #tpu.memory_space<vmem>>, vector<16xf32>,
      %swap3A_556 = vector.shape_cast %swap3A_555 : vector<16xf32> to vector<16xf32>
      %swap3A_557 = vector.shape_cast %add3A_549 : vector<16xf32> to vector<16xf32>
      tpu.vector_store %arg6[%swap3A_554], %swap3A_557 {strides = array<i32>} : memref<32768xf32, #tpu.memory_space<vmem>>, vector<16xf32>,
      %mul3A_558 = arith.constant 256 : i32
      %mul3A_559 = arith.muli %scan3A_10, %mul3A_558 : i32
      %add3A_560 = arith.constant 32 : i32
      %add3A_561 = arith.addi %mul3A_559, %add3A_560 : i32
      %get3A_562 = arith.index_cast %add3A_561 : i32 to index
      %get3A_563 = tpu.vector_load %arg5[%get3A_562] {strides = array<i32>} : memref<65536xf32, #tpu.memory_space<vmem>>, vector<16xf32>,
      %get3A_564 = vector.shape_cast %get3A_563 : vector<16xf32> to vector<16xf32>
      %add3A_565 = arith.constant 128 : i32
      %add3A_566 = arith.addi %add3A_561, %add3A_565 : i32
      %get3A_567 = arith.index_cast %add3A_566 : i32 to index
      %get3A_568 = tpu.vector_load %arg5[%get3A_567] {strides = array<i32>} : memref<65536xf32, #tpu.memory_space<vmem>>, vector<16xf32>,
      %get3A_569 = vector.shape_cast %get3A_568 : vector<16xf32> to vector<16xf32>
      %mul3A_570 = arith.mulf %get3A_564, %get3A_564 : vector<16xf32>
      %mul3A_571 = arith.mulf %get3A_569, %get3A_569 : vector<16xf32>
      %get3A_572 = arith.constant 0 : index
      %get3A_573 = tpu.vector_load %arg7[%get3A_572] {strides = array<i32>} : memref<640xf32, #tpu.memory_space<vmem>>, vector<16xf32>,
      %get3A_574 = vector.shape_cast %get3A_573 : vector<16xf32> to vector<16xf32>
      %get3A_575 = arith.constant 128 : index
      %get3A_576 = tpu.vector_load %arg7[%get3A_575] {strides = array<i32>} : memref<640xf32, #tpu.memory_space<vmem>>, vector<16xf32>,
      %get3A_577 = vector.shape_cast %get3A_576 : vector<16xf32> to vector<16xf32>
      %get3A_578 = arith.constant 256 : index
      %get3A_579 = tpu.vector_load %arg7[%get3A_578] {strides = array<i32>} : memref<640xf32, #tpu.memory_space<vmem>>, vector<16xf32>,
      %get3A_580 = vector.shape_cast %get3A_579 : vector<16xf32> to vector<16xf32>
      %get3A_581 = arith.constant 384 : index
      %get3A_582 = tpu.vector_load %arg7[%get3A_581] {strides = array<i32>} : memref<640xf32, #tpu.memory_space<vmem>>, vector<16xf32>,
      %get3A_583 = vector.shape_cast %get3A_582 : vector<16xf32> to vector<16xf32>
      %get3A_584 = arith.constant 512 : index
      %get3A_585 = tpu.vector_load %arg7[%get3A_584] {strides = array<i32>} : memref<640xf32, #tpu.memory_space<vmem>>, vector<16xf32>,
      %get3A_586 = vector.shape_cast %get3A_585 : vector<16xf32> to vector<16xf32>
      %mul3A_587 = arith.mulf %get3A_574, %mul3A_570 : vector<16xf32>
      %mul3A_588 = arith.mulf %get3A_577, %get3A_564 : vector<16xf32>
      %add3A_589 = arith.addf %mul3A_587, %mul3A_588 : vector<16xf32>
      %mul3A_590 = arith.mulf %get3A_580, %mul3A_571 : vector<16xf32>
      %add3A_591 = arith.addf %add3A_589, %mul3A_590 : vector<16xf32>
      %mul3A_592 = arith.mulf %get3A_583, %get3A_569 : vector<16xf32>
      %add3A_593 = arith.addf %add3A_591, %mul3A_592 : vector<16xf32>
      %add3A_594 = arith.addf %add3A_593, %get3A_586 : vector<16xf32>
      %get3A_595 = arith.constant 16 : index
      %get3A_596 = tpu.vector_load %arg7[%get3A_595] {strides = array<i32>} : memref<640xf32, #tpu.memory_space<vmem>>, vector<16xf32>,
      %get3A_597 = vector.shape_cast %get3A_596 : vector<16xf32> to vector<16xf32>
      %get3A_598 = arith.constant 144 : index
      %get3A_599 = tpu.vector_load %arg7[%get3A_598] {strides = array<i32>} : memref<640xf32, #tpu.memory_space<vmem>>, vector<16xf32>,
      %get3A_600 = vector.shape_cast %get3A_599 : vector<16xf32> to vector<16xf32>
      %get3A_601 = arith.constant 272 : index
      %get3A_602 = tpu.vector_load %arg7[%get3A_601] {strides = array<i32>} : memref<640xf32, #tpu.memory_space<vmem>>, vector<16xf32>,
      %get3A_603 = vector.shape_cast %get3A_602 : vector<16xf32> to vector<16xf32>
      %get3A_604 = arith.constant 400 : index
      %get3A_605 = tpu.vector_load %arg7[%get3A_604] {strides = array<i32>} : memref<640xf32, #tpu.memory_space<vmem>>, vector<16xf32>,
      %get3A_606 = vector.shape_cast %get3A_605 : vector<16xf32> to vector<16xf32>
      %get3A_607 = arith.constant 528 : index
      %get3A_608 = tpu.vector_load %arg7[%get3A_607] {strides = array<i32>} : memref<640xf32, #tpu.memory_space<vmem>>, vector<16xf32>,
      %get3A_609 = vector.shape_cast %get3A_608 : vector<16xf32> to vector<16xf32>
      %mul3A_610 = arith.mulf %get3A_597, %mul3A_570 : vector<16xf32>
      %mul3A_611 = arith.mulf %get3A_600, %get3A_564 : vector<16xf32>
      %add3A_612 = arith.addf %mul3A_610, %mul3A_611 : vector<16xf32>
      %mul3A_613 = arith.mulf %get3A_603, %mul3A_571 : vector<16xf32>
      %add3A_614 = arith.addf %add3A_612, %mul3A_613 : vector<16xf32>
      %mul3A_615 = arith.mulf %get3A_606, %get3A_569 : vector<16xf32>
      %add3A_616 = arith.addf %add3A_614, %mul3A_615 : vector<16xf32>
      %add3A_617 = arith.addf %add3A_616, %get3A_609 : vector<16xf32>
      %get3A_618 = arith.constant 32 : index
      %get3A_619 = tpu.vector_load %arg7[%get3A_618] {strides = array<i32>} : memref<640xf32, #tpu.memory_space<vmem>>, vector<16xf32>,
      %get3A_620 = vector.shape_cast %get3A_619 : vector<16xf32> to vector<16xf32>
      %get3A_621 = arith.constant 160 : index
      %get3A_622 = tpu.vector_load %arg7[%get3A_621] {strides = array<i32>} : memref<640xf32, #tpu.memory_space<vmem>>, vector<16xf32>,
      %get3A_623 = vector.shape_cast %get3A_622 : vector<16xf32> to vector<16xf32>
      %get3A_624 = arith.constant 288 : index
      %get3A_625 = tpu.vector_load %arg7[%get3A_624] {strides = array<i32>} : memref<640xf32, #tpu.memory_space<vmem>>, vector<16xf32>,
      %get3A_626 = vector.shape_cast %get3A_625 : vector<16xf32> to vector<16xf32>
      %get3A_627 = arith.constant 416 : index
      %get3A_628 = tpu.vector_load %arg7[%get3A_627] {strides = array<i32>} : memref<640xf32, #tpu.memory_space<vmem>>, vector<16xf32>,
      %get3A_629 = vector.shape_cast %get3A_628 : vector<16xf32> to vector<16xf32>
      %get3A_630 = arith.constant 544 : index
      %get3A_631 = tpu.vector_load %arg7[%get3A_630] {strides = array<i32>} : memref<640xf32, #tpu.memory_space<vmem>>, vector<16xf32>,
      %get3A_632 = vector.shape_cast %get3A_631 : vector<16xf32> to vector<16xf32>
      %mul3A_633 = arith.mulf %get3A_620, %mul3A_570 : vector<16xf32>
      %mul3A_634 = arith.mulf %get3A_623, %get3A_564 : vector<16xf32>
      %add3A_635 = arith.addf %mul3A_633, %mul3A_634 : vector<16xf32>
      %mul3A_636 = arith.mulf %get3A_626, %mul3A_571 : vector<16xf32>
      %add3A_637 = arith.addf %add3A_635, %mul3A_636 : vector<16xf32>
      %mul3A_638 = arith.mulf %get3A_629, %get3A_569 : vector<16xf32>
      %add3A_639 = arith.addf %add3A_637, %mul3A_638 : vector<16xf32>
      %add3A_640 = arith.addf %add3A_639, %get3A_632 : vector<16xf32>
      %get3A_641 = arith.constant 48 : index
      %get3A_642 = tpu.vector_load %arg7[%get3A_641] {strides = array<i32>} : memref<640xf32, #tpu.memory_space<vmem>>, vector<16xf32>,
      %get3A_643 = vector.shape_cast %get3A_642 : vector<16xf32> to vector<16xf32>
      %get3A_644 = arith.constant 176 : index
      %get3A_645 = tpu.vector_load %arg7[%get3A_644] {strides = array<i32>} : memref<640xf32, #tpu.memory_space<vmem>>, vector<16xf32>,
      %get3A_646 = vector.shape_cast %get3A_645 : vector<16xf32> to vector<16xf32>
      %get3A_647 = arith.constant 304 : index
      %get3A_648 = tpu.vector_load %arg7[%get3A_647] {strides = array<i32>} : memref<640xf32, #tpu.memory_space<vmem>>, vector<16xf32>,
      %get3A_649 = vector.shape_cast %get3A_648 : vector<16xf32> to vector<16xf32>
      %get3A_650 = arith.constant 432 : index
      %get3A_651 = tpu.vector_load %arg7[%get3A_650] {strides = array<i32>} : memref<640xf32, #tpu.memory_space<vmem>>, vector<16xf32>,
      %get3A_652 = vector.shape_cast %get3A_651 : vector<16xf32> to vector<16xf32>
      %get3A_653 = arith.constant 560 : index
      %get3A_654 = tpu.vector_load %arg7[%get3A_653] {strides = array<i32>} : memref<640xf32, #tpu.memory_space<vmem>>, vector<16xf32>,
      %get3A_655 = vector.shape_cast %get3A_654 : vector<16xf32> to vector<16xf32>
      %mul3A_656 = arith.mulf %get3A_643, %mul3A_570 : vector<16xf32>
      %mul3A_657 = arith.mulf %get3A_646, %get3A_564 : vector<16xf32>
      %add3A_658 = arith.addf %mul3A_656, %mul3A_657 : vector<16xf32>
      %mul3A_659 = arith.mulf %get3A_649, %mul3A_571 : vector<16xf32>
      %add3A_660 = arith.addf %add3A_658, %mul3A_659 : vector<16xf32>
      %mul3A_661 = arith.mulf %get3A_652, %get3A_569 : vector<16xf32>
      %add3A_662 = arith.addf %add3A_660, %mul3A_661 : vector<16xf32>
      %add3A_663 = arith.addf %add3A_662, %get3A_655 : vector<16xf32>
      %get3A_664 = arith.constant 64 : index
      %get3A_665 = tpu.vector_load %arg7[%get3A_664] {strides = array<i32>} : memref<640xf32, #tpu.memory_space<vmem>>, vector<16xf32>,
      %get3A_666 = vector.shape_cast %get3A_665 : vector<16xf32> to vector<16xf32>
      %get3A_667 = arith.constant 192 : index
      %get3A_668 = tpu.vector_load %arg7[%get3A_667] {strides = array<i32>} : memref<640xf32, #tpu.memory_space<vmem>>, vector<16xf32>,
      %get3A_669 = vector.shape_cast %get3A_668 : vector<16xf32> to vector<16xf32>
      %get3A_670 = arith.constant 320 : index
      %get3A_671 = tpu.vector_load %arg7[%get3A_670] {strides = array<i32>} : memref<640xf32, #tpu.memory_space<vmem>>, vector<16xf32>,
      %get3A_672 = vector.shape_cast %get3A_671 : vector<16xf32> to vector<16xf32>
      %get3A_673 = arith.constant 448 : index
      %get3A_674 = tpu.vector_load %arg7[%get3A_673] {strides = array<i32>} : memref<640xf32, #tpu.memory_space<vmem>>, vector<16xf32>,
      %get3A_675 = vector.shape_cast %get3A_674 : vector<16xf32> to vector<16xf32>
      %get3A_676 = arith.constant 576 : index
      %get3A_677 = tpu.vector_load %arg7[%get3A_676] {strides = array<i32>} : memref<640xf32, #tpu.memory_space<vmem>>, vector<16xf32>,
      %get3A_678 = vector.shape_cast %get3A_677 : vector<16xf32> to vector<16xf32>
      %mul3A_679 = arith.mulf %get3A_666, %mul3A_570 : vector<16xf32>
      %mul3A_680 = arith.mulf %get3A_669, %get3A_564 : vector<16xf32>
      %add3A_681 = arith.addf %mul3A_679, %mul3A_680 : vector<16xf32>
      %mul3A_682 = arith.mulf %get3A_672, %mul3A_571 : vector<16xf32>
      %add3A_683 = arith.addf %add3A_681, %mul3A_682 : vector<16xf32>
      %mul3A_684 = arith.mulf %get3A_675, %get3A_569 : vector<16xf32>
      %add3A_685 = arith.addf %add3A_683, %mul3A_684 : vector<16xf32>
      %add3A_686 = arith.addf %add3A_685, %get3A_678 : vector<16xf32>
      %get3A_687 = arith.constant 80 : index
      %get3A_688 = tpu.vector_load %arg7[%get3A_687] {strides = array<i32>} : memref<640xf32, #tpu.memory_space<vmem>>, vector<16xf32>,
      %get3A_689 = vector.shape_cast %get3A_688 : vector<16xf32> to vector<16xf32>
      %get3A_690 = arith.constant 208 : index
      %get3A_691 = tpu.vector_load %arg7[%get3A_690] {strides = array<i32>} : memref<640xf32, #tpu.memory_space<vmem>>, vector<16xf32>,
      %get3A_692 = vector.shape_cast %get3A_691 : vector<16xf32> to vector<16xf32>
      %get3A_693 = arith.constant 336 : index
      %get3A_694 = tpu.vector_load %arg7[%get3A_693] {strides = array<i32>} : memref<640xf32, #tpu.memory_space<vmem>>, vector<16xf32>,
      %get3A_695 = vector.shape_cast %get3A_694 : vector<16xf32> to vector<16xf32>
      %get3A_696 = arith.constant 464 : index
      %get3A_697 = tpu.vector_load %arg7[%get3A_696] {strides = array<i32>} : memref<640xf32, #tpu.memory_space<vmem>>, vector<16xf32>,
      %get3A_698 = vector.shape_cast %get3A_697 : vector<16xf32> to vector<16xf32>
      %get3A_699 = arith.constant 592 : index
      %get3A_700 = tpu.vector_load %arg7[%get3A_699] {strides = array<i32>} : memref<640xf32, #tpu.memory_space<vmem>>, vector<16xf32>,
      %get3A_701 = vector.shape_cast %get3A_700 : vector<16xf32> to vector<16xf32>
      %mul3A_702 = arith.mulf %get3A_689, %mul3A_570 : vector<16xf32>
      %mul3A_703 = arith.mulf %get3A_692, %get3A_564 : vector<16xf32>
      %add3A_704 = arith.addf %mul3A_702, %mul3A_703 : vector<16xf32>
      %mul3A_705 = arith.mulf %get3A_695, %mul3A_571 : vector<16xf32>
      %add3A_706 = arith.addf %add3A_704, %mul3A_705 : vector<16xf32>
      %mul3A_707 = arith.mulf %get3A_698, %get3A_569 : vector<16xf32>
      %add3A_708 = arith.addf %add3A_706, %mul3A_707 : vector<16xf32>
      %add3A_709 = arith.addf %add3A_708, %get3A_701 : vector<16xf32>
      %get3A_710 = arith.constant 96 : index
      %get3A_711 = tpu.vector_load %arg7[%get3A_710] {strides = array<i32>} : memref<640xf32, #tpu.memory_space<vmem>>, vector<16xf32>,
      %get3A_712 = vector.shape_cast %get3A_711 : vector<16xf32> to vector<16xf32>
      %get3A_713 = arith.constant 224 : index
      %get3A_714 = tpu.vector_load %arg7[%get3A_713] {strides = array<i32>} : memref<640xf32, #tpu.memory_space<vmem>>, vector<16xf32>,
      %get3A_715 = vector.shape_cast %get3A_714 : vector<16xf32> to vector<16xf32>
      %get3A_716 = arith.constant 352 : index
      %get3A_717 = tpu.vector_load %arg7[%get3A_716] {strides = array<i32>} : memref<640xf32, #tpu.memory_space<vmem>>, vector<16xf32>,
      %get3A_718 = vector.shape_cast %get3A_717 : vector<16xf32> to vector<16xf32>
      %get3A_719 = arith.constant 480 : index
      %get3A_720 = tpu.vector_load %arg7[%get3A_719] {strides = array<i32>} : memref<640xf32, #tpu.memory_space<vmem>>, vector<16xf32>,
      %get3A_721 = vector.shape_cast %get3A_720 : vector<16xf32> to vector<16xf32>
      %get3A_722 = arith.constant 608 : index
      %get3A_723 = tpu.vector_load %arg7[%get3A_722] {strides = array<i32>} : memref<640xf32, #tpu.memory_space<vmem>>, vector<16xf32>,
      %get3A_724 = vector.shape_cast %get3A_723 : vector<16xf32> to vector<16xf32>
      %mul3A_725 = arith.mulf %get3A_712, %mul3A_570 : vector<16xf32>
      %mul3A_726 = arith.mulf %get3A_715, %get3A_564 : vector<16xf32>
      %add3A_727 = arith.addf %mul3A_725, %mul3A_726 : vector<16xf32>
      %mul3A_728 = arith.mulf %get3A_718, %mul3A_571 : vector<16xf32>
      %add3A_729 = arith.addf %add3A_727, %mul3A_728 : vector<16xf32>
      %mul3A_730 = arith.mulf %get3A_721, %get3A_569 : vector<16xf32>
      %add3A_731 = arith.addf %add3A_729, %mul3A_730 : vector<16xf32>
      %add3A_732 = arith.addf %add3A_731, %get3A_724 : vector<16xf32>
      %get3A_733 = arith.constant 112 : index
      %get3A_734 = tpu.vector_load %arg7[%get3A_733] {strides = array<i32>} : memref<640xf32, #tpu.memory_space<vmem>>, vector<16xf32>,
      %get3A_735 = vector.shape_cast %get3A_734 : vector<16xf32> to vector<16xf32>
      %get3A_736 = arith.constant 240 : index
      %get3A_737 = tpu.vector_load %arg7[%get3A_736] {strides = array<i32>} : memref<640xf32, #tpu.memory_space<vmem>>, vector<16xf32>,
      %get3A_738 = vector.shape_cast %get3A_737 : vector<16xf32> to vector<16xf32>
      %get3A_739 = arith.constant 368 : index
      %get3A_740 = tpu.vector_load %arg7[%get3A_739] {strides = array<i32>} : memref<640xf32, #tpu.memory_space<vmem>>, vector<16xf32>,
      %get3A_741 = vector.shape_cast %get3A_740 : vector<16xf32> to vector<16xf32>
      %get3A_742 = arith.constant 496 : index
      %get3A_743 = tpu.vector_load %arg7[%get3A_742] {strides = array<i32>} : memref<640xf32, #tpu.memory_space<vmem>>, vector<16xf32>,
      %get3A_744 = vector.shape_cast %get3A_743 : vector<16xf32> to vector<16xf32>
      %get3A_745 = arith.constant 624 : index
      %get3A_746 = tpu.vector_load %arg7[%get3A_745] {strides = array<i32>} : memref<640xf32, #tpu.memory_space<vmem>>, vector<16xf32>,
      %get3A_747 = vector.shape_cast %get3A_746 : vector<16xf32> to vector<16xf32>
      %mul3A_748 = arith.mulf %get3A_735, %mul3A_570 : vector<16xf32>
      %mul3A_749 = arith.mulf %get3A_738, %get3A_564 : vector<16xf32>
      %add3A_750 = arith.addf %mul3A_748, %mul3A_749 : vector<16xf32>
      %mul3A_751 = arith.mulf %get3A_741, %mul3A_571 : vector<16xf32>
      %add3A_752 = arith.addf %add3A_750, %mul3A_751 : vector<16xf32>
      %mul3A_753 = arith.mulf %get3A_744, %get3A_569 : vector<16xf32>
      %add3A_754 = arith.addf %add3A_752, %mul3A_753 : vector<16xf32>
      %add3A_755 = arith.addf %add3A_754, %get3A_747 : vector<16xf32>
      %max3A_756 = arith.maximumf %add3A_594, %add3A_617 : vector<16xf32>
      %max3A_757 = arith.maximumf %max3A_756, %add3A_640 : vector<16xf32>
      %max3A_758 = arith.maximumf %max3A_757, %add3A_663 : vector<16xf32>
      %max3A_759 = arith.maximumf %max3A_758, %add3A_686 : vector<16xf32>
      %max3A_760 = arith.maximumf %max3A_759, %add3A_709 : vector<16xf32>
      %max3A_761 = arith.maximumf %max3A_760, %add3A_732 : vector<16xf32>
      %max3A_762 = arith.maximumf %max3A_761, %add3A_755 : vector<16xf32>
      %sub3A_763 = arith.subf %add3A_594, %max3A_762 : vector<16xf32>
      %exp3A_764 = math.exp %sub3A_763 : vector<16xf32>
      %sub3A_765 = arith.subf %add3A_617, %max3A_762 : vector<16xf32>
      %exp3A_766 = math.exp %sub3A_765 : vector<16xf32>
      %add3A_767 = arith.addf %exp3A_764, %exp3A_766 : vector<16xf32>
      %sub3A_768 = arith.subf %add3A_640, %max3A_762 : vector<16xf32>
      %exp3A_769 = math.exp %sub3A_768 : vector<16xf32>
      %add3A_770 = arith.addf %add3A_767, %exp3A_769 : vector<16xf32>
      %sub3A_771 = arith.subf %add3A_663, %max3A_762 : vector<16xf32>
      %exp3A_772 = math.exp %sub3A_771 : vector<16xf32>
      %add3A_773 = arith.addf %add3A_770, %exp3A_772 : vector<16xf32>
      %sub3A_774 = arith.subf %add3A_686, %max3A_762 : vector<16xf32>
      %exp3A_775 = math.exp %sub3A_774 : vector<16xf32>
      %add3A_776 = arith.addf %add3A_773, %exp3A_775 : vector<16xf32>
      %sub3A_777 = arith.subf %add3A_709, %max3A_762 : vector<16xf32>
      %exp3A_778 = math.exp %sub3A_777 : vector<16xf32>
      %add3A_779 = arith.addf %add3A_776, %exp3A_778 : vector<16xf32>
      %sub3A_780 = arith.subf %add3A_732, %max3A_762 : vector<16xf32>
      %exp3A_781 = math.exp %sub3A_780 : vector<16xf32>
      %add3A_782 = arith.addf %add3A_779, %exp3A_781 : vector<16xf32>
      %sub3A_783 = arith.subf %add3A_755, %max3A_762 : vector<16xf32>
      %exp3A_784 = math.exp %sub3A_783 : vector<16xf32>
      %add3A_785 = arith.addf %add3A_782, %exp3A_784 : vector<16xf32>
      %broadcast_in_dim3A_786 = arith.constant 2.74911348E-4 : f32
      %broadcast_in_dim3A_787 = vector.broadcast %broadcast_in_dim3A_786 : f32 to vector<16xf32>
      %mul3A_788 = arith.mulf %broadcast_in_dim3A_787, %add3A_785 : vector<16xf32>
      %add3A_789 = arith.constant -0.00745184952 : f32
      %add3A_790 = vector.broadcast %add3A_789 : f32 to vector<16xf32>
      %add3A_791 = arith.addf %mul3A_788, %add3A_790 : vector<16xf32>
      %mul3A_792 = arith.mulf %add3A_791, %add3A_785 : vector<16xf32>
      %add3A_793 = arith.constant 0.0809587761 : f32
      %add3A_794 = vector.broadcast %add3A_793 : f32 to vector<16xf32>
      %add3A_795 = arith.addf %mul3A_792, %add3A_794 : vector<16xf32>
      %mul3A_796 = arith.mulf %add3A_795, %add3A_785 : vector<16xf32>
      %add3A_797 = arith.constant -0.459472507 : f32
      %add3A_798 = vector.broadcast %add3A_797 : f32 to vector<16xf32>
      %add3A_799 = arith.addf %mul3A_796, %add3A_798 : vector<16xf32>
      %mul3A_800 = arith.mulf %add3A_799, %add3A_785 : vector<16xf32>
      %add3A_801 = arith.constant 1.5935533 : f32
      %add3A_802 = vector.broadcast %add3A_801 : f32 to vector<16xf32>
      %add3A_803 = arith.addf %mul3A_800, %add3A_802 : vector<16xf32>
      %mul3A_804 = arith.mulf %add3A_803, %add3A_785 : vector<16xf32>
      %add3A_805 = arith.constant -1.19364631 : f32
      %add3A_806 = vector.broadcast %add3A_805 : f32 to vector<16xf32>
      %add3A_807 = arith.addf %mul3A_804, %add3A_806 : vector<16xf32>
      %neg3A_808 = arith.constant 0.000000e+00 : f32
      %neg3A_809 = vector.broadcast %neg3A_808 : f32 to vector<16xf32>
      %neg3A_810 = arith.subf %neg3A_809, %add3A_807 : vector<16xf32>
      %exp3A_811 = math.exp %neg3A_810 : vector<16xf32>
      %mul3A_812 = arith.mulf %add3A_785, %exp3A_811 : vector<16xf32>
      %add3A_813 = arith.addf %add3A_807, %mul3A_812 : vector<16xf32>
      %sub3A_814 = arith.constant 1.000000e+00 : f32
      %sub3A_815 = vector.broadcast %sub3A_814 : f32 to vector<16xf32>
      %sub3A_816 = arith.subf %add3A_813, %sub3A_815 : vector<16xf32>
      %neg3A_817 = arith.constant 0.000000e+00 : f32
      %neg3A_818 = vector.broadcast %neg3A_817 : f32 to vector<16xf32>
      %neg3A_819 = arith.subf %neg3A_818, %sub3A_816 : vector<16xf32>
      %exp3A_820 = math.exp %neg3A_819 : vector<16xf32>
      %mul3A_821 = arith.mulf %add3A_785, %exp3A_820 : vector<16xf32>
      %add3A_822 = arith.addf %sub3A_816, %mul3A_821 : vector<16xf32>
      %sub3A_823 = arith.constant 1.000000e+00 : f32
      %sub3A_824 = vector.broadcast %sub3A_823 : f32 to vector<16xf32>
      %sub3A_825 = arith.subf %add3A_822, %sub3A_824 : vector<16xf32>
      %add3A_826 = arith.addf %max3A_762, %sub3A_825 : vector<16xf32>
      %mul3A_827 = arith.constant 128 : i32
      %mul3A_828 = arith.muli %scan3A_10, %mul3A_827 : i32
      %add3A_829 = arith.constant 32 : i32
      %add3A_830 = arith.addi %mul3A_828, %add3A_829 : i32
      %swap3A_831 = arith.index_cast %add3A_830 : i32 to index
      %swap3A_832 = tpu.vector_load %arg6[%swap3A_831] {strides = array<i32>} : memref<32768xf32, #tpu.memory_space<vmem>>, vector<16xf32>,
      %swap3A_833 = vector.shape_cast %swap3A_832 : vector<16xf32> to vector<16xf32>
      %swap3A_834 = vector.shape_cast %add3A_826 : vector<16xf32> to vector<16xf32>
      tpu.vector_store %arg6[%swap3A_831], %swap3A_834 {strides = array<i32>} : memref<32768xf32, #tpu.memory_space<vmem>>, vector<16xf32>,
      %mul3A_835 = arith.constant 256 : i32
      %mul3A_836 = arith.muli %scan3A_10, %mul3A_835 : i32
      %add3A_837 = arith.constant 48 : i32
      %add3A_838 = arith.addi %mul3A_836, %add3A_837 : i32
      %get3A_839 = arith.index_cast %add3A_838 : i32 to index
      %get3A_840 = tpu.vector_load %arg5[%get3A_839] {strides = array<i32>} : memref<65536xf32, #tpu.memory_space<vmem>>, vector<16xf32>,
      %get3A_841 = vector.shape_cast %get3A_840 : vector<16xf32> to vector<16xf32>
      %add3A_842 = arith.constant 128 : i32
      %add3A_843 = arith.addi %add3A_838, %add3A_842 : i32
      %get3A_844 = arith.index_cast %add3A_843 : i32 to index
      %get3A_845 = tpu.vector_load %arg5[%get3A_844] {strides = array<i32>} : memref<65536xf32, #tpu.memory_space<vmem>>, vector<16xf32>,
      %get3A_846 = vector.shape_cast %get3A_845 : vector<16xf32> to vector<16xf32>
      %mul3A_847 = arith.mulf %get3A_841, %get3A_841 : vector<16xf32>
      %mul3A_848 = arith.mulf %get3A_846, %get3A_846 : vector<16xf32>
      %get3A_849 = arith.constant 0 : index
      %get3A_850 = tpu.vector_load %arg7[%get3A_849] {strides = array<i32>} : memref<640xf32, #tpu.memory_space<vmem>>, vector<16xf32>,
      %get3A_851 = vector.shape_cast %get3A_850 : vector<16xf32> to vector<16xf32>
      %get3A_852 = arith.constant 128 : index
      %get3A_853 = tpu.vector_load %arg7[%get3A_852] {strides = array<i32>} : memref<640xf32, #tpu.memory_space<vmem>>, vector<16xf32>,
      %get3A_854 = vector.shape_cast %get3A_853 : vector<16xf32> to vector<16xf32>
      %get3A_855 = arith.constant 256 : index
      %get3A_856 = tpu.vector_load %arg7[%get3A_855] {strides = array<i32>} : memref<640xf32, #tpu.memory_space<vmem>>, vector<16xf32>,
      %get3A_857 = vector.shape_cast %get3A_856 : vector<16xf32> to vector<16xf32>
      %get3A_858 = arith.constant 384 : index
      %get3A_859 = tpu.vector_load %arg7[%get3A_858] {strides = array<i32>} : memref<640xf32, #tpu.memory_space<vmem>>, vector<16xf32>,
      %get3A_860 = vector.shape_cast %get3A_859 : vector<16xf32> to vector<16xf32>
      %get3A_861 = arith.constant 512 : index
      %get3A_862 = tpu.vector_load %arg7[%get3A_861] {strides = array<i32>} : memref<640xf32, #tpu.memory_space<vmem>>, vector<16xf32>,
      %get3A_863 = vector.shape_cast %get3A_862 : vector<16xf32> to vector<16xf32>
      %mul3A_864 = arith.mulf %get3A_851, %mul3A_847 : vector<16xf32>
      %mul3A_865 = arith.mulf %get3A_854, %get3A_841 : vector<16xf32>
      %add3A_866 = arith.addf %mul3A_864, %mul3A_865 : vector<16xf32>
      %mul3A_867 = arith.mulf %get3A_857, %mul3A_848 : vector<16xf32>
      %add3A_868 = arith.addf %add3A_866, %mul3A_867 : vector<16xf32>
      %mul3A_869 = arith.mulf %get3A_860, %get3A_846 : vector<16xf32>
      %add3A_870 = arith.addf %add3A_868, %mul3A_869 : vector<16xf32>
      %add3A_871 = arith.addf %add3A_870, %get3A_863 : vector<16xf32>
      %get3A_872 = arith.constant 16 : index
      %get3A_873 = tpu.vector_load %arg7[%get3A_872] {strides = array<i32>} : memref<640xf32, #tpu.memory_space<vmem>>, vector<16xf32>,
      %get3A_874 = vector.shape_cast %get3A_873 : vector<16xf32> to vector<16xf32>
      %get3A_875 = arith.constant 144 : index
      %get3A_876 = tpu.vector_load %arg7[%get3A_875] {strides = array<i32>} : memref<640xf32, #tpu.memory_space<vmem>>, vector<16xf32>,
      %get3A_877 = vector.shape_cast %get3A_876 : vector<16xf32> to vector<16xf32>
      %get3A_878 = arith.constant 272 : index
      %get3A_879 = tpu.vector_load %arg7[%get3A_878] {strides = array<i32>} : memref<640xf32, #tpu.memory_space<vmem>>, vector<16xf32>,
      %get3A_880 = vector.shape_cast %get3A_879 : vector<16xf32> to vector<16xf32>
      %get3A_881 = arith.constant 400 : index
      %get3A_882 = tpu.vector_load %arg7[%get3A_881] {strides = array<i32>} : memref<640xf32, #tpu.memory_space<vmem>>, vector<16xf32>,
      %get3A_883 = vector.shape_cast %get3A_882 : vector<16xf32> to vector<16xf32>
      %get3A_884 = arith.constant 528 : index
      %get3A_885 = tpu.vector_load %arg7[%get3A_884] {strides = array<i32>} : memref<640xf32, #tpu.memory_space<vmem>>, vector<16xf32>,
      %get3A_886 = vector.shape_cast %get3A_885 : vector<16xf32> to vector<16xf32>
      %mul3A_887 = arith.mulf %get3A_874, %mul3A_847 : vector<16xf32>
      %mul3A_888 = arith.mulf %get3A_877, %get3A_841 : vector<16xf32>
      %add3A_889 = arith.addf %mul3A_887, %mul3A_888 : vector<16xf32>
      %mul3A_890 = arith.mulf %get3A_880, %mul3A_848 : vector<16xf32>
      %add3A_891 = arith.addf %add3A_889, %mul3A_890 : vector<16xf32>
      %mul3A_892 = arith.mulf %get3A_883, %get3A_846 : vector<16xf32>
      %add3A_893 = arith.addf %add3A_891, %mul3A_892 : vector<16xf32>
      %add3A_894 = arith.addf %add3A_893, %get3A_886 : vector<16xf32>
      %get3A_895 = arith.constant 32 : index
      %get3A_896 = tpu.vector_load %arg7[%get3A_895] {strides = array<i32>} : memref<640xf32, #tpu.memory_space<vmem>>, vector<16xf32>,
      %get3A_897 = vector.shape_cast %get3A_896 : vector<16xf32> to vector<16xf32>
      %get3A_898 = arith.constant 160 : index
      %get3A_899 = tpu.vector_load %arg7[%get3A_898] {strides = array<i32>} : memref<640xf32, #tpu.memory_space<vmem>>, vector<16xf32>,
      %get3A_900 = vector.shape_cast %get3A_899 : vector<16xf32> to vector<16xf32>
      %get3A_901 = arith.constant 288 : index
      %get3A_902 = tpu.vector_load %arg7[%get3A_901] {strides = array<i32>} : memref<640xf32, #tpu.memory_space<vmem>>, vector<16xf32>,
      %get3A_903 = vector.shape_cast %get3A_902 : vector<16xf32> to vector<16xf32>
      %get3A_904 = arith.constant 416 : index
      %get3A_905 = tpu.vector_load %arg7[%get3A_904] {strides = array<i32>} : memref<640xf32, #tpu.memory_space<vmem>>, vector<16xf32>,
      %get3A_906 = vector.shape_cast %get3A_905 : vector<16xf32> to vector<16xf32>
      %get3A_907 = arith.constant 544 : index
      %get3A_908 = tpu.vector_load %arg7[%get3A_907] {strides = array<i32>} : memref<640xf32, #tpu.memory_space<vmem>>, vector<16xf32>,
      %get3A_909 = vector.shape_cast %get3A_908 : vector<16xf32> to vector<16xf32>
      %mul3A_910 = arith.mulf %get3A_897, %mul3A_847 : vector<16xf32>
      %mul3A_911 = arith.mulf %get3A_900, %get3A_841 : vector<16xf32>
      %add3A_912 = arith.addf %mul3A_910, %mul3A_911 : vector<16xf32>
      %mul3A_913 = arith.mulf %get3A_903, %mul3A_848 : vector<16xf32>
      %add3A_914 = arith.addf %add3A_912, %mul3A_913 : vector<16xf32>
      %mul3A_915 = arith.mulf %get3A_906, %get3A_846 : vector<16xf32>
      %add3A_916 = arith.addf %add3A_914, %mul3A_915 : vector<16xf32>
      %add3A_917 = arith.addf %add3A_916, %get3A_909 : vector<16xf32>
      %get3A_918 = arith.constant 48 : index
      %get3A_919 = tpu.vector_load %arg7[%get3A_918] {strides = array<i32>} : memref<640xf32, #tpu.memory_space<vmem>>, vector<16xf32>,
      %get3A_920 = vector.shape_cast %get3A_919 : vector<16xf32> to vector<16xf32>
      %get3A_921 = arith.constant 176 : index
      %get3A_922 = tpu.vector_load %arg7[%get3A_921] {strides = array<i32>} : memref<640xf32, #tpu.memory_space<vmem>>, vector<16xf32>,
      %get3A_923 = vector.shape_cast %get3A_922 : vector<16xf32> to vector<16xf32>
      %get3A_924 = arith.constant 304 : index
      %get3A_925 = tpu.vector_load %arg7[%get3A_924] {strides = array<i32>} : memref<640xf32, #tpu.memory_space<vmem>>, vector<16xf32>,
      %get3A_926 = vector.shape_cast %get3A_925 : vector<16xf32> to vector<16xf32>
      %get3A_927 = arith.constant 432 : index
      %get3A_928 = tpu.vector_load %arg7[%get3A_927] {strides = array<i32>} : memref<640xf32, #tpu.memory_space<vmem>>, vector<16xf32>,
      %get3A_929 = vector.shape_cast %get3A_928 : vector<16xf32> to vector<16xf32>
      %get3A_930 = arith.constant 560 : index
      %get3A_931 = tpu.vector_load %arg7[%get3A_930] {strides = array<i32>} : memref<640xf32, #tpu.memory_space<vmem>>, vector<16xf32>,
      %get3A_932 = vector.shape_cast %get3A_931 : vector<16xf32> to vector<16xf32>
      %mul3A_933 = arith.mulf %get3A_920, %mul3A_847 : vector<16xf32>
      %mul3A_934 = arith.mulf %get3A_923, %get3A_841 : vector<16xf32>
      %add3A_935 = arith.addf %mul3A_933, %mul3A_934 : vector<16xf32>
      %mul3A_936 = arith.mulf %get3A_926, %mul3A_848 : vector<16xf32>
      %add3A_937 = arith.addf %add3A_935, %mul3A_936 : vector<16xf32>
      %mul3A_938 = arith.mulf %get3A_929, %get3A_846 : vector<16xf32>
      %add3A_939 = arith.addf %add3A_937, %mul3A_938 : vector<16xf32>
      %add3A_940 = arith.addf %add3A_939, %get3A_932 : vector<16xf32>
      %get3A_941 = arith.constant 64 : index
      %get3A_942 = tpu.vector_load %arg7[%get3A_941] {strides = array<i32>} : memref<640xf32, #tpu.memory_space<vmem>>, vector<16xf32>,
      %get3A_943 = vector.shape_cast %get3A_942 : vector<16xf32> to vector<16xf32>
      %get3A_944 = arith.constant 192 : index
      %get3A_945 = tpu.vector_load %arg7[%get3A_944] {strides = array<i32>} : memref<640xf32, #tpu.memory_space<vmem>>, vector<16xf32>,
      %get3A_946 = vector.shape_cast %get3A_945 : vector<16xf32> to vector<16xf32>
      %get3A_947 = arith.constant 320 : index
      %get3A_948 = tpu.vector_load %arg7[%get3A_947] {strides = array<i32>} : memref<640xf32, #tpu.memory_space<vmem>>, vector<16xf32>,
      %get3A_949 = vector.shape_cast %get3A_948 : vector<16xf32> to vector<16xf32>
      %get3A_950 = arith.constant 448 : index
      %get3A_951 = tpu.vector_load %arg7[%get3A_950] {strides = array<i32>} : memref<640xf32, #tpu.memory_space<vmem>>, vector<16xf32>,
      %get3A_952 = vector.shape_cast %get3A_951 : vector<16xf32> to vector<16xf32>
      %get3A_953 = arith.constant 576 : index
      %get3A_954 = tpu.vector_load %arg7[%get3A_953] {strides = array<i32>} : memref<640xf32, #tpu.memory_space<vmem>>, vector<16xf32>,
      %get3A_955 = vector.shape_cast %get3A_954 : vector<16xf32> to vector<16xf32>
      %mul3A_956 = arith.mulf %get3A_943, %mul3A_847 : vector<16xf32>
      %mul3A_957 = arith.mulf %get3A_946, %get3A_841 : vector<16xf32>
      %add3A_958 = arith.addf %mul3A_956, %mul3A_957 : vector<16xf32>
      %mul3A_959 = arith.mulf %get3A_949, %mul3A_848 : vector<16xf32>
      %add3A_960 = arith.addf %add3A_958, %mul3A_959 : vector<16xf32>
      %mul3A_961 = arith.mulf %get3A_952, %get3A_846 : vector<16xf32>
      %add3A_962 = arith.addf %add3A_960, %mul3A_961 : vector<16xf32>
      %add3A_963 = arith.addf %add3A_962, %get3A_955 : vector<16xf32>
      %get3A_964 = arith.constant 80 : index
      %get3A_965 = tpu.vector_load %arg7[%get3A_964] {strides = array<i32>} : memref<640xf32, #tpu.memory_space<vmem>>, vector<16xf32>,
      %get3A_966 = vector.shape_cast %get3A_965 : vector<16xf32> to vector<16xf32>
      %get3A_967 = arith.constant 208 : index
      %get3A_968 = tpu.vector_load %arg7[%get3A_967] {strides = array<i32>} : memref<640xf32, #tpu.memory_space<vmem>>, vector<16xf32>,
      %get3A_969 = vector.shape_cast %get3A_968 : vector<16xf32> to vector<16xf32>
      %get3A_970 = arith.constant 336 : index
      %get3A_971 = tpu.vector_load %arg7[%get3A_970] {strides = array<i32>} : memref<640xf32, #tpu.memory_space<vmem>>, vector<16xf32>,
      %get3A_972 = vector.shape_cast %get3A_971 : vector<16xf32> to vector<16xf32>
      %get3A_973 = arith.constant 464 : index
      %get3A_974 = tpu.vector_load %arg7[%get3A_973] {strides = array<i32>} : memref<640xf32, #tpu.memory_space<vmem>>, vector<16xf32>,
      %get3A_975 = vector.shape_cast %get3A_974 : vector<16xf32> to vector<16xf32>
      %get3A_976 = arith.constant 592 : index
      %get3A_977 = tpu.vector_load %arg7[%get3A_976] {strides = array<i32>} : memref<640xf32, #tpu.memory_space<vmem>>, vector<16xf32>,
      %get3A_978 = vector.shape_cast %get3A_977 : vector<16xf32> to vector<16xf32>
      %mul3A_979 = arith.mulf %get3A_966, %mul3A_847 : vector<16xf32>
      %mul3A_980 = arith.mulf %get3A_969, %get3A_841 : vector<16xf32>
      %add3A_981 = arith.addf %mul3A_979, %mul3A_980 : vector<16xf32>
      %mul3A_982 = arith.mulf %get3A_972, %mul3A_848 : vector<16xf32>
      %add3A_983 = arith.addf %add3A_981, %mul3A_982 : vector<16xf32>
      %mul3A_984 = arith.mulf %get3A_975, %get3A_846 : vector<16xf32>
      %add3A_985 = arith.addf %add3A_983, %mul3A_984 : vector<16xf32>
      %add3A_986 = arith.addf %add3A_985, %get3A_978 : vector<16xf32>
      %get3A_987 = arith.constant 96 : index
      %get3A_988 = tpu.vector_load %arg7[%get3A_987] {strides = array<i32>} : memref<640xf32, #tpu.memory_space<vmem>>, vector<16xf32>,
      %get3A_989 = vector.shape_cast %get3A_988 : vector<16xf32> to vector<16xf32>
      %get3A_990 = arith.constant 224 : index
      %get3A_991 = tpu.vector_load %arg7[%get3A_990] {strides = array<i32>} : memref<640xf32, #tpu.memory_space<vmem>>, vector<16xf32>,
      %get3A_992 = vector.shape_cast %get3A_991 : vector<16xf32> to vector<16xf32>
      %get3A_993 = arith.constant 352 : index
      %get3A_994 = tpu.vector_load %arg7[%get3A_993] {strides = array<i32>} : memref<640xf32, #tpu.memory_space<vmem>>, vector<16xf32>,
      %get3A_995 = vector.shape_cast %get3A_994 : vector<16xf32> to vector<16xf32>
      %get3A_996 = arith.constant 480 : index
      %get3A_997 = tpu.vector_load %arg7[%get3A_996] {strides = array<i32>} : memref<640xf32, #tpu.memory_space<vmem>>, vector<16xf32>,
      %get3A_998 = vector.shape_cast %get3A_997 : vector<16xf32> to vector<16xf32>
      %get3A_999 = arith.constant 608 : index
      %get3A_1000 = tpu.vector_load %arg7[%get3A_999] {strides = array<i32>} : memref<640xf32, #tpu.memory_space<vmem>>, vector<16xf32>,
      %get3A_1001 = vector.shape_cast %get3A_1000 : vector<16xf32> to vector<16xf32>
      %mul3A_1002 = arith.mulf %get3A_989, %mul3A_847 : vector<16xf32>
      %mul3A_1003 = arith.mulf %get3A_992, %get3A_841 : vector<16xf32>
      %add3A_1004 = arith.addf %mul3A_1002, %mul3A_1003 : vector<16xf32>
      %mul3A_1005 = arith.mulf %get3A_995, %mul3A_848 : vector<16xf32>
      %add3A_1006 = arith.addf %add3A_1004, %mul3A_1005 : vector<16xf32>
      %mul3A_1007 = arith.mulf %get3A_998, %get3A_846 : vector<16xf32>
      %add3A_1008 = arith.addf %add3A_1006, %mul3A_1007 : vector<16xf32>
      %add3A_1009 = arith.addf %add3A_1008, %get3A_1001 : vector<16xf32>
      %get3A_1010 = arith.constant 112 : index
      %get3A_1011 = tpu.vector_load %arg7[%get3A_1010] {strides = array<i32>} : memref<640xf32, #tpu.memory_space<vmem>>, vector<16xf32>,
      %get3A_1012 = vector.shape_cast %get3A_1011 : vector<16xf32> to vector<16xf32>
      %get3A_1013 = arith.constant 240 : index
      %get3A_1014 = tpu.vector_load %arg7[%get3A_1013] {strides = array<i32>} : memref<640xf32, #tpu.memory_space<vmem>>, vector<16xf32>,
      %get3A_1015 = vector.shape_cast %get3A_1014 : vector<16xf32> to vector<16xf32>
      %get3A_1016 = arith.constant 368 : index
      %get3A_1017 = tpu.vector_load %arg7[%get3A_1016] {strides = array<i32>} : memref<640xf32, #tpu.memory_space<vmem>>, vector<16xf32>,
      %get3A_1018 = vector.shape_cast %get3A_1017 : vector<16xf32> to vector<16xf32>
      %get3A_1019 = arith.constant 496 : index
      %get3A_1020 = tpu.vector_load %arg7[%get3A_1019] {strides = array<i32>} : memref<640xf32, #tpu.memory_space<vmem>>, vector<16xf32>,
      %get3A_1021 = vector.shape_cast %get3A_1020 : vector<16xf32> to vector<16xf32>
      %get3A_1022 = arith.constant 624 : index
      %get3A_1023 = tpu.vector_load %arg7[%get3A_1022] {strides = array<i32>} : memref<640xf32, #tpu.memory_space<vmem>>, vector<16xf32>,
      %get3A_1024 = vector.shape_cast %get3A_1023 : vector<16xf32> to vector<16xf32>
      %mul3A_1025 = arith.mulf %get3A_1012, %mul3A_847 : vector<16xf32>
      %mul3A_1026 = arith.mulf %get3A_1015, %get3A_841 : vector<16xf32>
      %add3A_1027 = arith.addf %mul3A_1025, %mul3A_1026 : vector<16xf32>
      %mul3A_1028 = arith.mulf %get3A_1018, %mul3A_848 : vector<16xf32>
      %add3A_1029 = arith.addf %add3A_1027, %mul3A_1028 : vector<16xf32>
      %mul3A_1030 = arith.mulf %get3A_1021, %get3A_846 : vector<16xf32>
      %add3A_1031 = arith.addf %add3A_1029, %mul3A_1030 : vector<16xf32>
      %add3A_1032 = arith.addf %add3A_1031, %get3A_1024 : vector<16xf32>
      %max3A_1033 = arith.maximumf %add3A_871, %add3A_894 : vector<16xf32>
      %max3A_1034 = arith.maximumf %max3A_1033, %add3A_917 : vector<16xf32>
      %max3A_1035 = arith.maximumf %max3A_1034, %add3A_940 : vector<16xf32>
      %max3A_1036 = arith.maximumf %max3A_1035, %add3A_963 : vector<16xf32>
      %max3A_1037 = arith.maximumf %max3A_1036, %add3A_986 : vector<16xf32>
      %max3A_1038 = arith.maximumf %max3A_1037, %add3A_1009 : vector<16xf32>
      %max3A_1039 = arith.maximumf %max3A_1038, %add3A_1032 : vector<16xf32>
      %sub3A_1040 = arith.subf %add3A_871, %max3A_1039 : vector<16xf32>
      %exp3A_1041 = math.exp %sub3A_1040 : vector<16xf32>
      %sub3A_1042 = arith.subf %add3A_894, %max3A_1039 : vector<16xf32>
      %exp3A_1043 = math.exp %sub3A_1042 : vector<16xf32>
      %add3A_1044 = arith.addf %exp3A_1041, %exp3A_1043 : vector<16xf32>
      %sub3A_1045 = arith.subf %add3A_917, %max3A_1039 : vector<16xf32>
      %exp3A_1046 = math.exp %sub3A_1045 : vector<16xf32>
      %add3A_1047 = arith.addf %add3A_1044, %exp3A_1046 : vector<16xf32>
      %sub3A_1048 = arith.subf %add3A_940, %max3A_1039 : vector<16xf32>
      %exp3A_1049 = math.exp %sub3A_1048 : vector<16xf32>
      %add3A_1050 = arith.addf %add3A_1047, %exp3A_1049 : vector<16xf32>
      %sub3A_1051 = arith.subf %add3A_963, %max3A_1039 : vector<16xf32>
      %exp3A_1052 = math.exp %sub3A_1051 : vector<16xf32>
      %add3A_1053 = arith.addf %add3A_1050, %exp3A_1052 : vector<16xf32>
      %sub3A_1054 = arith.subf %add3A_986, %max3A_1039 : vector<16xf32>
      %exp3A_1055 = math.exp %sub3A_1054 : vector<16xf32>
      %add3A_1056 = arith.addf %add3A_1053, %exp3A_1055 : vector<16xf32>
      %sub3A_1057 = arith.subf %add3A_1009, %max3A_1039 : vector<16xf32>
      %exp3A_1058 = math.exp %sub3A_1057 : vector<16xf32>
      %add3A_1059 = arith.addf %add3A_1056, %exp3A_1058 : vector<16xf32>
      %sub3A_1060 = arith.subf %add3A_1032, %max3A_1039 : vector<16xf32>
      %exp3A_1061 = math.exp %sub3A_1060 : vector<16xf32>
      %add3A_1062 = arith.addf %add3A_1059, %exp3A_1061 : vector<16xf32>
      %broadcast_in_dim3A_1063 = arith.constant 2.74911348E-4 : f32
      %broadcast_in_dim3A_1064 = vector.broadcast %broadcast_in_dim3A_1063 : f32 to vector<16xf32>
      %mul3A_1065 = arith.mulf %broadcast_in_dim3A_1064, %add3A_1062 : vector<16xf32>
      %add3A_1066 = arith.constant -0.00745184952 : f32
      %add3A_1067 = vector.broadcast %add3A_1066 : f32 to vector<16xf32>
      %add3A_1068 = arith.addf %mul3A_1065, %add3A_1067 : vector<16xf32>
      %mul3A_1069 = arith.mulf %add3A_1068, %add3A_1062 : vector<16xf32>
      %add3A_1070 = arith.constant 0.0809587761 : f32
      %add3A_1071 = vector.broadcast %add3A_1070 : f32 to vector<16xf32>
      %add3A_1072 = arith.addf %mul3A_1069, %add3A_1071 : vector<16xf32>
      %mul3A_1073 = arith.mulf %add3A_1072, %add3A_1062 : vector<16xf32>
      %add3A_1074 = arith.constant -0.459472507 : f32
      %add3A_1075 = vector.broadcast %add3A_1074 : f32 to vector<16xf32>
      %add3A_1076 = arith.addf %mul3A_1073, %add3A_1075 : vector<16xf32>
      %mul3A_1077 = arith.mulf %add3A_1076, %add3A_1062 : vector<16xf32>
      %add3A_1078 = arith.constant 1.5935533 : f32
      %add3A_1079 = vector.broadcast %add3A_1078 : f32 to vector<16xf32>
      %add3A_1080 = arith.addf %mul3A_1077, %add3A_1079 : vector<16xf32>
      %mul3A_1081 = arith.mulf %add3A_1080, %add3A_1062 : vector<16xf32>
      %add3A_1082 = arith.constant -1.19364631 : f32
      %add3A_1083 = vector.broadcast %add3A_1082 : f32 to vector<16xf32>
      %add3A_1084 = arith.addf %mul3A_1081, %add3A_1083 : vector<16xf32>
      %neg3A_1085 = arith.constant 0.000000e+00 : f32
      %neg3A_1086 = vector.broadcast %neg3A_1085 : f32 to vector<16xf32>
      %neg3A_1087 = arith.subf %neg3A_1086, %add3A_1084 : vector<16xf32>
      %exp3A_1088 = math.exp %neg3A_1087 : vector<16xf32>
      %mul3A_1089 = arith.mulf %add3A_1062, %exp3A_1088 : vector<16xf32>
      %add3A_1090 = arith.addf %add3A_1084, %mul3A_1089 : vector<16xf32>
      %sub3A_1091 = arith.constant 1.000000e+00 : f32
      %sub3A_1092 = vector.broadcast %sub3A_1091 : f32 to vector<16xf32>
      %sub3A_1093 = arith.subf %add3A_1090, %sub3A_1092 : vector<16xf32>
      %neg3A_1094 = arith.constant 0.000000e+00 : f32
      %neg3A_1095 = vector.broadcast %neg3A_1094 : f32 to vector<16xf32>
      %neg3A_1096 = arith.subf %neg3A_1095, %sub3A_1093 : vector<16xf32>
      %exp3A_1097 = math.exp %neg3A_1096 : vector<16xf32>
      %mul3A_1098 = arith.mulf %add3A_1062, %exp3A_1097 : vector<16xf32>
      %add3A_1099 = arith.addf %sub3A_1093, %mul3A_1098 : vector<16xf32>
      %sub3A_1100 = arith.constant 1.000000e+00 : f32
      %sub3A_1101 = vector.broadcast %sub3A_1100 : f32 to vector<16xf32>
      %sub3A_1102 = arith.subf %add3A_1099, %sub3A_1101 : vector<16xf32>
      %add3A_1103 = arith.addf %max3A_1039, %sub3A_1102 : vector<16xf32>
      %mul3A_1104 = arith.constant 128 : i32
      %mul3A_1105 = arith.muli %scan3A_10, %mul3A_1104 : i32
      %add3A_1106 = arith.constant 48 : i32
      %add3A_1107 = arith.addi %mul3A_1105, %add3A_1106 : i32
      %swap3A_1108 = arith.index_cast %add3A_1107 : i32 to index
      %swap3A_1109 = tpu.vector_load %arg6[%swap3A_1108] {strides = array<i32>} : memref<32768xf32, #tpu.memory_space<vmem>>, vector<16xf32>,
      %swap3A_1110 = vector.shape_cast %swap3A_1109 : vector<16xf32> to vector<16xf32>
      %swap3A_1111 = vector.shape_cast %add3A_1103 : vector<16xf32> to vector<16xf32>
      tpu.vector_store %arg6[%swap3A_1108], %swap3A_1111 {strides = array<i32>} : memref<32768xf32, #tpu.memory_space<vmem>>, vector<16xf32>,
      %mul3A_1112 = arith.constant 256 : i32
      %mul3A_1113 = arith.muli %scan3A_10, %mul3A_1112 : i32
      %add3A_1114 = arith.constant 64 : i32
      %add3A_1115 = arith.addi %mul3A_1113, %add3A_1114 : i32
      %get3A_1116 = arith.index_cast %add3A_1115 : i32 to index
      %get3A_1117 = tpu.vector_load %arg5[%get3A_1116] {strides = array<i32>} : memref<65536xf32, #tpu.memory_space<vmem>>, vector<16xf32>,
      %get3A_1118 = vector.shape_cast %get3A_1117 : vector<16xf32> to vector<16xf32>
      %add3A_1119 = arith.constant 128 : i32
      %add3A_1120 = arith.addi %add3A_1115, %add3A_1119 : i32
      %get3A_1121 = arith.index_cast %add3A_1120 : i32 to index
      %get3A_1122 = tpu.vector_load %arg5[%get3A_1121] {strides = array<i32>} : memref<65536xf32, #tpu.memory_space<vmem>>, vector<16xf32>,
      %get3A_1123 = vector.shape_cast %get3A_1122 : vector<16xf32> to vector<16xf32>
      %mul3A_1124 = arith.mulf %get3A_1118, %get3A_1118 : vector<16xf32>
      %mul3A_1125 = arith.mulf %get3A_1123, %get3A_1123 : vector<16xf32>
      %get3A_1126 = arith.constant 0 : index
      %get3A_1127 = tpu.vector_load %arg7[%get3A_1126] {strides = array<i32>} : memref<640xf32, #tpu.memory_space<vmem>>, vector<16xf32>,
      %get3A_1128 = vector.shape_cast %get3A_1127 : vector<16xf32> to vector<16xf32>
      %get3A_1129 = arith.constant 128 : index
      %get3A_1130 = tpu.vector_load %arg7[%get3A_1129] {strides = array<i32>} : memref<640xf32, #tpu.memory_space<vmem>>, vector<16xf32>,
      %get3A_1131 = vector.shape_cast %get3A_1130 : vector<16xf32> to vector<16xf32>
      %get3A_1132 = arith.constant 256 : index
      %get3A_1133 = tpu.vector_load %arg7[%get3A_1132] {strides = array<i32>} : memref<640xf32, #tpu.memory_space<vmem>>, vector<16xf32>,
      %get3A_1134 = vector.shape_cast %get3A_1133 : vector<16xf32> to vector<16xf32>
      %get3A_1135 = arith.constant 384 : index
      %get3A_1136 = tpu.vector_load %arg7[%get3A_1135] {strides = array<i32>} : memref<640xf32, #tpu.memory_space<vmem>>, vector<16xf32>,
      %get3A_1137 = vector.shape_cast %get3A_1136 : vector<16xf32> to vector<16xf32>
      %get3A_1138 = arith.constant 512 : index
      %get3A_1139 = tpu.vector_load %arg7[%get3A_1138] {strides = array<i32>} : memref<640xf32, #tpu.memory_space<vmem>>, vector<16xf32>,
      %get3A_1140 = vector.shape_cast %get3A_1139 : vector<16xf32> to vector<16xf32>
      %mul3A_1141 = arith.mulf %get3A_1128, %mul3A_1124 : vector<16xf32>
      %mul3A_1142 = arith.mulf %get3A_1131, %get3A_1118 : vector<16xf32>
      %add3A_1143 = arith.addf %mul3A_1141, %mul3A_1142 : vector<16xf32>
      %mul3A_1144 = arith.mulf %get3A_1134, %mul3A_1125 : vector<16xf32>
      %add3A_1145 = arith.addf %add3A_1143, %mul3A_1144 : vector<16xf32>
      %mul3A_1146 = arith.mulf %get3A_1137, %get3A_1123 : vector<16xf32>
      %add3A_1147 = arith.addf %add3A_1145, %mul3A_1146 : vector<16xf32>
      %add3A_1148 = arith.addf %add3A_1147, %get3A_1140 : vector<16xf32>
      %get3A_1149 = arith.constant 16 : index
      %get3A_1150 = tpu.vector_load %arg7[%get3A_1149] {strides = array<i32>} : memref<640xf32, #tpu.memory_space<vmem>>, vector<16xf32>,
      %get3A_1151 = vector.shape_cast %get3A_1150 : vector<16xf32> to vector<16xf32>
      %get3A_1152 = arith.constant 144 : index
      %get3A_1153 = tpu.vector_load %arg7[%get3A_1152] {strides = array<i32>} : memref<640xf32, #tpu.memory_space<vmem>>, vector<16xf32>,
      %get3A_1154 = vector.shape_cast %get3A_1153 : vector<16xf32> to vector<16xf32>
      %get3A_1155 = arith.constant 272 : index
      %get3A_1156 = tpu.vector_load %arg7[%get3A_1155] {strides = array<i32>} : memref<640xf32, #tpu.memory_space<vmem>>, vector<16xf32>,
      %get3A_1157 = vector.shape_cast %get3A_1156 : vector<16xf32> to vector<16xf32>
      %get3A_1158 = arith.constant 400 : index
      %get3A_1159 = tpu.vector_load %arg7[%get3A_1158] {strides = array<i32>} : memref<640xf32, #tpu.memory_space<vmem>>, vector<16xf32>,
      %get3A_1160 = vector.shape_cast %get3A_1159 : vector<16xf32> to vector<16xf32>
      %get3A_1161 = arith.constant 528 : index
      %get3A_1162 = tpu.vector_load %arg7[%get3A_1161] {strides = array<i32>} : memref<640xf32, #tpu.memory_space<vmem>>, vector<16xf32>,
      %get3A_1163 = vector.shape_cast %get3A_1162 : vector<16xf32> to vector<16xf32>
      %mul3A_1164 = arith.mulf %get3A_1151, %mul3A_1124 : vector<16xf32>
      %mul3A_1165 = arith.mulf %get3A_1154, %get3A_1118 : vector<16xf32>
      %add3A_1166 = arith.addf %mul3A_1164, %mul3A_1165 : vector<16xf32>
      %mul3A_1167 = arith.mulf %get3A_1157, %mul3A_1125 : vector<16xf32>
      %add3A_1168 = arith.addf %add3A_1166, %mul3A_1167 : vector<16xf32>
      %mul3A_1169 = arith.mulf %get3A_1160, %get3A_1123 : vector<16xf32>
      %add3A_1170 = arith.addf %add3A_1168, %mul3A_1169 : vector<16xf32>
      %add3A_1171 = arith.addf %add3A_1170, %get3A_1163 : vector<16xf32>
      %get3A_1172 = arith.constant 32 : index
      %get3A_1173 = tpu.vector_load %arg7[%get3A_1172] {strides = array<i32>} : memref<640xf32, #tpu.memory_space<vmem>>, vector<16xf32>,
      %get3A_1174 = vector.shape_cast %get3A_1173 : vector<16xf32> to vector<16xf32>
      %get3A_1175 = arith.constant 160 : index
      %get3A_1176 = tpu.vector_load %arg7[%get3A_1175] {strides = array<i32>} : memref<640xf32, #tpu.memory_space<vmem>>, vector<16xf32>,
      %get3A_1177 = vector.shape_cast %get3A_1176 : vector<16xf32> to vector<16xf32>
      %get3A_1178 = arith.constant 288 : index
      %get3A_1179 = tpu.vector_load %arg7[%get3A_1178] {strides = array<i32>} : memref<640xf32, #tpu.memory_space<vmem>>, vector<16xf32>,
      %get3A_1180 = vector.shape_cast %get3A_1179 : vector<16xf32> to vector<16xf32>
      %get3A_1181 = arith.constant 416 : index
      %get3A_1182 = tpu.vector_load %arg7[%get3A_1181] {strides = array<i32>} : memref<640xf32, #tpu.memory_space<vmem>>, vector<16xf32>,
      %get3A_1183 = vector.shape_cast %get3A_1182 : vector<16xf32> to vector<16xf32>
      %get3A_1184 = arith.constant 544 : index
      %get3A_1185 = tpu.vector_load %arg7[%get3A_1184] {strides = array<i32>} : memref<640xf32, #tpu.memory_space<vmem>>, vector<16xf32>,
      %get3A_1186 = vector.shape_cast %get3A_1185 : vector<16xf32> to vector<16xf32>
      %mul3A_1187 = arith.mulf %get3A_1174, %mul3A_1124 : vector<16xf32>
      %mul3A_1188 = arith.mulf %get3A_1177, %get3A_1118 : vector<16xf32>
      %add3A_1189 = arith.addf %mul3A_1187, %mul3A_1188 : vector<16xf32>
      %mul3A_1190 = arith.mulf %get3A_1180, %mul3A_1125 : vector<16xf32>
      %add3A_1191 = arith.addf %add3A_1189, %mul3A_1190 : vector<16xf32>
      %mul3A_1192 = arith.mulf %get3A_1183, %get3A_1123 : vector<16xf32>
      %add3A_1193 = arith.addf %add3A_1191, %mul3A_1192 : vector<16xf32>
      %add3A_1194 = arith.addf %add3A_1193, %get3A_1186 : vector<16xf32>
      %get3A_1195 = arith.constant 48 : index
      %get3A_1196 = tpu.vector_load %arg7[%get3A_1195] {strides = array<i32>} : memref<640xf32, #tpu.memory_space<vmem>>, vector<16xf32>,
      %get3A_1197 = vector.shape_cast %get3A_1196 : vector<16xf32> to vector<16xf32>
      %get3A_1198 = arith.constant 176 : index
      %get3A_1199 = tpu.vector_load %arg7[%get3A_1198] {strides = array<i32>} : memref<640xf32, #tpu.memory_space<vmem>>, vector<16xf32>,
      %get3A_1200 = vector.shape_cast %get3A_1199 : vector<16xf32> to vector<16xf32>
      %get3A_1201 = arith.constant 304 : index
      %get3A_1202 = tpu.vector_load %arg7[%get3A_1201] {strides = array<i32>} : memref<640xf32, #tpu.memory_space<vmem>>, vector<16xf32>,
      %get3A_1203 = vector.shape_cast %get3A_1202 : vector<16xf32> to vector<16xf32>
      %get3A_1204 = arith.constant 432 : index
      %get3A_1205 = tpu.vector_load %arg7[%get3A_1204] {strides = array<i32>} : memref<640xf32, #tpu.memory_space<vmem>>, vector<16xf32>,
      %get3A_1206 = vector.shape_cast %get3A_1205 : vector<16xf32> to vector<16xf32>
      %get3A_1207 = arith.constant 560 : index
      %get3A_1208 = tpu.vector_load %arg7[%get3A_1207] {strides = array<i32>} : memref<640xf32, #tpu.memory_space<vmem>>, vector<16xf32>,
      %get3A_1209 = vector.shape_cast %get3A_1208 : vector<16xf32> to vector<16xf32>
      %mul3A_1210 = arith.mulf %get3A_1197, %mul3A_1124 : vector<16xf32>
      %mul3A_1211 = arith.mulf %get3A_1200, %get3A_1118 : vector<16xf32>
      %add3A_1212 = arith.addf %mul3A_1210, %mul3A_1211 : vector<16xf32>
      %mul3A_1213 = arith.mulf %get3A_1203, %mul3A_1125 : vector<16xf32>
      %add3A_1214 = arith.addf %add3A_1212, %mul3A_1213 : vector<16xf32>
      %mul3A_1215 = arith.mulf %get3A_1206, %get3A_1123 : vector<16xf32>
      %add3A_1216 = arith.addf %add3A_1214, %mul3A_1215 : vector<16xf32>
      %add3A_1217 = arith.addf %add3A_1216, %get3A_1209 : vector<16xf32>
      %get3A_1218 = arith.constant 64 : index
      %get3A_1219 = tpu.vector_load %arg7[%get3A_1218] {strides = array<i32>} : memref<640xf32, #tpu.memory_space<vmem>>, vector<16xf32>,
      %get3A_1220 = vector.shape_cast %get3A_1219 : vector<16xf32> to vector<16xf32>
      %get3A_1221 = arith.constant 192 : index
      %get3A_1222 = tpu.vector_load %arg7[%get3A_1221] {strides = array<i32>} : memref<640xf32, #tpu.memory_space<vmem>>, vector<16xf32>,
      %get3A_1223 = vector.shape_cast %get3A_1222 : vector<16xf32> to vector<16xf32>
      %get3A_1224 = arith.constant 320 : index
      %get3A_1225 = tpu.vector_load %arg7[%get3A_1224] {strides = array<i32>} : memref<640xf32, #tpu.memory_space<vmem>>, vector<16xf32>,
      %get3A_1226 = vector.shape_cast %get3A_1225 : vector<16xf32> to vector<16xf32>
      %get3A_1227 = arith.constant 448 : index
      %get3A_1228 = tpu.vector_load %arg7[%get3A_1227] {strides = array<i32>} : memref<640xf32, #tpu.memory_space<vmem>>, vector<16xf32>,
      %get3A_1229 = vector.shape_cast %get3A_1228 : vector<16xf32> to vector<16xf32>
      %get3A_1230 = arith.constant 576 : index
      %get3A_1231 = tpu.vector_load %arg7[%get3A_1230] {strides = array<i32>} : memref<640xf32, #tpu.memory_space<vmem>>, vector<16xf32>,
      %get3A_1232 = vector.shape_cast %get3A_1231 : vector<16xf32> to vector<16xf32>
      %mul3A_1233 = arith.mulf %get3A_1220, %mul3A_1124 : vector<16xf32>
      %mul3A_1234 = arith.mulf %get3A_1223, %get3A_1118 : vector<16xf32>
      %add3A_1235 = arith.addf %mul3A_1233, %mul3A_1234 : vector<16xf32>
      %mul3A_1236 = arith.mulf %get3A_1226, %mul3A_1125 : vector<16xf32>
      %add3A_1237 = arith.addf %add3A_1235, %mul3A_1236 : vector<16xf32>
      %mul3A_1238 = arith.mulf %get3A_1229, %get3A_1123 : vector<16xf32>
      %add3A_1239 = arith.addf %add3A_1237, %mul3A_1238 : vector<16xf32>
      %add3A_1240 = arith.addf %add3A_1239, %get3A_1232 : vector<16xf32>
      %get3A_1241 = arith.constant 80 : index
      %get3A_1242 = tpu.vector_load %arg7[%get3A_1241] {strides = array<i32>} : memref<640xf32, #tpu.memory_space<vmem>>, vector<16xf32>,
      %get3A_1243 = vector.shape_cast %get3A_1242 : vector<16xf32> to vector<16xf32>
      %get3A_1244 = arith.constant 208 : index
      %get3A_1245 = tpu.vector_load %arg7[%get3A_1244] {strides = array<i32>} : memref<640xf32, #tpu.memory_space<vmem>>, vector<16xf32>,
      %get3A_1246 = vector.shape_cast %get3A_1245 : vector<16xf32> to vector<16xf32>
      %get3A_1247 = arith.constant 336 : index
      %get3A_1248 = tpu.vector_load %arg7[%get3A_1247] {strides = array<i32>} : memref<640xf32, #tpu.memory_space<vmem>>, vector<16xf32>,
      %get3A_1249 = vector.shape_cast %get3A_1248 : vector<16xf32> to vector<16xf32>
      %get3A_1250 = arith.constant 464 : index
      %get3A_1251 = tpu.vector_load %arg7[%get3A_1250] {strides = array<i32>} : memref<640xf32, #tpu.memory_space<vmem>>, vector<16xf32>,
      %get3A_1252 = vector.shape_cast %get3A_1251 : vector<16xf32> to vector<16xf32>
      %get3A_1253 = arith.constant 592 : index
      %get3A_1254 = tpu.vector_load %arg7[%get3A_1253] {strides = array<i32>} : memref<640xf32, #tpu.memory_space<vmem>>, vector<16xf32>,
      %get3A_1255 = vector.shape_cast %get3A_1254 : vector<16xf32> to vector<16xf32>
      %mul3A_1256 = arith.mulf %get3A_1243, %mul3A_1124 : vector<16xf32>
      %mul3A_1257 = arith.mulf %get3A_1246, %get3A_1118 : vector<16xf32>
      %add3A_1258 = arith.addf %mul3A_1256, %mul3A_1257 : vector<16xf32>
      %mul3A_1259 = arith.mulf %get3A_1249, %mul3A_1125 : vector<16xf32>
      %add3A_1260 = arith.addf %add3A_1258, %mul3A_1259 : vector<16xf32>
      %mul3A_1261 = arith.mulf %get3A_1252, %get3A_1123 : vector<16xf32>
      %add3A_1262 = arith.addf %add3A_1260, %mul3A_1261 : vector<16xf32>
      %add3A_1263 = arith.addf %add3A_1262, %get3A_1255 : vector<16xf32>
      %get3A_1264 = arith.constant 96 : index
      %get3A_1265 = tpu.vector_load %arg7[%get3A_1264] {strides = array<i32>} : memref<640xf32, #tpu.memory_space<vmem>>, vector<16xf32>,
      %get3A_1266 = vector.shape_cast %get3A_1265 : vector<16xf32> to vector<16xf32>
      %get3A_1267 = arith.constant 224 : index
      %get3A_1268 = tpu.vector_load %arg7[%get3A_1267] {strides = array<i32>} : memref<640xf32, #tpu.memory_space<vmem>>, vector<16xf32>,
      %get3A_1269 = vector.shape_cast %get3A_1268 : vector<16xf32> to vector<16xf32>
      %get3A_1270 = arith.constant 352 : index
      %get3A_1271 = tpu.vector_load %arg7[%get3A_1270] {strides = array<i32>} : memref<640xf32, #tpu.memory_space<vmem>>, vector<16xf32>,
      %get3A_1272 = vector.shape_cast %get3A_1271 : vector<16xf32> to vector<16xf32>
      %get3A_1273 = arith.constant 480 : index
      %get3A_1274 = tpu.vector_load %arg7[%get3A_1273] {strides = array<i32>} : memref<640xf32, #tpu.memory_space<vmem>>, vector<16xf32>,
      %get3A_1275 = vector.shape_cast %get3A_1274 : vector<16xf32> to vector<16xf32>
      %get3A_1276 = arith.constant 608 : index
      %get3A_1277 = tpu.vector_load %arg7[%get3A_1276] {strides = array<i32>} : memref<640xf32, #tpu.memory_space<vmem>>, vector<16xf32>,
      %get3A_1278 = vector.shape_cast %get3A_1277 : vector<16xf32> to vector<16xf32>
      %mul3A_1279 = arith.mulf %get3A_1266, %mul3A_1124 : vector<16xf32>
      %mul3A_1280 = arith.mulf %get3A_1269, %get3A_1118 : vector<16xf32>
      %add3A_1281 = arith.addf %mul3A_1279, %mul3A_1280 : vector<16xf32>
      %mul3A_1282 = arith.mulf %get3A_1272, %mul3A_1125 : vector<16xf32>
      %add3A_1283 = arith.addf %add3A_1281, %mul3A_1282 : vector<16xf32>
      %mul3A_1284 = arith.mulf %get3A_1275, %get3A_1123 : vector<16xf32>
      %add3A_1285 = arith.addf %add3A_1283, %mul3A_1284 : vector<16xf32>
      %add3A_1286 = arith.addf %add3A_1285, %get3A_1278 : vector<16xf32>
      %get3A_1287 = arith.constant 112 : index
      %get3A_1288 = tpu.vector_load %arg7[%get3A_1287] {strides = array<i32>} : memref<640xf32, #tpu.memory_space<vmem>>, vector<16xf32>,
      %get3A_1289 = vector.shape_cast %get3A_1288 : vector<16xf32> to vector<16xf32>
      %get3A_1290 = arith.constant 240 : index
      %get3A_1291 = tpu.vector_load %arg7[%get3A_1290] {strides = array<i32>} : memref<640xf32, #tpu.memory_space<vmem>>, vector<16xf32>,
      %get3A_1292 = vector.shape_cast %get3A_1291 : vector<16xf32> to vector<16xf32>
      %get3A_1293 = arith.constant 368 : index
      %get3A_1294 = tpu.vector_load %arg7[%get3A_1293] {strides = array<i32>} : memref<640xf32, #tpu.memory_space<vmem>>, vector<16xf32>,
      %get3A_1295 = vector.shape_cast %get3A_1294 : vector<16xf32> to vector<16xf32>
      %get3A_1296 = arith.constant 496 : index
      %get3A_1297 = tpu.vector_load %arg7[%get3A_1296] {strides = array<i32>} : memref<640xf32, #tpu.memory_space<vmem>>, vector<16xf32>,
      %get3A_1298 = vector.shape_cast %get3A_1297 : vector<16xf32> to vector<16xf32>
      %get3A_1299 = arith.constant 624 : index
      %get3A_1300 = tpu.vector_load %arg7[%get3A_1299] {strides = array<i32>} : memref<640xf32, #tpu.memory_space<vmem>>, vector<16xf32>,
      %get3A_1301 = vector.shape_cast %get3A_1300 : vector<16xf32> to vector<16xf32>
      %mul3A_1302 = arith.mulf %get3A_1289, %mul3A_1124 : vector<16xf32>
      %mul3A_1303 = arith.mulf %get3A_1292, %get3A_1118 : vector<16xf32>
      %add3A_1304 = arith.addf %mul3A_1302, %mul3A_1303 : vector<16xf32>
      %mul3A_1305 = arith.mulf %get3A_1295, %mul3A_1125 : vector<16xf32>
      %add3A_1306 = arith.addf %add3A_1304, %mul3A_1305 : vector<16xf32>
      %mul3A_1307 = arith.mulf %get3A_1298, %get3A_1123 : vector<16xf32>
      %add3A_1308 = arith.addf %add3A_1306, %mul3A_1307 : vector<16xf32>
      %add3A_1309 = arith.addf %add3A_1308, %get3A_1301 : vector<16xf32>
      %max3A_1310 = arith.maximumf %add3A_1148, %add3A_1171 : vector<16xf32>
      %max3A_1311 = arith.maximumf %max3A_1310, %add3A_1194 : vector<16xf32>
      %max3A_1312 = arith.maximumf %max3A_1311, %add3A_1217 : vector<16xf32>
      %max3A_1313 = arith.maximumf %max3A_1312, %add3A_1240 : vector<16xf32>
      %max3A_1314 = arith.maximumf %max3A_1313, %add3A_1263 : vector<16xf32>
      %max3A_1315 = arith.maximumf %max3A_1314, %add3A_1286 : vector<16xf32>
      %max3A_1316 = arith.maximumf %max3A_1315, %add3A_1309 : vector<16xf32>
      %sub3A_1317 = arith.subf %add3A_1148, %max3A_1316 : vector<16xf32>
      %exp3A_1318 = math.exp %sub3A_1317 : vector<16xf32>
      %sub3A_1319 = arith.subf %add3A_1171, %max3A_1316 : vector<16xf32>
      %exp3A_1320 = math.exp %sub3A_1319 : vector<16xf32>
      %add3A_1321 = arith.addf %exp3A_1318, %exp3A_1320 : vector<16xf32>
      %sub3A_1322 = arith.subf %add3A_1194, %max3A_1316 : vector<16xf32>
      %exp3A_1323 = math.exp %sub3A_1322 : vector<16xf32>
      %add3A_1324 = arith.addf %add3A_1321, %exp3A_1323 : vector<16xf32>
      %sub3A_1325 = arith.subf %add3A_1217, %max3A_1316 : vector<16xf32>
      %exp3A_1326 = math.exp %sub3A_1325 : vector<16xf32>
      %add3A_1327 = arith.addf %add3A_1324, %exp3A_1326 : vector<16xf32>
      %sub3A_1328 = arith.subf %add3A_1240, %max3A_1316 : vector<16xf32>
      %exp3A_1329 = math.exp %sub3A_1328 : vector<16xf32>
      %add3A_1330 = arith.addf %add3A_1327, %exp3A_1329 : vector<16xf32>
      %sub3A_1331 = arith.subf %add3A_1263, %max3A_1316 : vector<16xf32>
      %exp3A_1332 = math.exp %sub3A_1331 : vector<16xf32>
      %add3A_1333 = arith.addf %add3A_1330, %exp3A_1332 : vector<16xf32>
      %sub3A_1334 = arith.subf %add3A_1286, %max3A_1316 : vector<16xf32>
      %exp3A_1335 = math.exp %sub3A_1334 : vector<16xf32>
      %add3A_1336 = arith.addf %add3A_1333, %exp3A_1335 : vector<16xf32>
      %sub3A_1337 = arith.subf %add3A_1309, %max3A_1316 : vector<16xf32>
      %exp3A_1338 = math.exp %sub3A_1337 : vector<16xf32>
      %add3A_1339 = arith.addf %add3A_1336, %exp3A_1338 : vector<16xf32>
      %broadcast_in_dim3A_1340 = arith.constant 2.74911348E-4 : f32
      %broadcast_in_dim3A_1341 = vector.broadcast %broadcast_in_dim3A_1340 : f32 to vector<16xf32>
      %mul3A_1342 = arith.mulf %broadcast_in_dim3A_1341, %add3A_1339 : vector<16xf32>
      %add3A_1343 = arith.constant -0.00745184952 : f32
      %add3A_1344 = vector.broadcast %add3A_1343 : f32 to vector<16xf32>
      %add3A_1345 = arith.addf %mul3A_1342, %add3A_1344 : vector<16xf32>
      %mul3A_1346 = arith.mulf %add3A_1345, %add3A_1339 : vector<16xf32>
      %add3A_1347 = arith.constant 0.0809587761 : f32
      %add3A_1348 = vector.broadcast %add3A_1347 : f32 to vector<16xf32>
      %add3A_1349 = arith.addf %mul3A_1346, %add3A_1348 : vector<16xf32>
      %mul3A_1350 = arith.mulf %add3A_1349, %add3A_1339 : vector<16xf32>
      %add3A_1351 = arith.constant -0.459472507 : f32
      %add3A_1352 = vector.broadcast %add3A_1351 : f32 to vector<16xf32>
      %add3A_1353 = arith.addf %mul3A_1350, %add3A_1352 : vector<16xf32>
      %mul3A_1354 = arith.mulf %add3A_1353, %add3A_1339 : vector<16xf32>
      %add3A_1355 = arith.constant 1.5935533 : f32
      %add3A_1356 = vector.broadcast %add3A_1355 : f32 to vector<16xf32>
      %add3A_1357 = arith.addf %mul3A_1354, %add3A_1356 : vector<16xf32>
      %mul3A_1358 = arith.mulf %add3A_1357, %add3A_1339 : vector<16xf32>
      %add3A_1359 = arith.constant -1.19364631 : f32
      %add3A_1360 = vector.broadcast %add3A_1359 : f32 to vector<16xf32>
      %add3A_1361 = arith.addf %mul3A_1358, %add3A_1360 : vector<16xf32>
      %neg3A_1362 = arith.constant 0.000000e+00 : f32
      %neg3A_1363 = vector.broadcast %neg3A_1362 : f32 to vector<16xf32>
      %neg3A_1364 = arith.subf %neg3A_1363, %add3A_1361 : vector<16xf32>
      %exp3A_1365 = math.exp %neg3A_1364 : vector<16xf32>
      %mul3A_1366 = arith.mulf %add3A_1339, %exp3A_1365 : vector<16xf32>
      %add3A_1367 = arith.addf %add3A_1361, %mul3A_1366 : vector<16xf32>
      %sub3A_1368 = arith.constant 1.000000e+00 : f32
      %sub3A_1369 = vector.broadcast %sub3A_1368 : f32 to vector<16xf32>
      %sub3A_1370 = arith.subf %add3A_1367, %sub3A_1369 : vector<16xf32>
      %neg3A_1371 = arith.constant 0.000000e+00 : f32
      %neg3A_1372 = vector.broadcast %neg3A_1371 : f32 to vector<16xf32>
      %neg3A_1373 = arith.subf %neg3A_1372, %sub3A_1370 : vector<16xf32>
      %exp3A_1374 = math.exp %neg3A_1373 : vector<16xf32>
      %mul3A_1375 = arith.mulf %add3A_1339, %exp3A_1374 : vector<16xf32>
      %add3A_1376 = arith.addf %sub3A_1370, %mul3A_1375 : vector<16xf32>
      %sub3A_1377 = arith.constant 1.000000e+00 : f32
      %sub3A_1378 = vector.broadcast %sub3A_1377 : f32 to vector<16xf32>
      %sub3A_1379 = arith.subf %add3A_1376, %sub3A_1378 : vector<16xf32>
      %add3A_1380 = arith.addf %max3A_1316, %sub3A_1379 : vector<16xf32>
      %mul3A_1381 = arith.constant 128 : i32
      %mul3A_1382 = arith.muli %scan3A_10, %mul3A_1381 : i32
      %add3A_1383 = arith.constant 64 : i32
      %add3A_1384 = arith.addi %mul3A_1382, %add3A_1383 : i32
      %swap3A_1385 = arith.index_cast %add3A_1384 : i32 to index
      %swap3A_1386 = tpu.vector_load %arg6[%swap3A_1385] {strides = array<i32>} : memref<32768xf32, #tpu.memory_space<vmem>>, vector<16xf32>,
      %swap3A_1387 = vector.shape_cast %swap3A_1386 : vector<16xf32> to vector<16xf32>
      %swap3A_1388 = vector.shape_cast %add3A_1380 : vector<16xf32> to vector<16xf32>
      tpu.vector_store %arg6[%swap3A_1385], %swap3A_1388 {strides = array<i32>} : memref<32768xf32, #tpu.memory_space<vmem>>, vector<16xf32>,
      %mul3A_1389 = arith.constant 256 : i32
      %mul3A_1390 = arith.muli %scan3A_10, %mul3A_1389 : i32
      %add3A_1391 = arith.constant 80 : i32
      %add3A_1392 = arith.addi %mul3A_1390, %add3A_1391 : i32
      %get3A_1393 = arith.index_cast %add3A_1392 : i32 to index
      %get3A_1394 = tpu.vector_load %arg5[%get3A_1393] {strides = array<i32>} : memref<65536xf32, #tpu.memory_space<vmem>>, vector<16xf32>,
      %get3A_1395 = vector.shape_cast %get3A_1394 : vector<16xf32> to vector<16xf32>
      %add3A_1396 = arith.constant 128 : i32
      %add3A_1397 = arith.addi %add3A_1392, %add3A_1396 : i32
      %get3A_1398 = arith.index_cast %add3A_1397 : i32 to index
      %get3A_1399 = tpu.vector_load %arg5[%get3A_1398] {strides = array<i32>} : memref<65536xf32, #tpu.memory_space<vmem>>, vector<16xf32>,
      %get3A_1400 = vector.shape_cast %get3A_1399 : vector<16xf32> to vector<16xf32>
      %mul3A_1401 = arith.mulf %get3A_1395, %get3A_1395 : vector<16xf32>
      %mul3A_1402 = arith.mulf %get3A_1400, %get3A_1400 : vector<16xf32>
      %get3A_1403 = arith.constant 0 : index
      %get3A_1404 = tpu.vector_load %arg7[%get3A_1403] {strides = array<i32>} : memref<640xf32, #tpu.memory_space<vmem>>, vector<16xf32>,
      %get3A_1405 = vector.shape_cast %get3A_1404 : vector<16xf32> to vector<16xf32>
      %get3A_1406 = arith.constant 128 : index
      %get3A_1407 = tpu.vector_load %arg7[%get3A_1406] {strides = array<i32>} : memref<640xf32, #tpu.memory_space<vmem>>, vector<16xf32>,
      %get3A_1408 = vector.shape_cast %get3A_1407 : vector<16xf32> to vector<16xf32>
      %get3A_1409 = arith.constant 256 : index
      %get3A_1410 = tpu.vector_load %arg7[%get3A_1409] {strides = array<i32>} : memref<640xf32, #tpu.memory_space<vmem>>, vector<16xf32>,
      %get3A_1411 = vector.shape_cast %get3A_1410 : vector<16xf32> to vector<16xf32>
      %get3A_1412 = arith.constant 384 : index
      %get3A_1413 = tpu.vector_load %arg7[%get3A_1412] {strides = array<i32>} : memref<640xf32, #tpu.memory_space<vmem>>, vector<16xf32>,
      %get3A_1414 = vector.shape_cast %get3A_1413 : vector<16xf32> to vector<16xf32>
      %get3A_1415 = arith.constant 512 : index
      %get3A_1416 = tpu.vector_load %arg7[%get3A_1415] {strides = array<i32>} : memref<640xf32, #tpu.memory_space<vmem>>, vector<16xf32>,
      %get3A_1417 = vector.shape_cast %get3A_1416 : vector<16xf32> to vector<16xf32>
      %mul3A_1418 = arith.mulf %get3A_1405, %mul3A_1401 : vector<16xf32>
      %mul3A_1419 = arith.mulf %get3A_1408, %get3A_1395 : vector<16xf32>
      %add3A_1420 = arith.addf %mul3A_1418, %mul3A_1419 : vector<16xf32>
      %mul3A_1421 = arith.mulf %get3A_1411, %mul3A_1402 : vector<16xf32>
      %add3A_1422 = arith.addf %add3A_1420, %mul3A_1421 : vector<16xf32>
      %mul3A_1423 = arith.mulf %get3A_1414, %get3A_1400 : vector<16xf32>
      %add3A_1424 = arith.addf %add3A_1422, %mul3A_1423 : vector<16xf32>
      %add3A_1425 = arith.addf %add3A_1424, %get3A_1417 : vector<16xf32>
      %get3A_1426 = arith.constant 16 : index
      %get3A_1427 = tpu.vector_load %arg7[%get3A_1426] {strides = array<i32>} : memref<640xf32, #tpu.memory_space<vmem>>, vector<16xf32>,
      %get3A_1428 = vector.shape_cast %get3A_1427 : vector<16xf32> to vector<16xf32>
      %get3A_1429 = arith.constant 144 : index
      %get3A_1430 = tpu.vector_load %arg7[%get3A_1429] {strides = array<i32>} : memref<640xf32, #tpu.memory_space<vmem>>, vector<16xf32>,
      %get3A_1431 = vector.shape_cast %get3A_1430 : vector<16xf32> to vector<16xf32>
      %get3A_1432 = arith.constant 272 : index
      %get3A_1433 = tpu.vector_load %arg7[%get3A_1432] {strides = array<i32>} : memref<640xf32, #tpu.memory_space<vmem>>, vector<16xf32>,
      %get3A_1434 = vector.shape_cast %get3A_1433 : vector<16xf32> to vector<16xf32>
      %get3A_1435 = arith.constant 400 : index
      %get3A_1436 = tpu.vector_load %arg7[%get3A_1435] {strides = array<i32>} : memref<640xf32, #tpu.memory_space<vmem>>, vector<16xf32>,
      %get3A_1437 = vector.shape_cast %get3A_1436 : vector<16xf32> to vector<16xf32>
      %get3A_1438 = arith.constant 528 : index
      %get3A_1439 = tpu.vector_load %arg7[%get3A_1438] {strides = array<i32>} : memref<640xf32, #tpu.memory_space<vmem>>, vector<16xf32>,
      %get3A_1440 = vector.shape_cast %get3A_1439 : vector<16xf32> to vector<16xf32>
      %mul3A_1441 = arith.mulf %get3A_1428, %mul3A_1401 : vector<16xf32>
      %mul3A_1442 = arith.mulf %get3A_1431, %get3A_1395 : vector<16xf32>
      %add3A_1443 = arith.addf %mul3A_1441, %mul3A_1442 : vector<16xf32>
      %mul3A_1444 = arith.mulf %get3A_1434, %mul3A_1402 : vector<16xf32>
      %add3A_1445 = arith.addf %add3A_1443, %mul3A_1444 : vector<16xf32>
      %mul3A_1446 = arith.mulf %get3A_1437, %get3A_1400 : vector<16xf32>
      %add3A_1447 = arith.addf %add3A_1445, %mul3A_1446 : vector<16xf32>
      %add3A_1448 = arith.addf %add3A_1447, %get3A_1440 : vector<16xf32>
      %get3A_1449 = arith.constant 32 : index
      %get3A_1450 = tpu.vector_load %arg7[%get3A_1449] {strides = array<i32>} : memref<640xf32, #tpu.memory_space<vmem>>, vector<16xf32>,
      %get3A_1451 = vector.shape_cast %get3A_1450 : vector<16xf32> to vector<16xf32>
      %get3A_1452 = arith.constant 160 : index
      %get3A_1453 = tpu.vector_load %arg7[%get3A_1452] {strides = array<i32>} : memref<640xf32, #tpu.memory_space<vmem>>, vector<16xf32>,
      %get3A_1454 = vector.shape_cast %get3A_1453 : vector<16xf32> to vector<16xf32>
      %get3A_1455 = arith.constant 288 : index
      %get3A_1456 = tpu.vector_load %arg7[%get3A_1455] {strides = array<i32>} : memref<640xf32, #tpu.memory_space<vmem>>, vector<16xf32>,
      %get3A_1457 = vector.shape_cast %get3A_1456 : vector<16xf32> to vector<16xf32>
      %get3A_1458 = arith.constant 416 : index
      %get3A_1459 = tpu.vector_load %arg7[%get3A_1458] {strides = array<i32>} : memref<640xf32, #tpu.memory_space<vmem>>, vector<16xf32>,
      %get3A_1460 = vector.shape_cast %get3A_1459 : vector<16xf32> to vector<16xf32>
      %get3A_1461 = arith.constant 544 : index
      %get3A_1462 = tpu.vector_load %arg7[%get3A_1461] {strides = array<i32>} : memref<640xf32, #tpu.memory_space<vmem>>, vector<16xf32>,
      %get3A_1463 = vector.shape_cast %get3A_1462 : vector<16xf32> to vector<16xf32>
      %mul3A_1464 = arith.mulf %get3A_1451, %mul3A_1401 : vector<16xf32>
      %mul3A_1465 = arith.mulf %get3A_1454, %get3A_1395 : vector<16xf32>
      %add3A_1466 = arith.addf %mul3A_1464, %mul3A_1465 : vector<16xf32>
      %mul3A_1467 = arith.mulf %get3A_1457, %mul3A_1402 : vector<16xf32>
      %add3A_1468 = arith.addf %add3A_1466, %mul3A_1467 : vector<16xf32>
      %mul3A_1469 = arith.mulf %get3A_1460, %get3A_1400 : vector<16xf32>
      %add3A_1470 = arith.addf %add3A_1468, %mul3A_1469 : vector<16xf32>
      %add3A_1471 = arith.addf %add3A_1470, %get3A_1463 : vector<16xf32>
      %get3A_1472 = arith.constant 48 : index
      %get3A_1473 = tpu.vector_load %arg7[%get3A_1472] {strides = array<i32>} : memref<640xf32, #tpu.memory_space<vmem>>, vector<16xf32>,
      %get3A_1474 = vector.shape_cast %get3A_1473 : vector<16xf32> to vector<16xf32>
      %get3A_1475 = arith.constant 176 : index
      %get3A_1476 = tpu.vector_load %arg7[%get3A_1475] {strides = array<i32>} : memref<640xf32, #tpu.memory_space<vmem>>, vector<16xf32>,
      %get3A_1477 = vector.shape_cast %get3A_1476 : vector<16xf32> to vector<16xf32>
      %get3A_1478 = arith.constant 304 : index
      %get3A_1479 = tpu.vector_load %arg7[%get3A_1478] {strides = array<i32>} : memref<640xf32, #tpu.memory_space<vmem>>, vector<16xf32>,
      %get3A_1480 = vector.shape_cast %get3A_1479 : vector<16xf32> to vector<16xf32>
      %get3A_1481 = arith.constant 432 : index
      %get3A_1482 = tpu.vector_load %arg7[%get3A_1481] {strides = array<i32>} : memref<640xf32, #tpu.memory_space<vmem>>, vector<16xf32>,
      %get3A_1483 = vector.shape_cast %get3A_1482 : vector<16xf32> to vector<16xf32>
      %get3A_1484 = arith.constant 560 : index
      %get3A_1485 = tpu.vector_load %arg7[%get3A_1484] {strides = array<i32>} : memref<640xf32, #tpu.memory_space<vmem>>, vector<16xf32>,
      %get3A_1486 = vector.shape_cast %get3A_1485 : vector<16xf32> to vector<16xf32>
      %mul3A_1487 = arith.mulf %get3A_1474, %mul3A_1401 : vector<16xf32>
      %mul3A_1488 = arith.mulf %get3A_1477, %get3A_1395 : vector<16xf32>
      %add3A_1489 = arith.addf %mul3A_1487, %mul3A_1488 : vector<16xf32>
      %mul3A_1490 = arith.mulf %get3A_1480, %mul3A_1402 : vector<16xf32>
      %add3A_1491 = arith.addf %add3A_1489, %mul3A_1490 : vector<16xf32>
      %mul3A_1492 = arith.mulf %get3A_1483, %get3A_1400 : vector<16xf32>
      %add3A_1493 = arith.addf %add3A_1491, %mul3A_1492 : vector<16xf32>
      %add3A_1494 = arith.addf %add3A_1493, %get3A_1486 : vector<16xf32>
      %get3A_1495 = arith.constant 64 : index
      %get3A_1496 = tpu.vector_load %arg7[%get3A_1495] {strides = array<i32>} : memref<640xf32, #tpu.memory_space<vmem>>, vector<16xf32>,
      %get3A_1497 = vector.shape_cast %get3A_1496 : vector<16xf32> to vector<16xf32>
      %get3A_1498 = arith.constant 192 : index
      %get3A_1499 = tpu.vector_load %arg7[%get3A_1498] {strides = array<i32>} : memref<640xf32, #tpu.memory_space<vmem>>, vector<16xf32>,
      %get3A_1500 = vector.shape_cast %get3A_1499 : vector<16xf32> to vector<16xf32>
      %get3A_1501 = arith.constant 320 : index
      %get3A_1502 = tpu.vector_load %arg7[%get3A_1501] {strides = array<i32>} : memref<640xf32, #tpu.memory_space<vmem>>, vector<16xf32>,
      %get3A_1503 = vector.shape_cast %get3A_1502 : vector<16xf32> to vector<16xf32>
      %get3A_1504 = arith.constant 448 : index
      %get3A_1505 = tpu.vector_load %arg7[%get3A_1504] {strides = array<i32>} : memref<640xf32, #tpu.memory_space<vmem>>, vector<16xf32>,
      %get3A_1506 = vector.shape_cast %get3A_1505 : vector<16xf32> to vector<16xf32>
      %get3A_1507 = arith.constant 576 : index
      %get3A_1508 = tpu.vector_load %arg7[%get3A_1507] {strides = array<i32>} : memref<640xf32, #tpu.memory_space<vmem>>, vector<16xf32>,
      %get3A_1509 = vector.shape_cast %get3A_1508 : vector<16xf32> to vector<16xf32>
      %mul3A_1510 = arith.mulf %get3A_1497, %mul3A_1401 : vector<16xf32>
      %mul3A_1511 = arith.mulf %get3A_1500, %get3A_1395 : vector<16xf32>
      %add3A_1512 = arith.addf %mul3A_1510, %mul3A_1511 : vector<16xf32>
      %mul3A_1513 = arith.mulf %get3A_1503, %mul3A_1402 : vector<16xf32>
      %add3A_1514 = arith.addf %add3A_1512, %mul3A_1513 : vector<16xf32>
      %mul3A_1515 = arith.mulf %get3A_1506, %get3A_1400 : vector<16xf32>
      %add3A_1516 = arith.addf %add3A_1514, %mul3A_1515 : vector<16xf32>
      %add3A_1517 = arith.addf %add3A_1516, %get3A_1509 : vector<16xf32>
      %get3A_1518 = arith.constant 80 : index
      %get3A_1519 = tpu.vector_load %arg7[%get3A_1518] {strides = array<i32>} : memref<640xf32, #tpu.memory_space<vmem>>, vector<16xf32>,
      %get3A_1520 = vector.shape_cast %get3A_1519 : vector<16xf32> to vector<16xf32>
      %get3A_1521 = arith.constant 208 : index
      %get3A_1522 = tpu.vector_load %arg7[%get3A_1521] {strides = array<i32>} : memref<640xf32, #tpu.memory_space<vmem>>, vector<16xf32>,
      %get3A_1523 = vector.shape_cast %get3A_1522 : vector<16xf32> to vector<16xf32>
      %get3A_1524 = arith.constant 336 : index
      %get3A_1525 = tpu.vector_load %arg7[%get3A_1524] {strides = array<i32>} : memref<640xf32, #tpu.memory_space<vmem>>, vector<16xf32>,
      %get3A_1526 = vector.shape_cast %get3A_1525 : vector<16xf32> to vector<16xf32>
      %get3A_1527 = arith.constant 464 : index
      %get3A_1528 = tpu.vector_load %arg7[%get3A_1527] {strides = array<i32>} : memref<640xf32, #tpu.memory_space<vmem>>, vector<16xf32>,
      %get3A_1529 = vector.shape_cast %get3A_1528 : vector<16xf32> to vector<16xf32>
      %get3A_1530 = arith.constant 592 : index
      %get3A_1531 = tpu.vector_load %arg7[%get3A_1530] {strides = array<i32>} : memref<640xf32, #tpu.memory_space<vmem>>, vector<16xf32>,
      %get3A_1532 = vector.shape_cast %get3A_1531 : vector<16xf32> to vector<16xf32>
      %mul3A_1533 = arith.mulf %get3A_1520, %mul3A_1401 : vector<16xf32>
      %mul3A_1534 = arith.mulf %get3A_1523, %get3A_1395 : vector<16xf32>
      %add3A_1535 = arith.addf %mul3A_1533, %mul3A_1534 : vector<16xf32>
      %mul3A_1536 = arith.mulf %get3A_1526, %mul3A_1402 : vector<16xf32>
      %add3A_1537 = arith.addf %add3A_1535, %mul3A_1536 : vector<16xf32>
      %mul3A_1538 = arith.mulf %get3A_1529, %get3A_1400 : vector<16xf32>
      %add3A_1539 = arith.addf %add3A_1537, %mul3A_1538 : vector<16xf32>
      %add3A_1540 = arith.addf %add3A_1539, %get3A_1532 : vector<16xf32>
      %get3A_1541 = arith.constant 96 : index
      %get3A_1542 = tpu.vector_load %arg7[%get3A_1541] {strides = array<i32>} : memref<640xf32, #tpu.memory_space<vmem>>, vector<16xf32>,
      %get3A_1543 = vector.shape_cast %get3A_1542 : vector<16xf32> to vector<16xf32>
      %get3A_1544 = arith.constant 224 : index
      %get3A_1545 = tpu.vector_load %arg7[%get3A_1544] {strides = array<i32>} : memref<640xf32, #tpu.memory_space<vmem>>, vector<16xf32>,
      %get3A_1546 = vector.shape_cast %get3A_1545 : vector<16xf32> to vector<16xf32>
      %get3A_1547 = arith.constant 352 : index
      %get3A_1548 = tpu.vector_load %arg7[%get3A_1547] {strides = array<i32>} : memref<640xf32, #tpu.memory_space<vmem>>, vector<16xf32>,
      %get3A_1549 = vector.shape_cast %get3A_1548 : vector<16xf32> to vector<16xf32>
      %get3A_1550 = arith.constant 480 : index
      %get3A_1551 = tpu.vector_load %arg7[%get3A_1550] {strides = array<i32>} : memref<640xf32, #tpu.memory_space<vmem>>, vector<16xf32>,
      %get3A_1552 = vector.shape_cast %get3A_1551 : vector<16xf32> to vector<16xf32>
      %get3A_1553 = arith.constant 608 : index
      %get3A_1554 = tpu.vector_load %arg7[%get3A_1553] {strides = array<i32>} : memref<640xf32, #tpu.memory_space<vmem>>, vector<16xf32>,
      %get3A_1555 = vector.shape_cast %get3A_1554 : vector<16xf32> to vector<16xf32>
      %mul3A_1556 = arith.mulf %get3A_1543, %mul3A_1401 : vector<16xf32>
      %mul3A_1557 = arith.mulf %get3A_1546, %get3A_1395 : vector<16xf32>
      %add3A_1558 = arith.addf %mul3A_1556, %mul3A_1557 : vector<16xf32>
      %mul3A_1559 = arith.mulf %get3A_1549, %mul3A_1402 : vector<16xf32>
      %add3A_1560 = arith.addf %add3A_1558, %mul3A_1559 : vector<16xf32>
      %mul3A_1561 = arith.mulf %get3A_1552, %get3A_1400 : vector<16xf32>
      %add3A_1562 = arith.addf %add3A_1560, %mul3A_1561 : vector<16xf32>
      %add3A_1563 = arith.addf %add3A_1562, %get3A_1555 : vector<16xf32>
      %get3A_1564 = arith.constant 112 : index
      %get3A_1565 = tpu.vector_load %arg7[%get3A_1564] {strides = array<i32>} : memref<640xf32, #tpu.memory_space<vmem>>, vector<16xf32>,
      %get3A_1566 = vector.shape_cast %get3A_1565 : vector<16xf32> to vector<16xf32>
      %get3A_1567 = arith.constant 240 : index
      %get3A_1568 = tpu.vector_load %arg7[%get3A_1567] {strides = array<i32>} : memref<640xf32, #tpu.memory_space<vmem>>, vector<16xf32>,
      %get3A_1569 = vector.shape_cast %get3A_1568 : vector<16xf32> to vector<16xf32>
      %get3A_1570 = arith.constant 368 : index
      %get3A_1571 = tpu.vector_load %arg7[%get3A_1570] {strides = array<i32>} : memref<640xf32, #tpu.memory_space<vmem>>, vector<16xf32>,
      %get3A_1572 = vector.shape_cast %get3A_1571 : vector<16xf32> to vector<16xf32>
      %get3A_1573 = arith.constant 496 : index
      %get3A_1574 = tpu.vector_load %arg7[%get3A_1573] {strides = array<i32>} : memref<640xf32, #tpu.memory_space<vmem>>, vector<16xf32>,
      %get3A_1575 = vector.shape_cast %get3A_1574 : vector<16xf32> to vector<16xf32>
      %get3A_1576 = arith.constant 624 : index
      %get3A_1577 = tpu.vector_load %arg7[%get3A_1576] {strides = array<i32>} : memref<640xf32, #tpu.memory_space<vmem>>, vector<16xf32>,
      %get3A_1578 = vector.shape_cast %get3A_1577 : vector<16xf32> to vector<16xf32>
      %mul3A_1579 = arith.mulf %get3A_1566, %mul3A_1401 : vector<16xf32>
      %mul3A_1580 = arith.mulf %get3A_1569, %get3A_1395 : vector<16xf32>
      %add3A_1581 = arith.addf %mul3A_1579, %mul3A_1580 : vector<16xf32>
      %mul3A_1582 = arith.mulf %get3A_1572, %mul3A_1402 : vector<16xf32>
      %add3A_1583 = arith.addf %add3A_1581, %mul3A_1582 : vector<16xf32>
      %mul3A_1584 = arith.mulf %get3A_1575, %get3A_1400 : vector<16xf32>
      %add3A_1585 = arith.addf %add3A_1583, %mul3A_1584 : vector<16xf32>
      %add3A_1586 = arith.addf %add3A_1585, %get3A_1578 : vector<16xf32>
      %max3A_1587 = arith.maximumf %add3A_1425, %add3A_1448 : vector<16xf32>
      %max3A_1588 = arith.maximumf %max3A_1587, %add3A_1471 : vector<16xf32>
      %max3A_1589 = arith.maximumf %max3A_1588, %add3A_1494 : vector<16xf32>
      %max3A_1590 = arith.maximumf %max3A_1589, %add3A_1517 : vector<16xf32>
      %max3A_1591 = arith.maximumf %max3A_1590, %add3A_1540 : vector<16xf32>
      %max3A_1592 = arith.maximumf %max3A_1591, %add3A_1563 : vector<16xf32>
      %max3A_1593 = arith.maximumf %max3A_1592, %add3A_1586 : vector<16xf32>
      %sub3A_1594 = arith.subf %add3A_1425, %max3A_1593 : vector<16xf32>
      %exp3A_1595 = math.exp %sub3A_1594 : vector<16xf32>
      %sub3A_1596 = arith.subf %add3A_1448, %max3A_1593 : vector<16xf32>
      %exp3A_1597 = math.exp %sub3A_1596 : vector<16xf32>
      %add3A_1598 = arith.addf %exp3A_1595, %exp3A_1597 : vector<16xf32>
      %sub3A_1599 = arith.subf %add3A_1471, %max3A_1593 : vector<16xf32>
      %exp3A_1600 = math.exp %sub3A_1599 : vector<16xf32>
      %add3A_1601 = arith.addf %add3A_1598, %exp3A_1600 : vector<16xf32>
      %sub3A_1602 = arith.subf %add3A_1494, %max3A_1593 : vector<16xf32>
      %exp3A_1603 = math.exp %sub3A_1602 : vector<16xf32>
      %add3A_1604 = arith.addf %add3A_1601, %exp3A_1603 : vector<16xf32>
      %sub3A_1605 = arith.subf %add3A_1517, %max3A_1593 : vector<16xf32>
      %exp3A_1606 = math.exp %sub3A_1605 : vector<16xf32>
      %add3A_1607 = arith.addf %add3A_1604, %exp3A_1606 : vector<16xf32>
      %sub3A_1608 = arith.subf %add3A_1540, %max3A_1593 : vector<16xf32>
      %exp3A_1609 = math.exp %sub3A_1608 : vector<16xf32>
      %add3A_1610 = arith.addf %add3A_1607, %exp3A_1609 : vector<16xf32>
      %sub3A_1611 = arith.subf %add3A_1563, %max3A_1593 : vector<16xf32>
      %exp3A_1612 = math.exp %sub3A_1611 : vector<16xf32>
      %add3A_1613 = arith.addf %add3A_1610, %exp3A_1612 : vector<16xf32>
      %sub3A_1614 = arith.subf %add3A_1586, %max3A_1593 : vector<16xf32>
      %exp3A_1615 = math.exp %sub3A_1614 : vector<16xf32>
      %add3A_1616 = arith.addf %add3A_1613, %exp3A_1615 : vector<16xf32>
      %broadcast_in_dim3A_1617 = arith.constant 2.74911348E-4 : f32
      %broadcast_in_dim3A_1618 = vector.broadcast %broadcast_in_dim3A_1617 : f32 to vector<16xf32>
      %mul3A_1619 = arith.mulf %broadcast_in_dim3A_1618, %add3A_1616 : vector<16xf32>
      %add3A_1620 = arith.constant -0.00745184952 : f32
      %add3A_1621 = vector.broadcast %add3A_1620 : f32 to vector<16xf32>
      %add3A_1622 = arith.addf %mul3A_1619, %add3A_1621 : vector<16xf32>
      %mul3A_1623 = arith.mulf %add3A_1622, %add3A_1616 : vector<16xf32>
      %add3A_1624 = arith.constant 0.0809587761 : f32
      %add3A_1625 = vector.broadcast %add3A_1624 : f32 to vector<16xf32>
      %add3A_1626 = arith.addf %mul3A_1623, %add3A_1625 : vector<16xf32>
      %mul3A_1627 = arith.mulf %add3A_1626, %add3A_1616 : vector<16xf32>
      %add3A_1628 = arith.constant -0.459472507 : f32
      %add3A_1629 = vector.broadcast %add3A_1628 : f32 to vector<16xf32>
      %add3A_1630 = arith.addf %mul3A_1627, %add3A_1629 : vector<16xf32>
      %mul3A_1631 = arith.mulf %add3A_1630, %add3A_1616 : vector<16xf32>
      %add3A_1632 = arith.constant 1.5935533 : f32
      %add3A_1633 = vector.broadcast %add3A_1632 : f32 to vector<16xf32>
      %add3A_1634 = arith.addf %mul3A_1631, %add3A_1633 : vector<16xf32>
      %mul3A_1635 = arith.mulf %add3A_1634, %add3A_1616 : vector<16xf32>
      %add3A_1636 = arith.constant -1.19364631 : f32
      %add3A_1637 = vector.broadcast %add3A_1636 : f32 to vector<16xf32>
      %add3A_1638 = arith.addf %mul3A_1635, %add3A_1637 : vector<16xf32>
      %neg3A_1639 = arith.constant 0.000000e+00 : f32
      %neg3A_1640 = vector.broadcast %neg3A_1639 : f32 to vector<16xf32>
      %neg3A_1641 = arith.subf %neg3A_1640, %add3A_1638 : vector<16xf32>
      %exp3A_1642 = math.exp %neg3A_1641 : vector<16xf32>
      %mul3A_1643 = arith.mulf %add3A_1616, %exp3A_1642 : vector<16xf32>
      %add3A_1644 = arith.addf %add3A_1638, %mul3A_1643 : vector<16xf32>
      %sub3A_1645 = arith.constant 1.000000e+00 : f32
      %sub3A_1646 = vector.broadcast %sub3A_1645 : f32 to vector<16xf32>
      %sub3A_1647 = arith.subf %add3A_1644, %sub3A_1646 : vector<16xf32>
      %neg3A_1648 = arith.constant 0.000000e+00 : f32
      %neg3A_1649 = vector.broadcast %neg3A_1648 : f32 to vector<16xf32>
      %neg3A_1650 = arith.subf %neg3A_1649, %sub3A_1647 : vector<16xf32>
      %exp3A_1651 = math.exp %neg3A_1650 : vector<16xf32>
      %mul3A_1652 = arith.mulf %add3A_1616, %exp3A_1651 : vector<16xf32>
      %add3A_1653 = arith.addf %sub3A_1647, %mul3A_1652 : vector<16xf32>
      %sub3A_1654 = arith.constant 1.000000e+00 : f32
      %sub3A_1655 = vector.broadcast %sub3A_1654 : f32 to vector<16xf32>
      %sub3A_1656 = arith.subf %add3A_1653, %sub3A_1655 : vector<16xf32>
      %add3A_1657 = arith.addf %max3A_1593, %sub3A_1656 : vector<16xf32>
      %mul3A_1658 = arith.constant 128 : i32
      %mul3A_1659 = arith.muli %scan3A_10, %mul3A_1658 : i32
      %add3A_1660 = arith.constant 80 : i32
      %add3A_1661 = arith.addi %mul3A_1659, %add3A_1660 : i32
      %swap3A_1662 = arith.index_cast %add3A_1661 : i32 to index
      %swap3A_1663 = tpu.vector_load %arg6[%swap3A_1662] {strides = array<i32>} : memref<32768xf32, #tpu.memory_space<vmem>>, vector<16xf32>,
      %swap3A_1664 = vector.shape_cast %swap3A_1663 : vector<16xf32> to vector<16xf32>
      %swap3A_1665 = vector.shape_cast %add3A_1657 : vector<16xf32> to vector<16xf32>
      tpu.vector_store %arg6[%swap3A_1662], %swap3A_1665 {strides = array<i32>} : memref<32768xf32, #tpu.memory_space<vmem>>, vector<16xf32>,
      %mul3A_1666 = arith.constant 256 : i32
      %mul3A_1667 = arith.muli %scan3A_10, %mul3A_1666 : i32
      %add3A_1668 = arith.constant 96 : i32
      %add3A_1669 = arith.addi %mul3A_1667, %add3A_1668 : i32
      %get3A_1670 = arith.index_cast %add3A_1669 : i32 to index
      %get3A_1671 = tpu.vector_load %arg5[%get3A_1670] {strides = array<i32>} : memref<65536xf32, #tpu.memory_space<vmem>>, vector<16xf32>,
      %get3A_1672 = vector.shape_cast %get3A_1671 : vector<16xf32> to vector<16xf32>
      %add3A_1673 = arith.constant 128 : i32
      %add3A_1674 = arith.addi %add3A_1669, %add3A_1673 : i32
      %get3A_1675 = arith.index_cast %add3A_1674 : i32 to index
      %get3A_1676 = tpu.vector_load %arg5[%get3A_1675] {strides = array<i32>} : memref<65536xf32, #tpu.memory_space<vmem>>, vector<16xf32>,
      %get3A_1677 = vector.shape_cast %get3A_1676 : vector<16xf32> to vector<16xf32>
      %mul3A_1678 = arith.mulf %get3A_1672, %get3A_1672 : vector<16xf32>
      %mul3A_1679 = arith.mulf %get3A_1677, %get3A_1677 : vector<16xf32>
      %get3A_1680 = arith.constant 0 : index
      %get3A_1681 = tpu.vector_load %arg7[%get3A_1680] {strides = array<i32>} : memref<640xf32, #tpu.memory_space<vmem>>, vector<16xf32>,
      %get3A_1682 = vector.shape_cast %get3A_1681 : vector<16xf32> to vector<16xf32>
      %get3A_1683 = arith.constant 128 : index
      %get3A_1684 = tpu.vector_load %arg7[%get3A_1683] {strides = array<i32>} : memref<640xf32, #tpu.memory_space<vmem>>, vector<16xf32>,
      %get3A_1685 = vector.shape_cast %get3A_1684 : vector<16xf32> to vector<16xf32>
      %get3A_1686 = arith.constant 256 : index
      %get3A_1687 = tpu.vector_load %arg7[%get3A_1686] {strides = array<i32>} : memref<640xf32, #tpu.memory_space<vmem>>, vector<16xf32>,
      %get3A_1688 = vector.shape_cast %get3A_1687 : vector<16xf32> to vector<16xf32>
      %get3A_1689 = arith.constant 384 : index
      %get3A_1690 = tpu.vector_load %arg7[%get3A_1689] {strides = array<i32>} : memref<640xf32, #tpu.memory_space<vmem>>, vector<16xf32>,
      %get3A_1691 = vector.shape_cast %get3A_1690 : vector<16xf32> to vector<16xf32>
      %get3A_1692 = arith.constant 512 : index
      %get3A_1693 = tpu.vector_load %arg7[%get3A_1692] {strides = array<i32>} : memref<640xf32, #tpu.memory_space<vmem>>, vector<16xf32>,
      %get3A_1694 = vector.shape_cast %get3A_1693 : vector<16xf32> to vector<16xf32>
      %mul3A_1695 = arith.mulf %get3A_1682, %mul3A_1678 : vector<16xf32>
      %mul3A_1696 = arith.mulf %get3A_1685, %get3A_1672 : vector<16xf32>
      %add3A_1697 = arith.addf %mul3A_1695, %mul3A_1696 : vector<16xf32>
      %mul3A_1698 = arith.mulf %get3A_1688, %mul3A_1679 : vector<16xf32>
      %add3A_1699 = arith.addf %add3A_1697, %mul3A_1698 : vector<16xf32>
      %mul3A_1700 = arith.mulf %get3A_1691, %get3A_1677 : vector<16xf32>
      %add3A_1701 = arith.addf %add3A_1699, %mul3A_1700 : vector<16xf32>
      %add3A_1702 = arith.addf %add3A_1701, %get3A_1694 : vector<16xf32>
      %get3A_1703 = arith.constant 16 : index
      %get3A_1704 = tpu.vector_load %arg7[%get3A_1703] {strides = array<i32>} : memref<640xf32, #tpu.memory_space<vmem>>, vector<16xf32>,
      %get3A_1705 = vector.shape_cast %get3A_1704 : vector<16xf32> to vector<16xf32>
      %get3A_1706 = arith.constant 144 : index
      %get3A_1707 = tpu.vector_load %arg7[%get3A_1706] {strides = array<i32>} : memref<640xf32, #tpu.memory_space<vmem>>, vector<16xf32>,
      %get3A_1708 = vector.shape_cast %get3A_1707 : vector<16xf32> to vector<16xf32>
      %get3A_1709 = arith.constant 272 : index
      %get3A_1710 = tpu.vector_load %arg7[%get3A_1709] {strides = array<i32>} : memref<640xf32, #tpu.memory_space<vmem>>, vector<16xf32>,
      %get3A_1711 = vector.shape_cast %get3A_1710 : vector<16xf32> to vector<16xf32>
      %get3A_1712 = arith.constant 400 : index
      %get3A_1713 = tpu.vector_load %arg7[%get3A_1712] {strides = array<i32>} : memref<640xf32, #tpu.memory_space<vmem>>, vector<16xf32>,
      %get3A_1714 = vector.shape_cast %get3A_1713 : vector<16xf32> to vector<16xf32>
      %get3A_1715 = arith.constant 528 : index
      %get3A_1716 = tpu.vector_load %arg7[%get3A_1715] {strides = array<i32>} : memref<640xf32, #tpu.memory_space<vmem>>, vector<16xf32>,
      %get3A_1717 = vector.shape_cast %get3A_1716 : vector<16xf32> to vector<16xf32>
      %mul3A_1718 = arith.mulf %get3A_1705, %mul3A_1678 : vector<16xf32>
      %mul3A_1719 = arith.mulf %get3A_1708, %get3A_1672 : vector<16xf32>
      %add3A_1720 = arith.addf %mul3A_1718, %mul3A_1719 : vector<16xf32>
      %mul3A_1721 = arith.mulf %get3A_1711, %mul3A_1679 : vector<16xf32>
      %add3A_1722 = arith.addf %add3A_1720, %mul3A_1721 : vector<16xf32>
      %mul3A_1723 = arith.mulf %get3A_1714, %get3A_1677 : vector<16xf32>
      %add3A_1724 = arith.addf %add3A_1722, %mul3A_1723 : vector<16xf32>
      %add3A_1725 = arith.addf %add3A_1724, %get3A_1717 : vector<16xf32>
      %get3A_1726 = arith.constant 32 : index
      %get3A_1727 = tpu.vector_load %arg7[%get3A_1726] {strides = array<i32>} : memref<640xf32, #tpu.memory_space<vmem>>, vector<16xf32>,
      %get3A_1728 = vector.shape_cast %get3A_1727 : vector<16xf32> to vector<16xf32>
      %get3A_1729 = arith.constant 160 : index
      %get3A_1730 = tpu.vector_load %arg7[%get3A_1729] {strides = array<i32>} : memref<640xf32, #tpu.memory_space<vmem>>, vector<16xf32>,
      %get3A_1731 = vector.shape_cast %get3A_1730 : vector<16xf32> to vector<16xf32>
      %get3A_1732 = arith.constant 288 : index
      %get3A_1733 = tpu.vector_load %arg7[%get3A_1732] {strides = array<i32>} : memref<640xf32, #tpu.memory_space<vmem>>, vector<16xf32>,
      %get3A_1734 = vector.shape_cast %get3A_1733 : vector<16xf32> to vector<16xf32>
      %get3A_1735 = arith.constant 416 : index
      %get3A_1736 = tpu.vector_load %arg7[%get3A_1735] {strides = array<i32>} : memref<640xf32, #tpu.memory_space<vmem>>, vector<16xf32>,
      %get3A_1737 = vector.shape_cast %get3A_1736 : vector<16xf32> to vector<16xf32>
      %get3A_1738 = arith.constant 544 : index
      %get3A_1739 = tpu.vector_load %arg7[%get3A_1738] {strides = array<i32>} : memref<640xf32, #tpu.memory_space<vmem>>, vector<16xf32>,
      %get3A_1740 = vector.shape_cast %get3A_1739 : vector<16xf32> to vector<16xf32>
      %mul3A_1741 = arith.mulf %get3A_1728, %mul3A_1678 : vector<16xf32>
      %mul3A_1742 = arith.mulf %get3A_1731, %get3A_1672 : vector<16xf32>
      %add3A_1743 = arith.addf %mul3A_1741, %mul3A_1742 : vector<16xf32>
      %mul3A_1744 = arith.mulf %get3A_1734, %mul3A_1679 : vector<16xf32>
      %add3A_1745 = arith.addf %add3A_1743, %mul3A_1744 : vector<16xf32>
      %mul3A_1746 = arith.mulf %get3A_1737, %get3A_1677 : vector<16xf32>
      %add3A_1747 = arith.addf %add3A_1745, %mul3A_1746 : vector<16xf32>
      %add3A_1748 = arith.addf %add3A_1747, %get3A_1740 : vector<16xf32>
      %get3A_1749 = arith.constant 48 : index
      %get3A_1750 = tpu.vector_load %arg7[%get3A_1749] {strides = array<i32>} : memref<640xf32, #tpu.memory_space<vmem>>, vector<16xf32>,
      %get3A_1751 = vector.shape_cast %get3A_1750 : vector<16xf32> to vector<16xf32>
      %get3A_1752 = arith.constant 176 : index
      %get3A_1753 = tpu.vector_load %arg7[%get3A_1752] {strides = array<i32>} : memref<640xf32, #tpu.memory_space<vmem>>, vector<16xf32>,
      %get3A_1754 = vector.shape_cast %get3A_1753 : vector<16xf32> to vector<16xf32>
      %get3A_1755 = arith.constant 304 : index
      %get3A_1756 = tpu.vector_load %arg7[%get3A_1755] {strides = array<i32>} : memref<640xf32, #tpu.memory_space<vmem>>, vector<16xf32>,
      %get3A_1757 = vector.shape_cast %get3A_1756 : vector<16xf32> to vector<16xf32>
      %get3A_1758 = arith.constant 432 : index
      %get3A_1759 = tpu.vector_load %arg7[%get3A_1758] {strides = array<i32>} : memref<640xf32, #tpu.memory_space<vmem>>, vector<16xf32>,
      %get3A_1760 = vector.shape_cast %get3A_1759 : vector<16xf32> to vector<16xf32>
      %get3A_1761 = arith.constant 560 : index
      %get3A_1762 = tpu.vector_load %arg7[%get3A_1761] {strides = array<i32>} : memref<640xf32, #tpu.memory_space<vmem>>, vector<16xf32>,
      %get3A_1763 = vector.shape_cast %get3A_1762 : vector<16xf32> to vector<16xf32>
      %mul3A_1764 = arith.mulf %get3A_1751, %mul3A_1678 : vector<16xf32>
      %mul3A_1765 = arith.mulf %get3A_1754, %get3A_1672 : vector<16xf32>
      %add3A_1766 = arith.addf %mul3A_1764, %mul3A_1765 : vector<16xf32>
      %mul3A_1767 = arith.mulf %get3A_1757, %mul3A_1679 : vector<16xf32>
      %add3A_1768 = arith.addf %add3A_1766, %mul3A_1767 : vector<16xf32>
      %mul3A_1769 = arith.mulf %get3A_1760, %get3A_1677 : vector<16xf32>
      %add3A_1770 = arith.addf %add3A_1768, %mul3A_1769 : vector<16xf32>
      %add3A_1771 = arith.addf %add3A_1770, %get3A_1763 : vector<16xf32>
      %get3A_1772 = arith.constant 64 : index
      %get3A_1773 = tpu.vector_load %arg7[%get3A_1772] {strides = array<i32>} : memref<640xf32, #tpu.memory_space<vmem>>, vector<16xf32>,
      %get3A_1774 = vector.shape_cast %get3A_1773 : vector<16xf32> to vector<16xf32>
      %get3A_1775 = arith.constant 192 : index
      %get3A_1776 = tpu.vector_load %arg7[%get3A_1775] {strides = array<i32>} : memref<640xf32, #tpu.memory_space<vmem>>, vector<16xf32>,
      %get3A_1777 = vector.shape_cast %get3A_1776 : vector<16xf32> to vector<16xf32>
      %get3A_1778 = arith.constant 320 : index
      %get3A_1779 = tpu.vector_load %arg7[%get3A_1778] {strides = array<i32>} : memref<640xf32, #tpu.memory_space<vmem>>, vector<16xf32>,
      %get3A_1780 = vector.shape_cast %get3A_1779 : vector<16xf32> to vector<16xf32>
      %get3A_1781 = arith.constant 448 : index
      %get3A_1782 = tpu.vector_load %arg7[%get3A_1781] {strides = array<i32>} : memref<640xf32, #tpu.memory_space<vmem>>, vector<16xf32>,
      %get3A_1783 = vector.shape_cast %get3A_1782 : vector<16xf32> to vector<16xf32>
      %get3A_1784 = arith.constant 576 : index
      %get3A_1785 = tpu.vector_load %arg7[%get3A_1784] {strides = array<i32>} : memref<640xf32, #tpu.memory_space<vmem>>, vector<16xf32>,
      %get3A_1786 = vector.shape_cast %get3A_1785 : vector<16xf32> to vector<16xf32>
      %mul3A_1787 = arith.mulf %get3A_1774, %mul3A_1678 : vector<16xf32>
      %mul3A_1788 = arith.mulf %get3A_1777, %get3A_1672 : vector<16xf32>
      %add3A_1789 = arith.addf %mul3A_1787, %mul3A_1788 : vector<16xf32>
      %mul3A_1790 = arith.mulf %get3A_1780, %mul3A_1679 : vector<16xf32>
      %add3A_1791 = arith.addf %add3A_1789, %mul3A_1790 : vector<16xf32>
      %mul3A_1792 = arith.mulf %get3A_1783, %get3A_1677 : vector<16xf32>
      %add3A_1793 = arith.addf %add3A_1791, %mul3A_1792 : vector<16xf32>
      %add3A_1794 = arith.addf %add3A_1793, %get3A_1786 : vector<16xf32>
      %get3A_1795 = arith.constant 80 : index
      %get3A_1796 = tpu.vector_load %arg7[%get3A_1795] {strides = array<i32>} : memref<640xf32, #tpu.memory_space<vmem>>, vector<16xf32>,
      %get3A_1797 = vector.shape_cast %get3A_1796 : vector<16xf32> to vector<16xf32>
      %get3A_1798 = arith.constant 208 : index
      %get3A_1799 = tpu.vector_load %arg7[%get3A_1798] {strides = array<i32>} : memref<640xf32, #tpu.memory_space<vmem>>, vector<16xf32>,
      %get3A_1800 = vector.shape_cast %get3A_1799 : vector<16xf32> to vector<16xf32>
      %get3A_1801 = arith.constant 336 : index
      %get3A_1802 = tpu.vector_load %arg7[%get3A_1801] {strides = array<i32>} : memref<640xf32, #tpu.memory_space<vmem>>, vector<16xf32>,
      %get3A_1803 = vector.shape_cast %get3A_1802 : vector<16xf32> to vector<16xf32>
      %get3A_1804 = arith.constant 464 : index
      %get3A_1805 = tpu.vector_load %arg7[%get3A_1804] {strides = array<i32>} : memref<640xf32, #tpu.memory_space<vmem>>, vector<16xf32>,
      %get3A_1806 = vector.shape_cast %get3A_1805 : vector<16xf32> to vector<16xf32>
      %get3A_1807 = arith.constant 592 : index
      %get3A_1808 = tpu.vector_load %arg7[%get3A_1807] {strides = array<i32>} : memref<640xf32, #tpu.memory_space<vmem>>, vector<16xf32>,
      %get3A_1809 = vector.shape_cast %get3A_1808 : vector<16xf32> to vector<16xf32>
      %mul3A_1810 = arith.mulf %get3A_1797, %mul3A_1678 : vector<16xf32>
      %mul3A_1811 = arith.mulf %get3A_1800, %get3A_1672 : vector<16xf32>
      %add3A_1812 = arith.addf %mul3A_1810, %mul3A_1811 : vector<16xf32>
      %mul3A_1813 = arith.mulf %get3A_1803, %mul3A_1679 : vector<16xf32>
      %add3A_1814 = arith.addf %add3A_1812, %mul3A_1813 : vector<16xf32>
      %mul3A_1815 = arith.mulf %get3A_1806, %get3A_1677 : vector<16xf32>
      %add3A_1816 = arith.addf %add3A_1814, %mul3A_1815 : vector<16xf32>
      %add3A_1817 = arith.addf %add3A_1816, %get3A_1809 : vector<16xf32>
      %get3A_1818 = arith.constant 96 : index
      %get3A_1819 = tpu.vector_load %arg7[%get3A_1818] {strides = array<i32>} : memref<640xf32, #tpu.memory_space<vmem>>, vector<16xf32>,
      %get3A_1820 = vector.shape_cast %get3A_1819 : vector<16xf32> to vector<16xf32>
      %get3A_1821 = arith.constant 224 : index
      %get3A_1822 = tpu.vector_load %arg7[%get3A_1821] {strides = array<i32>} : memref<640xf32, #tpu.memory_space<vmem>>, vector<16xf32>,
      %get3A_1823 = vector.shape_cast %get3A_1822 : vector<16xf32> to vector<16xf32>
      %get3A_1824 = arith.constant 352 : index
      %get3A_1825 = tpu.vector_load %arg7[%get3A_1824] {strides = array<i32>} : memref<640xf32, #tpu.memory_space<vmem>>, vector<16xf32>,
      %get3A_1826 = vector.shape_cast %get3A_1825 : vector<16xf32> to vector<16xf32>
      %get3A_1827 = arith.constant 480 : index
      %get3A_1828 = tpu.vector_load %arg7[%get3A_1827] {strides = array<i32>} : memref<640xf32, #tpu.memory_space<vmem>>, vector<16xf32>,
      %get3A_1829 = vector.shape_cast %get3A_1828 : vector<16xf32> to vector<16xf32>
      %get3A_1830 = arith.constant 608 : index
      %get3A_1831 = tpu.vector_load %arg7[%get3A_1830] {strides = array<i32>} : memref<640xf32, #tpu.memory_space<vmem>>, vector<16xf32>,
      %get3A_1832 = vector.shape_cast %get3A_1831 : vector<16xf32> to vector<16xf32>
      %mul3A_1833 = arith.mulf %get3A_1820, %mul3A_1678 : vector<16xf32>
      %mul3A_1834 = arith.mulf %get3A_1823, %get3A_1672 : vector<16xf32>
      %add3A_1835 = arith.addf %mul3A_1833, %mul3A_1834 : vector<16xf32>
      %mul3A_1836 = arith.mulf %get3A_1826, %mul3A_1679 : vector<16xf32>
      %add3A_1837 = arith.addf %add3A_1835, %mul3A_1836 : vector<16xf32>
      %mul3A_1838 = arith.mulf %get3A_1829, %get3A_1677 : vector<16xf32>
      %add3A_1839 = arith.addf %add3A_1837, %mul3A_1838 : vector<16xf32>
      %add3A_1840 = arith.addf %add3A_1839, %get3A_1832 : vector<16xf32>
      %get3A_1841 = arith.constant 112 : index
      %get3A_1842 = tpu.vector_load %arg7[%get3A_1841] {strides = array<i32>} : memref<640xf32, #tpu.memory_space<vmem>>, vector<16xf32>,
      %get3A_1843 = vector.shape_cast %get3A_1842 : vector<16xf32> to vector<16xf32>
      %get3A_1844 = arith.constant 240 : index
      %get3A_1845 = tpu.vector_load %arg7[%get3A_1844] {strides = array<i32>} : memref<640xf32, #tpu.memory_space<vmem>>, vector<16xf32>,
      %get3A_1846 = vector.shape_cast %get3A_1845 : vector<16xf32> to vector<16xf32>
      %get3A_1847 = arith.constant 368 : index
      %get3A_1848 = tpu.vector_load %arg7[%get3A_1847] {strides = array<i32>} : memref<640xf32, #tpu.memory_space<vmem>>, vector<16xf32>,
      %get3A_1849 = vector.shape_cast %get3A_1848 : vector<16xf32> to vector<16xf32>
      %get3A_1850 = arith.constant 496 : index
      %get3A_1851 = tpu.vector_load %arg7[%get3A_1850] {strides = array<i32>} : memref<640xf32, #tpu.memory_space<vmem>>, vector<16xf32>,
      %get3A_1852 = vector.shape_cast %get3A_1851 : vector<16xf32> to vector<16xf32>
      %get3A_1853 = arith.constant 624 : index
      %get3A_1854 = tpu.vector_load %arg7[%get3A_1853] {strides = array<i32>} : memref<640xf32, #tpu.memory_space<vmem>>, vector<16xf32>,
      %get3A_1855 = vector.shape_cast %get3A_1854 : vector<16xf32> to vector<16xf32>
      %mul3A_1856 = arith.mulf %get3A_1843, %mul3A_1678 : vector<16xf32>
      %mul3A_1857 = arith.mulf %get3A_1846, %get3A_1672 : vector<16xf32>
      %add3A_1858 = arith.addf %mul3A_1856, %mul3A_1857 : vector<16xf32>
      %mul3A_1859 = arith.mulf %get3A_1849, %mul3A_1679 : vector<16xf32>
      %add3A_1860 = arith.addf %add3A_1858, %mul3A_1859 : vector<16xf32>
      %mul3A_1861 = arith.mulf %get3A_1852, %get3A_1677 : vector<16xf32>
      %add3A_1862 = arith.addf %add3A_1860, %mul3A_1861 : vector<16xf32>
      %add3A_1863 = arith.addf %add3A_1862, %get3A_1855 : vector<16xf32>
      %max3A_1864 = arith.maximumf %add3A_1702, %add3A_1725 : vector<16xf32>
      %max3A_1865 = arith.maximumf %max3A_1864, %add3A_1748 : vector<16xf32>
      %max3A_1866 = arith.maximumf %max3A_1865, %add3A_1771 : vector<16xf32>
      %max3A_1867 = arith.maximumf %max3A_1866, %add3A_1794 : vector<16xf32>
      %max3A_1868 = arith.maximumf %max3A_1867, %add3A_1817 : vector<16xf32>
      %max3A_1869 = arith.maximumf %max3A_1868, %add3A_1840 : vector<16xf32>
      %max3A_1870 = arith.maximumf %max3A_1869, %add3A_1863 : vector<16xf32>
      %sub3A_1871 = arith.subf %add3A_1702, %max3A_1870 : vector<16xf32>
      %exp3A_1872 = math.exp %sub3A_1871 : vector<16xf32>
      %sub3A_1873 = arith.subf %add3A_1725, %max3A_1870 : vector<16xf32>
      %exp3A_1874 = math.exp %sub3A_1873 : vector<16xf32>
      %add3A_1875 = arith.addf %exp3A_1872, %exp3A_1874 : vector<16xf32>
      %sub3A_1876 = arith.subf %add3A_1748, %max3A_1870 : vector<16xf32>
      %exp3A_1877 = math.exp %sub3A_1876 : vector<16xf32>
      %add3A_1878 = arith.addf %add3A_1875, %exp3A_1877 : vector<16xf32>
      %sub3A_1879 = arith.subf %add3A_1771, %max3A_1870 : vector<16xf32>
      %exp3A_1880 = math.exp %sub3A_1879 : vector<16xf32>
      %add3A_1881 = arith.addf %add3A_1878, %exp3A_1880 : vector<16xf32>
      %sub3A_1882 = arith.subf %add3A_1794, %max3A_1870 : vector<16xf32>
      %exp3A_1883 = math.exp %sub3A_1882 : vector<16xf32>
      %add3A_1884 = arith.addf %add3A_1881, %exp3A_1883 : vector<16xf32>
      %sub3A_1885 = arith.subf %add3A_1817, %max3A_1870 : vector<16xf32>
      %exp3A_1886 = math.exp %sub3A_1885 : vector<16xf32>
      %add3A_1887 = arith.addf %add3A_1884, %exp3A_1886 : vector<16xf32>
      %sub3A_1888 = arith.subf %add3A_1840, %max3A_1870 : vector<16xf32>
      %exp3A_1889 = math.exp %sub3A_1888 : vector<16xf32>
      %add3A_1890 = arith.addf %add3A_1887, %exp3A_1889 : vector<16xf32>
      %sub3A_1891 = arith.subf %add3A_1863, %max3A_1870 : vector<16xf32>
      %exp3A_1892 = math.exp %sub3A_1891 : vector<16xf32>
      %add3A_1893 = arith.addf %add3A_1890, %exp3A_1892 : vector<16xf32>
      %broadcast_in_dim3A_1894 = arith.constant 2.74911348E-4 : f32
      %broadcast_in_dim3A_1895 = vector.broadcast %broadcast_in_dim3A_1894 : f32 to vector<16xf32>
      %mul3A_1896 = arith.mulf %broadcast_in_dim3A_1895, %add3A_1893 : vector<16xf32>
      %add3A_1897 = arith.constant -0.00745184952 : f32
      %add3A_1898 = vector.broadcast %add3A_1897 : f32 to vector<16xf32>
      %add3A_1899 = arith.addf %mul3A_1896, %add3A_1898 : vector<16xf32>
      %mul3A_1900 = arith.mulf %add3A_1899, %add3A_1893 : vector<16xf32>
      %add3A_1901 = arith.constant 0.0809587761 : f32
      %add3A_1902 = vector.broadcast %add3A_1901 : f32 to vector<16xf32>
      %add3A_1903 = arith.addf %mul3A_1900, %add3A_1902 : vector<16xf32>
      %mul3A_1904 = arith.mulf %add3A_1903, %add3A_1893 : vector<16xf32>
      %add3A_1905 = arith.constant -0.459472507 : f32
      %add3A_1906 = vector.broadcast %add3A_1905 : f32 to vector<16xf32>
      %add3A_1907 = arith.addf %mul3A_1904, %add3A_1906 : vector<16xf32>
      %mul3A_1908 = arith.mulf %add3A_1907, %add3A_1893 : vector<16xf32>
      %add3A_1909 = arith.constant 1.5935533 : f32
      %add3A_1910 = vector.broadcast %add3A_1909 : f32 to vector<16xf32>
      %add3A_1911 = arith.addf %mul3A_1908, %add3A_1910 : vector<16xf32>
      %mul3A_1912 = arith.mulf %add3A_1911, %add3A_1893 : vector<16xf32>
      %add3A_1913 = arith.constant -1.19364631 : f32
      %add3A_1914 = vector.broadcast %add3A_1913 : f32 to vector<16xf32>
      %add3A_1915 = arith.addf %mul3A_1912, %add3A_1914 : vector<16xf32>
      %neg3A_1916 = arith.constant 0.000000e+00 : f32
      %neg3A_1917 = vector.broadcast %neg3A_1916 : f32 to vector<16xf32>
      %neg3A_1918 = arith.subf %neg3A_1917, %add3A_1915 : vector<16xf32>
      %exp3A_1919 = math.exp %neg3A_1918 : vector<16xf32>
      %mul3A_1920 = arith.mulf %add3A_1893, %exp3A_1919 : vector<16xf32>
      %add3A_1921 = arith.addf %add3A_1915, %mul3A_1920 : vector<16xf32>
      %sub3A_1922 = arith.constant 1.000000e+00 : f32
      %sub3A_1923 = vector.broadcast %sub3A_1922 : f32 to vector<16xf32>
      %sub3A_1924 = arith.subf %add3A_1921, %sub3A_1923 : vector<16xf32>
      %neg3A_1925 = arith.constant 0.000000e+00 : f32
      %neg3A_1926 = vector.broadcast %neg3A_1925 : f32 to vector<16xf32>
      %neg3A_1927 = arith.subf %neg3A_1926, %sub3A_1924 : vector<16xf32>
      %exp3A_1928 = math.exp %neg3A_1927 : vector<16xf32>
      %mul3A_1929 = arith.mulf %add3A_1893, %exp3A_1928 : vector<16xf32>
      %add3A_1930 = arith.addf %sub3A_1924, %mul3A_1929 : vector<16xf32>
      %sub3A_1931 = arith.constant 1.000000e+00 : f32
      %sub3A_1932 = vector.broadcast %sub3A_1931 : f32 to vector<16xf32>
      %sub3A_1933 = arith.subf %add3A_1930, %sub3A_1932 : vector<16xf32>
      %add3A_1934 = arith.addf %max3A_1870, %sub3A_1933 : vector<16xf32>
      %mul3A_1935 = arith.constant 128 : i32
      %mul3A_1936 = arith.muli %scan3A_10, %mul3A_1935 : i32
      %add3A_1937 = arith.constant 96 : i32
      %add3A_1938 = arith.addi %mul3A_1936, %add3A_1937 : i32
      %swap3A_1939 = arith.index_cast %add3A_1938 : i32 to index
      %swap3A_1940 = tpu.vector_load %arg6[%swap3A_1939] {strides = array<i32>} : memref<32768xf32, #tpu.memory_space<vmem>>, vector<16xf32>,
      %swap3A_1941 = vector.shape_cast %swap3A_1940 : vector<16xf32> to vector<16xf32>
      %swap3A_1942 = vector.shape_cast %add3A_1934 : vector<16xf32> to vector<16xf32>
      tpu.vector_store %arg6[%swap3A_1939], %swap3A_1942 {strides = array<i32>} : memref<32768xf32, #tpu.memory_space<vmem>>, vector<16xf32>,
      %mul3A_1943 = arith.constant 256 : i32
      %mul3A_1944 = arith.muli %scan3A_10, %mul3A_1943 : i32
      %add3A_1945 = arith.constant 112 : i32
      %add3A_1946 = arith.addi %mul3A_1944, %add3A_1945 : i32
      %get3A_1947 = arith.index_cast %add3A_1946 : i32 to index
      %get3A_1948 = tpu.vector_load %arg5[%get3A_1947] {strides = array<i32>} : memref<65536xf32, #tpu.memory_space<vmem>>, vector<16xf32>,
      %get3A_1949 = vector.shape_cast %get3A_1948 : vector<16xf32> to vector<16xf32>
      %add3A_1950 = arith.constant 128 : i32
      %add3A_1951 = arith.addi %add3A_1946, %add3A_1950 : i32
      %get3A_1952 = arith.index_cast %add3A_1951 : i32 to index
      %get3A_1953 = tpu.vector_load %arg5[%get3A_1952] {strides = array<i32>} : memref<65536xf32, #tpu.memory_space<vmem>>, vector<16xf32>,
      %get3A_1954 = vector.shape_cast %get3A_1953 : vector<16xf32> to vector<16xf32>
      %mul3A_1955 = arith.mulf %get3A_1949, %get3A_1949 : vector<16xf32>
      %mul3A_1956 = arith.mulf %get3A_1954, %get3A_1954 : vector<16xf32>
      %get3A_1957 = arith.constant 0 : index
      %get3A_1958 = tpu.vector_load %arg7[%get3A_1957] {strides = array<i32>} : memref<640xf32, #tpu.memory_space<vmem>>, vector<16xf32>,
      %get3A_1959 = vector.shape_cast %get3A_1958 : vector<16xf32> to vector<16xf32>
      %get3A_1960 = arith.constant 128 : index
      %get3A_1961 = tpu.vector_load %arg7[%get3A_1960] {strides = array<i32>} : memref<640xf32, #tpu.memory_space<vmem>>, vector<16xf32>,
      %get3A_1962 = vector.shape_cast %get3A_1961 : vector<16xf32> to vector<16xf32>
      %get3A_1963 = arith.constant 256 : index
      %get3A_1964 = tpu.vector_load %arg7[%get3A_1963] {strides = array<i32>} : memref<640xf32, #tpu.memory_space<vmem>>, vector<16xf32>,
      %get3A_1965 = vector.shape_cast %get3A_1964 : vector<16xf32> to vector<16xf32>
      %get3A_1966 = arith.constant 384 : index
      %get3A_1967 = tpu.vector_load %arg7[%get3A_1966] {strides = array<i32>} : memref<640xf32, #tpu.memory_space<vmem>>, vector<16xf32>,
      %get3A_1968 = vector.shape_cast %get3A_1967 : vector<16xf32> to vector<16xf32>
      %get3A_1969 = arith.constant 512 : index
      %get3A_1970 = tpu.vector_load %arg7[%get3A_1969] {strides = array<i32>} : memref<640xf32, #tpu.memory_space<vmem>>, vector<16xf32>,
      %get3A_1971 = vector.shape_cast %get3A_1970 : vector<16xf32> to vector<16xf32>
      %mul3A_1972 = arith.mulf %get3A_1959, %mul3A_1955 : vector<16xf32>
      %mul3A_1973 = arith.mulf %get3A_1962, %get3A_1949 : vector<16xf32>
      %add3A_1974 = arith.addf %mul3A_1972, %mul3A_1973 : vector<16xf32>
      %mul3A_1975 = arith.mulf %get3A_1965, %mul3A_1956 : vector<16xf32>
      %add3A_1976 = arith.addf %add3A_1974, %mul3A_1975 : vector<16xf32>
      %mul3A_1977 = arith.mulf %get3A_1968, %get3A_1954 : vector<16xf32>
      %add3A_1978 = arith.addf %add3A_1976, %mul3A_1977 : vector<16xf32>
      %add3A_1979 = arith.addf %add3A_1978, %get3A_1971 : vector<16xf32>
      %get3A_1980 = arith.constant 16 : index
      %get3A_1981 = tpu.vector_load %arg7[%get3A_1980] {strides = array<i32>} : memref<640xf32, #tpu.memory_space<vmem>>, vector<16xf32>,
      %get3A_1982 = vector.shape_cast %get3A_1981 : vector<16xf32> to vector<16xf32>
      %get3A_1983 = arith.constant 144 : index
      %get3A_1984 = tpu.vector_load %arg7[%get3A_1983] {strides = array<i32>} : memref<640xf32, #tpu.memory_space<vmem>>, vector<16xf32>,
      %get3A_1985 = vector.shape_cast %get3A_1984 : vector<16xf32> to vector<16xf32>
      %get3A_1986 = arith.constant 272 : index
      %get3A_1987 = tpu.vector_load %arg7[%get3A_1986] {strides = array<i32>} : memref<640xf32, #tpu.memory_space<vmem>>, vector<16xf32>,
      %get3A_1988 = vector.shape_cast %get3A_1987 : vector<16xf32> to vector<16xf32>
      %get3A_1989 = arith.constant 400 : index
      %get3A_1990 = tpu.vector_load %arg7[%get3A_1989] {strides = array<i32>} : memref<640xf32, #tpu.memory_space<vmem>>, vector<16xf32>,
      %get3A_1991 = vector.shape_cast %get3A_1990 : vector<16xf32> to vector<16xf32>
      %get3A_1992 = arith.constant 528 : index
      %get3A_1993 = tpu.vector_load %arg7[%get3A_1992] {strides = array<i32>} : memref<640xf32, #tpu.memory_space<vmem>>, vector<16xf32>,
      %get3A_1994 = vector.shape_cast %get3A_1993 : vector<16xf32> to vector<16xf32>
      %mul3A_1995 = arith.mulf %get3A_1982, %mul3A_1955 : vector<16xf32>
      %mul3A_1996 = arith.mulf %get3A_1985, %get3A_1949 : vector<16xf32>
      %add3A_1997 = arith.addf %mul3A_1995, %mul3A_1996 : vector<16xf32>
      %mul3A_1998 = arith.mulf %get3A_1988, %mul3A_1956 : vector<16xf32>
      %add3A_1999 = arith.addf %add3A_1997, %mul3A_1998 : vector<16xf32>
      %mul3A_2000 = arith.mulf %get3A_1991, %get3A_1954 : vector<16xf32>
      %add3A_2001 = arith.addf %add3A_1999, %mul3A_2000 : vector<16xf32>
      %add3A_2002 = arith.addf %add3A_2001, %get3A_1994 : vector<16xf32>
      %get3A_2003 = arith.constant 32 : index
      %get3A_2004 = tpu.vector_load %arg7[%get3A_2003] {strides = array<i32>} : memref<640xf32, #tpu.memory_space<vmem>>, vector<16xf32>,
      %get3A_2005 = vector.shape_cast %get3A_2004 : vector<16xf32> to vector<16xf32>
      %get3A_2006 = arith.constant 160 : index
      %get3A_2007 = tpu.vector_load %arg7[%get3A_2006] {strides = array<i32>} : memref<640xf32, #tpu.memory_space<vmem>>, vector<16xf32>,
      %get3A_2008 = vector.shape_cast %get3A_2007 : vector<16xf32> to vector<16xf32>
      %get3A_2009 = arith.constant 288 : index
      %get3A_2010 = tpu.vector_load %arg7[%get3A_2009] {strides = array<i32>} : memref<640xf32, #tpu.memory_space<vmem>>, vector<16xf32>,
      %get3A_2011 = vector.shape_cast %get3A_2010 : vector<16xf32> to vector<16xf32>
      %get3A_2012 = arith.constant 416 : index
      %get3A_2013 = tpu.vector_load %arg7[%get3A_2012] {strides = array<i32>} : memref<640xf32, #tpu.memory_space<vmem>>, vector<16xf32>,
      %get3A_2014 = vector.shape_cast %get3A_2013 : vector<16xf32> to vector<16xf32>
      %get3A_2015 = arith.constant 544 : index
      %get3A_2016 = tpu.vector_load %arg7[%get3A_2015] {strides = array<i32>} : memref<640xf32, #tpu.memory_space<vmem>>, vector<16xf32>,
      %get3A_2017 = vector.shape_cast %get3A_2016 : vector<16xf32> to vector<16xf32>
      %mul3A_2018 = arith.mulf %get3A_2005, %mul3A_1955 : vector<16xf32>
      %mul3A_2019 = arith.mulf %get3A_2008, %get3A_1949 : vector<16xf32>
      %add3A_2020 = arith.addf %mul3A_2018, %mul3A_2019 : vector<16xf32>
      %mul3A_2021 = arith.mulf %get3A_2011, %mul3A_1956 : vector<16xf32>
      %add3A_2022 = arith.addf %add3A_2020, %mul3A_2021 : vector<16xf32>
      %mul3A_2023 = arith.mulf %get3A_2014, %get3A_1954 : vector<16xf32>
      %add3A_2024 = arith.addf %add3A_2022, %mul3A_2023 : vector<16xf32>
      %add3A_2025 = arith.addf %add3A_2024, %get3A_2017 : vector<16xf32>
      %get3A_2026 = arith.constant 48 : index
      %get3A_2027 = tpu.vector_load %arg7[%get3A_2026] {strides = array<i32>} : memref<640xf32, #tpu.memory_space<vmem>>, vector<16xf32>,
      %get3A_2028 = vector.shape_cast %get3A_2027 : vector<16xf32> to vector<16xf32>
      %get3A_2029 = arith.constant 176 : index
      %get3A_2030 = tpu.vector_load %arg7[%get3A_2029] {strides = array<i32>} : memref<640xf32, #tpu.memory_space<vmem>>, vector<16xf32>,
      %get3A_2031 = vector.shape_cast %get3A_2030 : vector<16xf32> to vector<16xf32>
      %get3A_2032 = arith.constant 304 : index
      %get3A_2033 = tpu.vector_load %arg7[%get3A_2032] {strides = array<i32>} : memref<640xf32, #tpu.memory_space<vmem>>, vector<16xf32>,
      %get3A_2034 = vector.shape_cast %get3A_2033 : vector<16xf32> to vector<16xf32>
      %get3A_2035 = arith.constant 432 : index
      %get3A_2036 = tpu.vector_load %arg7[%get3A_2035] {strides = array<i32>} : memref<640xf32, #tpu.memory_space<vmem>>, vector<16xf32>,
      %get3A_2037 = vector.shape_cast %get3A_2036 : vector<16xf32> to vector<16xf32>
      %get3A_2038 = arith.constant 560 : index
      %get3A_2039 = tpu.vector_load %arg7[%get3A_2038] {strides = array<i32>} : memref<640xf32, #tpu.memory_space<vmem>>, vector<16xf32>,
      %get3A_2040 = vector.shape_cast %get3A_2039 : vector<16xf32> to vector<16xf32>
      %mul3A_2041 = arith.mulf %get3A_2028, %mul3A_1955 : vector<16xf32>
      %mul3A_2042 = arith.mulf %get3A_2031, %get3A_1949 : vector<16xf32>
      %add3A_2043 = arith.addf %mul3A_2041, %mul3A_2042 : vector<16xf32>
      %mul3A_2044 = arith.mulf %get3A_2034, %mul3A_1956 : vector<16xf32>
      %add3A_2045 = arith.addf %add3A_2043, %mul3A_2044 : vector<16xf32>
      %mul3A_2046 = arith.mulf %get3A_2037, %get3A_1954 : vector<16xf32>
      %add3A_2047 = arith.addf %add3A_2045, %mul3A_2046 : vector<16xf32>
      %add3A_2048 = arith.addf %add3A_2047, %get3A_2040 : vector<16xf32>
      %get3A_2049 = arith.constant 64 : index
      %get3A_2050 = tpu.vector_load %arg7[%get3A_2049] {strides = array<i32>} : memref<640xf32, #tpu.memory_space<vmem>>, vector<16xf32>,
      %get3A_2051 = vector.shape_cast %get3A_2050 : vector<16xf32> to vector<16xf32>
      %get3A_2052 = arith.constant 192 : index
      %get3A_2053 = tpu.vector_load %arg7[%get3A_2052] {strides = array<i32>} : memref<640xf32, #tpu.memory_space<vmem>>, vector<16xf32>,
      %get3A_2054 = vector.shape_cast %get3A_2053 : vector<16xf32> to vector<16xf32>
      %get3A_2055 = arith.constant 320 : index
      %get3A_2056 = tpu.vector_load %arg7[%get3A_2055] {strides = array<i32>} : memref<640xf32, #tpu.memory_space<vmem>>, vector<16xf32>,
      %get3A_2057 = vector.shape_cast %get3A_2056 : vector<16xf32> to vector<16xf32>
      %get3A_2058 = arith.constant 448 : index
      %get3A_2059 = tpu.vector_load %arg7[%get3A_2058] {strides = array<i32>} : memref<640xf32, #tpu.memory_space<vmem>>, vector<16xf32>,
      %get3A_2060 = vector.shape_cast %get3A_2059 : vector<16xf32> to vector<16xf32>
      %get3A_2061 = arith.constant 576 : index
      %get3A_2062 = tpu.vector_load %arg7[%get3A_2061] {strides = array<i32>} : memref<640xf32, #tpu.memory_space<vmem>>, vector<16xf32>,
      %get3A_2063 = vector.shape_cast %get3A_2062 : vector<16xf32> to vector<16xf32>
      %mul3A_2064 = arith.mulf %get3A_2051, %mul3A_1955 : vector<16xf32>
      %mul3A_2065 = arith.mulf %get3A_2054, %get3A_1949 : vector<16xf32>
      %add3A_2066 = arith.addf %mul3A_2064, %mul3A_2065 : vector<16xf32>
      %mul3A_2067 = arith.mulf %get3A_2057, %mul3A_1956 : vector<16xf32>
      %add3A_2068 = arith.addf %add3A_2066, %mul3A_2067 : vector<16xf32>
      %mul3A_2069 = arith.mulf %get3A_2060, %get3A_1954 : vector<16xf32>
      %add3A_2070 = arith.addf %add3A_2068, %mul3A_2069 : vector<16xf32>
      %add3A_2071 = arith.addf %add3A_2070, %get3A_2063 : vector<16xf32>
      %get3A_2072 = arith.constant 80 : index
      %get3A_2073 = tpu.vector_load %arg7[%get3A_2072] {strides = array<i32>} : memref<640xf32, #tpu.memory_space<vmem>>, vector<16xf32>,
      %get3A_2074 = vector.shape_cast %get3A_2073 : vector<16xf32> to vector<16xf32>
      %get3A_2075 = arith.constant 208 : index
      %get3A_2076 = tpu.vector_load %arg7[%get3A_2075] {strides = array<i32>} : memref<640xf32, #tpu.memory_space<vmem>>, vector<16xf32>,
      %get3A_2077 = vector.shape_cast %get3A_2076 : vector<16xf32> to vector<16xf32>
      %get3A_2078 = arith.constant 336 : index
      %get3A_2079 = tpu.vector_load %arg7[%get3A_2078] {strides = array<i32>} : memref<640xf32, #tpu.memory_space<vmem>>, vector<16xf32>,
      %get3A_2080 = vector.shape_cast %get3A_2079 : vector<16xf32> to vector<16xf32>
      %get3A_2081 = arith.constant 464 : index
      %get3A_2082 = tpu.vector_load %arg7[%get3A_2081] {strides = array<i32>} : memref<640xf32, #tpu.memory_space<vmem>>, vector<16xf32>,
      %get3A_2083 = vector.shape_cast %get3A_2082 : vector<16xf32> to vector<16xf32>
      %get3A_2084 = arith.constant 592 : index
      %get3A_2085 = tpu.vector_load %arg7[%get3A_2084] {strides = array<i32>} : memref<640xf32, #tpu.memory_space<vmem>>, vector<16xf32>,
      %get3A_2086 = vector.shape_cast %get3A_2085 : vector<16xf32> to vector<16xf32>
      %mul3A_2087 = arith.mulf %get3A_2074, %mul3A_1955 : vector<16xf32>
      %mul3A_2088 = arith.mulf %get3A_2077, %get3A_1949 : vector<16xf32>
      %add3A_2089 = arith.addf %mul3A_2087, %mul3A_2088 : vector<16xf32>
      %mul3A_2090 = arith.mulf %get3A_2080, %mul3A_1956 : vector<16xf32>
      %add3A_2091 = arith.addf %add3A_2089, %mul3A_2090 : vector<16xf32>
      %mul3A_2092 = arith.mulf %get3A_2083, %get3A_1954 : vector<16xf32>
      %add3A_2093 = arith.addf %add3A_2091, %mul3A_2092 : vector<16xf32>
      %add3A_2094 = arith.addf %add3A_2093, %get3A_2086 : vector<16xf32>
      %get3A_2095 = arith.constant 96 : index
      %get3A_2096 = tpu.vector_load %arg7[%get3A_2095] {strides = array<i32>} : memref<640xf32, #tpu.memory_space<vmem>>, vector<16xf32>,
      %get3A_2097 = vector.shape_cast %get3A_2096 : vector<16xf32> to vector<16xf32>
      %get3A_2098 = arith.constant 224 : index
      %get3A_2099 = tpu.vector_load %arg7[%get3A_2098] {strides = array<i32>} : memref<640xf32, #tpu.memory_space<vmem>>, vector<16xf32>,
      %get3A_2100 = vector.shape_cast %get3A_2099 : vector<16xf32> to vector<16xf32>
      %get3A_2101 = arith.constant 352 : index
      %get3A_2102 = tpu.vector_load %arg7[%get3A_2101] {strides = array<i32>} : memref<640xf32, #tpu.memory_space<vmem>>, vector<16xf32>,
      %get3A_2103 = vector.shape_cast %get3A_2102 : vector<16xf32> to vector<16xf32>
      %get3A_2104 = arith.constant 480 : index
      %get3A_2105 = tpu.vector_load %arg7[%get3A_2104] {strides = array<i32>} : memref<640xf32, #tpu.memory_space<vmem>>, vector<16xf32>,
      %get3A_2106 = vector.shape_cast %get3A_2105 : vector<16xf32> to vector<16xf32>
      %get3A_2107 = arith.constant 608 : index
      %get3A_2108 = tpu.vector_load %arg7[%get3A_2107] {strides = array<i32>} : memref<640xf32, #tpu.memory_space<vmem>>, vector<16xf32>,
      %get3A_2109 = vector.shape_cast %get3A_2108 : vector<16xf32> to vector<16xf32>
      %mul3A_2110 = arith.mulf %get3A_2097, %mul3A_1955 : vector<16xf32>
      %mul3A_2111 = arith.mulf %get3A_2100, %get3A_1949 : vector<16xf32>
      %add3A_2112 = arith.addf %mul3A_2110, %mul3A_2111 : vector<16xf32>
      %mul3A_2113 = arith.mulf %get3A_2103, %mul3A_1956 : vector<16xf32>
      %add3A_2114 = arith.addf %add3A_2112, %mul3A_2113 : vector<16xf32>
      %mul3A_2115 = arith.mulf %get3A_2106, %get3A_1954 : vector<16xf32>
      %add3A_2116 = arith.addf %add3A_2114, %mul3A_2115 : vector<16xf32>
      %add3A_2117 = arith.addf %add3A_2116, %get3A_2109 : vector<16xf32>
      %get3A_2118 = arith.constant 112 : index
      %get3A_2119 = tpu.vector_load %arg7[%get3A_2118] {strides = array<i32>} : memref<640xf32, #tpu.memory_space<vmem>>, vector<16xf32>,
      %get3A_2120 = vector.shape_cast %get3A_2119 : vector<16xf32> to vector<16xf32>
      %get3A_2121 = arith.constant 240 : index
      %get3A_2122 = tpu.vector_load %arg7[%get3A_2121] {strides = array<i32>} : memref<640xf32, #tpu.memory_space<vmem>>, vector<16xf32>,
      %get3A_2123 = vector.shape_cast %get3A_2122 : vector<16xf32> to vector<16xf32>
      %get3A_2124 = arith.constant 368 : index
      %get3A_2125 = tpu.vector_load %arg7[%get3A_2124] {strides = array<i32>} : memref<640xf32, #tpu.memory_space<vmem>>, vector<16xf32>,
      %get3A_2126 = vector.shape_cast %get3A_2125 : vector<16xf32> to vector<16xf32>
      %get3A_2127 = arith.constant 496 : index
      %get3A_2128 = tpu.vector_load %arg7[%get3A_2127] {strides = array<i32>} : memref<640xf32, #tpu.memory_space<vmem>>, vector<16xf32>,
      %get3A_2129 = vector.shape_cast %get3A_2128 : vector<16xf32> to vector<16xf32>
      %get3A_2130 = arith.constant 624 : index
      %get3A_2131 = tpu.vector_load %arg7[%get3A_2130] {strides = array<i32>} : memref<640xf32, #tpu.memory_space<vmem>>, vector<16xf32>,
      %get3A_2132 = vector.shape_cast %get3A_2131 : vector<16xf32> to vector<16xf32>
      %mul3A_2133 = arith.mulf %get3A_2120, %mul3A_1955 : vector<16xf32>
      %mul3A_2134 = arith.mulf %get3A_2123, %get3A_1949 : vector<16xf32>
      %add3A_2135 = arith.addf %mul3A_2133, %mul3A_2134 : vector<16xf32>
      %mul3A_2136 = arith.mulf %get3A_2126, %mul3A_1956 : vector<16xf32>
      %add3A_2137 = arith.addf %add3A_2135, %mul3A_2136 : vector<16xf32>
      %mul3A_2138 = arith.mulf %get3A_2129, %get3A_1954 : vector<16xf32>
      %add3A_2139 = arith.addf %add3A_2137, %mul3A_2138 : vector<16xf32>
      %add3A_2140 = arith.addf %add3A_2139, %get3A_2132 : vector<16xf32>
      %max3A_2141 = arith.maximumf %add3A_1979, %add3A_2002 : vector<16xf32>
      %max3A_2142 = arith.maximumf %max3A_2141, %add3A_2025 : vector<16xf32>
      %max3A_2143 = arith.maximumf %max3A_2142, %add3A_2048 : vector<16xf32>
      %max3A_2144 = arith.maximumf %max3A_2143, %add3A_2071 : vector<16xf32>
      %max3A_2145 = arith.maximumf %max3A_2144, %add3A_2094 : vector<16xf32>
      %max3A_2146 = arith.maximumf %max3A_2145, %add3A_2117 : vector<16xf32>
      %max3A_2147 = arith.maximumf %max3A_2146, %add3A_2140 : vector<16xf32>
      %sub3A_2148 = arith.subf %add3A_1979, %max3A_2147 : vector<16xf32>
      %exp3A_2149 = math.exp %sub3A_2148 : vector<16xf32>
      %sub3A_2150 = arith.subf %add3A_2002, %max3A_2147 : vector<16xf32>
      %exp3A_2151 = math.exp %sub3A_2150 : vector<16xf32>
      %add3A_2152 = arith.addf %exp3A_2149, %exp3A_2151 : vector<16xf32>
      %sub3A_2153 = arith.subf %add3A_2025, %max3A_2147 : vector<16xf32>
      %exp3A_2154 = math.exp %sub3A_2153 : vector<16xf32>
      %add3A_2155 = arith.addf %add3A_2152, %exp3A_2154 : vector<16xf32>
      %sub3A_2156 = arith.subf %add3A_2048, %max3A_2147 : vector<16xf32>
      %exp3A_2157 = math.exp %sub3A_2156 : vector<16xf32>
      %add3A_2158 = arith.addf %add3A_2155, %exp3A_2157 : vector<16xf32>
      %sub3A_2159 = arith.subf %add3A_2071, %max3A_2147 : vector<16xf32>
      %exp3A_2160 = math.exp %sub3A_2159 : vector<16xf32>
      %add3A_2161 = arith.addf %add3A_2158, %exp3A_2160 : vector<16xf32>
      %sub3A_2162 = arith.subf %add3A_2094, %max3A_2147 : vector<16xf32>
      %exp3A_2163 = math.exp %sub3A_2162 : vector<16xf32>
      %add3A_2164 = arith.addf %add3A_2161, %exp3A_2163 : vector<16xf32>
      %sub3A_2165 = arith.subf %add3A_2117, %max3A_2147 : vector<16xf32>
      %exp3A_2166 = math.exp %sub3A_2165 : vector<16xf32>
      %add3A_2167 = arith.addf %add3A_2164, %exp3A_2166 : vector<16xf32>
      %sub3A_2168 = arith.subf %add3A_2140, %max3A_2147 : vector<16xf32>
      %exp3A_2169 = math.exp %sub3A_2168 : vector<16xf32>
      %add3A_2170 = arith.addf %add3A_2167, %exp3A_2169 : vector<16xf32>
      %broadcast_in_dim3A_2171 = arith.constant 2.74911348E-4 : f32
      %broadcast_in_dim3A_2172 = vector.broadcast %broadcast_in_dim3A_2171 : f32 to vector<16xf32>
      %mul3A_2173 = arith.mulf %broadcast_in_dim3A_2172, %add3A_2170 : vector<16xf32>
      %add3A_2174 = arith.constant -0.00745184952 : f32
      %add3A_2175 = vector.broadcast %add3A_2174 : f32 to vector<16xf32>
      %add3A_2176 = arith.addf %mul3A_2173, %add3A_2175 : vector<16xf32>
      %mul3A_2177 = arith.mulf %add3A_2176, %add3A_2170 : vector<16xf32>
      %add3A_2178 = arith.constant 0.0809587761 : f32
      %add3A_2179 = vector.broadcast %add3A_2178 : f32 to vector<16xf32>
      %add3A_2180 = arith.addf %mul3A_2177, %add3A_2179 : vector<16xf32>
      %mul3A_2181 = arith.mulf %add3A_2180, %add3A_2170 : vector<16xf32>
      %add3A_2182 = arith.constant -0.459472507 : f32
      %add3A_2183 = vector.broadcast %add3A_2182 : f32 to vector<16xf32>
      %add3A_2184 = arith.addf %mul3A_2181, %add3A_2183 : vector<16xf32>
      %mul3A_2185 = arith.mulf %add3A_2184, %add3A_2170 : vector<16xf32>
      %add3A_2186 = arith.constant 1.5935533 : f32
      %add3A_2187 = vector.broadcast %add3A_2186 : f32 to vector<16xf32>
      %add3A_2188 = arith.addf %mul3A_2185, %add3A_2187 : vector<16xf32>
      %mul3A_2189 = arith.mulf %add3A_2188, %add3A_2170 : vector<16xf32>
      %add3A_2190 = arith.constant -1.19364631 : f32
      %add3A_2191 = vector.broadcast %add3A_2190 : f32 to vector<16xf32>
      %add3A_2192 = arith.addf %mul3A_2189, %add3A_2191 : vector<16xf32>
      %neg3A_2193 = arith.constant 0.000000e+00 : f32
      %neg3A_2194 = vector.broadcast %neg3A_2193 : f32 to vector<16xf32>
      %neg3A_2195 = arith.subf %neg3A_2194, %add3A_2192 : vector<16xf32>
      %exp3A_2196 = math.exp %neg3A_2195 : vector<16xf32>
      %mul3A_2197 = arith.mulf %add3A_2170, %exp3A_2196 : vector<16xf32>
      %add3A_2198 = arith.addf %add3A_2192, %mul3A_2197 : vector<16xf32>
      %sub3A_2199 = arith.constant 1.000000e+00 : f32
      %sub3A_2200 = vector.broadcast %sub3A_2199 : f32 to vector<16xf32>
      %sub3A_2201 = arith.subf %add3A_2198, %sub3A_2200 : vector<16xf32>
      %neg3A_2202 = arith.constant 0.000000e+00 : f32
      %neg3A_2203 = vector.broadcast %neg3A_2202 : f32 to vector<16xf32>
      %neg3A_2204 = arith.subf %neg3A_2203, %sub3A_2201 : vector<16xf32>
      %exp3A_2205 = math.exp %neg3A_2204 : vector<16xf32>
      %mul3A_2206 = arith.mulf %add3A_2170, %exp3A_2205 : vector<16xf32>
      %add3A_2207 = arith.addf %sub3A_2201, %mul3A_2206 : vector<16xf32>
      %sub3A_2208 = arith.constant 1.000000e+00 : f32
      %sub3A_2209 = vector.broadcast %sub3A_2208 : f32 to vector<16xf32>
      %sub3A_2210 = arith.subf %add3A_2207, %sub3A_2209 : vector<16xf32>
      %add3A_2211 = arith.addf %max3A_2147, %sub3A_2210 : vector<16xf32>
      %mul3A_2212 = arith.constant 128 : i32
      %mul3A_2213 = arith.muli %scan3A_10, %mul3A_2212 : i32
      %add3A_2214 = arith.constant 112 : i32
      %add3A_2215 = arith.addi %mul3A_2213, %add3A_2214 : i32
      %swap3A_2216 = arith.index_cast %add3A_2215 : i32 to index
      %swap3A_2217 = tpu.vector_load %arg6[%swap3A_2216] {strides = array<i32>} : memref<32768xf32, #tpu.memory_space<vmem>>, vector<16xf32>,
      %swap3A_2218 = vector.shape_cast %swap3A_2217 : vector<16xf32> to vector<16xf32>
      %swap3A_2219 = vector.shape_cast %add3A_2211 : vector<16xf32> to vector<16xf32>
      tpu.vector_store %arg6[%swap3A_2216], %swap3A_2219 {strides = array<i32>} : memref<32768xf32, #tpu.memory_space<vmem>>, vector<16xf32>,
    }
    %scan3A_7 = arith.constant 256 : i32
    %mul3A_8 = arith.constant 32768 : i32
    %mul3A_9 = arith.muli %add3A, %mul3A_8 : i32
    "tpu.region"() ({
      %run_scoped3A = tpu.sem_alloc : memref<!tpu.dma_semaphore, #tpu.memory_space<semaphore_mem>>
      %dma_start3A = tpu.memref_slice %arg4[%mul3A_9] : memref<1048576xf32, #tpu.memory_space<hbm>> -> memref<32768xf32, #tpu.memory_space<hbm>>
      %dma_start3A_10 = tpu.memref_slice %arg4[%mul3A_9] : memref<1048576xf32, #tpu.memory_space<hbm>> -> memref<32768xf32, #tpu.memory_space<hbm>>
      tpu.enqueue_dma source(%arg6 : memref<32768xf32, #tpu.memory_space<vmem>>) target(%dma_start3A_10 : memref<32768xf32, #tpu.memory_space<hbm>>) target_semaphore(%run_scoped3A : memref<!tpu.dma_semaphore, #tpu.memory_space<semaphore_mem>>)
      %dma_wait3A = tpu.memref_slice %arg4[%mul3A_9] : memref<1048576xf32, #tpu.memory_space<hbm>> -> memref<32768xf32, #tpu.memory_space<hbm>>
      %dma_wait3A_11 = tpu.memref_slice %arg4[%mul3A_9] : memref<1048576xf32, #tpu.memory_space<hbm>> -> memref<32768xf32, #tpu.memory_space<hbm>>
      tpu.wait_dma2 semaphore(%run_scoped3A : memref<!tpu.dma_semaphore, #tpu.memory_space<semaphore_mem>>) src(%arg6 : memref<32768xf32, #tpu.memory_space<vmem>>) dst(%dma_wait3A_11 : memref<32768xf32, #tpu.memory_space<hbm>>)
      tpu.yield
    }) : () -> ()
    return
  }
}

</mosaic_0001>

<sc_bundles>
// kernel: kernel.3.cloned.1.call-start
scs
__scs_entry_jumppad:
0x0: {  	(pc) =	sbr.rel $0x88, $3  }
0x1: {  	(tag) =	ssettag $0x0;
	lr =	simm.s32 $0x1  }
0x2: {  	[smem:$0x3F9D] =	sst lr;
	_ =	strace $0xD0000000  }
0x3: {  	_ = 	snop  }
0x4: {  	_ = 	snop  }
0x5: {  	_ = 	snop  }
0x6: {  	_ = 	snop  }
0x7: {  	_ = 	snop  }
__scs_overlays_trampoline_lowered:
0x8: {  	[smem:$0x3FAC] =	sst s0  }
0x9: {  	[smem:$0x3FAD] =	sst s1  }
0xa: {  	[smem:$0x3FAE] =	sst s2  }
0xb: {  	[smem:$0x3FAF] =	sst s3  }
0xc: {  	[smem:$0x3FB0] =	sst s4  }
0xd: {  	[smem:$0x3FB1] =	sst s5  }
0xe: {  	[smem:$0x3FB2] =	sst s6  }
0xf: {  	[smem:$0x3FB3] =	sst s7  }
0x10: {  	[smem:$0x3FB4] =	sst s8  }
0x11: {  	[smem:$0x3FB5] =	sst s9;
	s0 =	simm.s32 @!p0 $0x0  }
0x12: {  	s1 =	sld [smem:$0x3F9B];
	s0 =	simm.s32 @p0 $0x1  }
0x13: {  	[smem:$0x3FB6] =	sst s0;
	s0 =	simm.s32 @!p1 $0x0  }
0x14: {  	s2 =	sld [smem:$0x3F9A];
	s0 =	simm.s32 @p1 $0x1  }
0x15: {  	[smem:$0x3FB7] =	sst s0;
	s0 =	simm.s32 @!p2 $0x0  }
0x16: {  	s3 =	sld [smem:$0x3FDB];
	s0 =	simm.s32 @p2 $0x1  }
0x17: {  	s4 =	simm.s32 $0x1BF5;
	[smem:$0x3FB9] =	sst s0  }
0x18: {  	s0 =	sld [smem:$0x3F9C];
	_ =	swait.ge [sflag:s4], $0x0  }
0x19: {  	s7 =	sld [smem:$0x3F9D]  }
0x1a: {  	s8 =	sadd.s32 $0xFFFFE003, lr  }
0x1b: {  	s9 =	sadd.s32 $0xFFFFFEF7, lr;
	s5 =	simm.s32 $0xFFFFFFFF;
	p2 =	slt.u32 s8, $0xFFFFF086  }
0x1c: {  	p1 =	slt.u32 s9, $0xF7A;
	s5 =	simm.s32 @!p2 $0x0  }
0x1d: {  	s5 =	simm.s32 @p1 $0x1;
	p0 =	seq.s32 s7, s2  }
0x1e: {  	s7 =	smul.u32 @!p0 $0xF7A, s2;
	p2 =	seq.s32 @!p0 s5, $0x0  }
0x1f: {  	s9 =	smul.u32 $0xF7A, s1;
	s8 =	simm.s32 @!p0 $0x1BF5;
	p2 =	por !p2, p0  }
0x20: {  	[sflag:s8] =	ssyncset.s32 @!p0 $0xFFFFF086;
	s6 =	sadd.s32 @!p0 s3, s7;
	s7 =	simm.s32 @!p0 $0x108  }
0x21: {  	s3 =	sadd.s32 s3, s9;
	s6 =	sadd.s32 @!p0 $0x88, s6;
	s7 =	simm.s32 @p2 $0x1082  }
0x22: {  	[simem:s7], [sflag:s8] =	dma.local @!p0 [hbm:s6], $0xF7A  }
0x23: {  	s9 =	sor.u32 $0xD0000000, s2;
	s6 =	simm.s32 $0x108;
	_ =	swait.ge @!p0 [sflag:s8], $0x0  }
0x24: {  	s3 =	sadd.s32 $0x88, s3;
	s6 =	simm.s32 @!p1 $0x1082;
	[sflag:s4] =	ssyncset.s32 $0xFFFFF086  }
0x25: {  	[simem:s6], [sflag:s4] =	dma.local [hbm:s3], $0xF7A  }
0x26: {  	[smem:$0x3F9D] =	sst s1;
	(tag) =	ssettag s2;
	_ =	strace s9  }
0x27: {  	s1 =	sld [smem:$0x3FAD]  }
0x28: {  	s2 =	sld [smem:$0x3FAE]  }
0x29: {  	s4 =	sld [smem:$0x3FB0]  }
0x2a: {  	p0 =	seq.s32 s5, $0x0;
	s5 =	sld [smem:$0x3FB1]  }
0x2b: {  	s6 =	sld [smem:$0x3FB2]  }
0x2c: {  	s7 =	sld [smem:$0x3FB3]  }
0x2d: {  	s3 =	simm.s32 $0x108;
	s8 =	sld [smem:$0x3FB4]  }
0x2e: {  	s3 =	simm.s32 @!p0 $0x1082;
	s9 =	sld [smem:$0x3FB5]  }
0x2f: {  	lr =	sadd.s32 s0, s3;
	s0 =	sld [smem:$0x3FAC]  }
0x30: {  	s3 =	sld [smem:$0x3FAF]  }
0x31: {  	[smem:$0x3FB8] =	sst s10  }
0x32: {  	s10 =	sld [smem:$0x3FB6];
	_ =	sdelay $0x3  }
0x33: {  	p0 =	seq.s32 s10, $0x1;
	s10 =	sld [smem:$0x3FB8];
	_ =	sdelay $0x3  }
0x34: {  	[smem:$0x3FB8] =	sst s10  }
0x35: {  	s10 =	sld [smem:$0x3FB7];
	_ =	sdelay $0x3  }
0x36: {  	p1 =	seq.s32 s10, $0x1;
	s10 =	sld [smem:$0x3FB8];
	_ =	sdelay $0x3  }
0x37: {  	[smem:$0x3FB8] =	sst s10  }
0x38: {  	s10 =	sld [smem:$0x3FB9]  }
0x39: {  	_ = 	snop;
	(pc) =	sbr.ind lr, $3  }
0x3a: {  	_ = 	snop  }
0x3b: {  	_ = 	snop  }
0x3c: {  	p2 =	seq.s32 s10, $0x1;
	s10 =	sld [smem:$0x3FB8]  }
0x3d: {  	_ =	shalt  }
0x3e: {  	_ =	shalt  }
0x3f: {  	_ =	shalt  }
0x40: {  	_ =	shalt  }
0x41: {  	_ =	shalt  }
0x42: {  	_ =	shalt  }
0x43: {  	_ =	shalt  }
0x44: {  	_ =	shalt  }
0x45: {  	_ =	shalt  }
0x46: {  	_ =	shalt  }
0x47: {  	_ =	shalt  }
0x48: {  	_ =	shalt  }
0x49: {  	_ =	shalt  }
0x4a: {  	_ =	shalt  }
0x4b: {  	_ =	shalt  }
0x4c: {  	_ =	shalt  }
0x4d: {  	_ =	shalt  }
0x4e: {  	_ =	shalt  }
0x4f: {  	_ =	shalt  }
0x50: {  	_ =	shalt  }
0x51: {  	_ =	shalt  }
0x52: {  	_ =	shalt  }
0x53: {  	_ =	shalt  }
0x54: {  	_ =	shalt  }
0x55: {  	_ =	shalt  }
0x56: {  	_ =	shalt  }
0x57: {  	_ =	shalt  }
0x58: {  	_ =	shalt  }
0x59: {  	_ =	shalt  }
0x5a: {  	_ =	shalt  }
0x5b: {  	_ =	shalt  }
0x5c: {  	_ =	shalt  }
0x5d: {  	_ =	shalt  }
0x5e: {  	_ =	shalt  }
0x5f: {  	_ =	shalt  }
0x60: {  	_ =	shalt  }
0x61: {  	_ =	shalt  }
0x62: {  	_ =	shalt  }
0x63: {  	_ =	shalt  }
0x64: {  	_ =	shalt  }
0x65: {  	_ =	shalt  }
0x66: {  	_ =	shalt  }
0x67: {  	_ =	shalt  }
0x68: {  	_ =	shalt  }
0x69: {  	_ =	shalt  }
0x6a: {  	_ =	shalt  }
0x6b: {  	_ =	shalt  }
0x6c: {  	_ =	shalt  }
0x6d: {  	_ =	shalt  }
0x6e: {  	_ =	shalt  }
0x6f: {  	_ =	shalt  }
0x70: {  	_ =	shalt  }
0x71: {  	_ =	shalt  }
0x72: {  	_ =	shalt  }
0x73: {  	_ =	shalt  }
0x74: {  	_ =	shalt  }
0x75: {  	_ =	shalt  }
0x76: {  	_ =	shalt  }
0x77: {  	_ =	shalt  }
0x78: {  	_ =	shalt  }
0x79: {  	_ =	shalt  }
0x7a: {  	_ =	shalt  }
0x7b: {  	_ =	shalt  }
0x7c: {  	_ =	shalt  }
0x7d: {  	_ =	shalt  }
0x7e: {  	_ =	shalt  }
0x7f: {  	_ =	shalt  }
0x80: {  	_ =	shalt  }
0x81: {  	_ =	shalt  }
0x82: {  	_ =	shalt  }
0x83: {  	_ =	shalt  }
0x84: {  	_ =	shalt  }
0x85: {  	_ =	shalt  }
0x86: {  	_ =	shalt  }
0x87: {  	_ =	shalt  }
.Lfunc_end0:
.L_simem_size_0:
called_computation_lowered:
.L_overlay_start_0:
0x88: {  	s2 =	sld [smem:$0x3FD9]  }
0x89: {  	s3 =	sld [smem:$0x3FFE];
	_ =	sdelay $0x1  }
0x8a: {  	s1 =	srdreg.scid  }
0x8b: {  	s0 =	sand.u32 $0x1, s1  }
0x8c: {  	s17 =	sshll.u32 s0, $0xA;
	s2 =	sadd.s32 s3, s2  }
0x8d: {  	s2 =	sadd.s32 s2, s17  }
0x8e: {  	[smem:$0x3FC4] =	sst s2  }
0x8f: {  	_ = 	snop  }
0x90: {  	s2 =	sld [smem:$0x3FC9]  }
0x91: {  	s18 =	sld [smem:$0x3FD0];
	(tm) =	ssettm $0x1  }
0x92: {  	s4 =	sld [smem:$0x3FFB];
	_ =	sdelay $0x3  }
0x93: {  	_ =	strace s4  }
0x94: {  	s4 =	sld [smem:$0x3FFC];
	_ =	sdelay $0x3  }
0x95: {  	_ =	strace s4  }
0x96: {  	s4 =	sld [smem:$0x3FFD];
	_ =	sdelay $0x3  }
0x97: {  	_ =	strace s4  }
0x98: {  	_ =	strace $0x8FFFFFFF  }
0x99: {  	s19 =	sld [smem:$0x3FDB];
	_ =	sdelay $0x1  }
0x9a: {  	s5 =	simm.s32 $_scs_section_size  }
0x9b: {  	s6 =	simm.s32 $_size__tile_overlayer_lowered;
	s7 =	simm.s32 $_tile_overlayer_lowered  }
0x9c: {  	s22 =	simm.s32 $0x1BFF;
	s21 =	sshll.u32 s7, $0x1;
	s4 =	sadd.s32 s5, s19  }
0x9d: {  	s8 =	simm.s32 $0x0;
	s20 =	sshll.u32 s6, $0x1;
	s6 =	sadd.s32 s21, s4  }
0x9e: {  	[timem:s8], [sflag:s22] =	dma.local [hbm:s6], s20  }
0x9f: {  	_ =	swait.ge [sflag:s22], s20  }
0xa0: {  	s5 =	ssub.s32 $0x0, s20;
	[sflag:s22] =	ssyncset.done $0x0  }
0xa1: {  	[sflag:s22] =	ssyncadd.s32 s5;
	_ =	sdelay $0x1  }
0xa2: {  	s23 =	simm.s32 $0x1B8B  }
0xa3: {  	_ =	swait.ge [sflag:s23], $0x1  }
0xa4: {  	[sflag:s23] =	ssyncset.done $0x0  }
0xa5: {  	s25 =	simm.s32 $0x1B8E;
	s24 =	sld [smem:$0x3FFE];
	[sflag:s23] =	ssyncadd.s32 $0xFFFFFFFF  }
0xa6: {  	s26 =	simm.s32 $execute0_lowered;
	[smem:$0x3FD2] =	sst s25  }
0xa7: {  	s6 =	sshll.u32 s26, $0x1;
	_ =	strace $0x80000046;
	[dreg:$0x1] =	wrdreg $0xFFFFFFFF  }
0xa8: {  	s28 =	simm.s32 $_size_execute0_lowered;
	s4 =	sadd.s32 s4, s6;
	[dreg:$0x0] =	wrdreg $0x0  }
0xa9: {  	s6 =	sshll.u32 s28, $0x1;
	[dreg:$0x2] =	wrdreg s4  }
0xaa: {  	[dreg:$0x3] =	wrdreg s6  }
0xab: {  	[dreg:$0x4] =	wrdreg $0xC0  }
0xac: {  	_ =	task [dreg:s8], $0x5FFFF  }
0xad: {  	[dreg:$0x1] =	wrdreg $0xFFFFFFFF  }
0xae: {  	[dreg:$0x0] =	wrdreg $0x60  }
0xaf: {  	[dreg:$0x2] =	wrdreg s2  }
0xb0: {  	[dreg:$0x3] =	wrdreg s24  }
0xb1: {  	[dreg:$0x4] =	wrdreg s18  }
0xb2: {  	[dreg:$0x5] =	wrdreg $0x9  }
0xb3: {  	_ =	task.clear_ibuf [dreg:s8], $0x6FFFF;
	_ =	strace $0x90000046  }
0xb4: {  	s29 =	simm.s32 $0x9;
	_ =	strace $0x80000048  }
0xb5: {  	_ =	swait.ge [sflag:s29], $0x1  }
0xb6: {  	[sflag:s29] =	ssyncadd.s32 $0xFFFFFFFF  }
0xb7: {  	_ =	strace $0x90000048  }
0xb8: {  	_ =	sfence  }
0xb9: {  	s30 =	sld [smem:$0x0];
	_ =	sdelay $0x2  }
0xba: {  	s31 =	sshll.u32 s1, $0xD;
	s1 =	sshrl.u32 s1, $0x2  }
0xbb: {  	s3 =	sand.u32 $0x4000, s31;
	s1 =	sadd.s32 s1, s30  }
0xbc: {  	s0 =	sor.u32 s3, s0;
	s1 =	sshll.u32 s1, $0x11  }
0xbd: {  	s0 =	sor.u32 s1, s0  }
0xbe: {  	s0 =	sadd.s32 $0x8F2B, s0  }
0xbf: {  	[sflag:s0] =	ssyncadd.remote.s32 $0x1  }
0xc0: {  	_ =	sfence.sel $0xFFFF  }
0xc1: {  	[dreg:$0x0] =	wrdreg $0xFFFFFFFF;
	(pc) =	sbr.abs _section_cstart, $3  }
0xc2: {  	[dreg:$0x1] =	wrdreg $0xFFFFFFFF  }
0xc3: {  	_ =	task.clear_ibuf [dreg:s8], $0x2FFFF;
	_ =	strace $0x9FFFFFFF  }
0xc4: {  	(tm) =	ssettm $0x7FFFFFFF  }
0xc5: {  	_ =	shalt  }
tec
execute0_lowered:
.L_overlay_start_1:
0x0: {  	(tag) =	ssettag $0x1  }
0x1: {  	s4 =	rddreg [dreg:$0x0]  }
0x2: {  	s2 =	rddreg [dreg:$0x1]  }
0x3: {  	s5 =	rddreg [dreg:$0x2]  }
0x4: {  	s0 =	rddreg [dreg:$0x3]  }
0x5: {  	s6 =	srdreg.scid;
	s1 =	stileid.u32  }
0x6: {  	s3 =	simm.s32 $0x0;
	s10 =	simm.s32 $0x0;
	s6 =	sand.u32 $0x1, s6  }
0x7: {  	s7 =	sshll.u32 s1, $0x1;
	[smem:$0x7FF] =	sst s3;
	s8 =	ssub.s32 $0x2, s6  }
0x8: {  	s6 =	sor.u32 s6, s7;
	_ =	strace $0x80000047;
	s31 =	sshrl.u32 s8, $0x1  }
0x9: {  	s9 =	sshll.u32 s6, $0xD;
	s6 =	sshll.u32 s6, $0xC;
	s7 =	ssub.s32 s8, s31  }
0xa: {  	s4 =	sadd.s32 s4, s9;
	s5 =	sadd.s32 s5, s6;
	s8 =	simm.s32 $0x1  }
0xb: {  	s9 =	simm.s32 $0x10000;
	s6 =	smax.u32 s7, $0x1;
	s7 =	simm.s32 $0x18000  }
.LBB2_1:
0xc: {  	[tilespmem:s7], [sflag:$0x1] =	stream.linear.gather [hbm4b:s2+s3], $0x280, $0x38;
	[tilespmem:$0x18280] =	vst v63  }
0xd: {  	_ =	swait.ge [sflag:s8], $0x280  }
0xe: {  	[sflag:s8] =	ssyncset.done $0x0  }
0xf: {  	[sflag:s8] =	ssyncadd.s32 $0xFFFFFD80  }
0x10: {  	[tilespmem:s3], [sflag:$0x1] =	stream.linear.gather [hbm4b:s4+s3], $0x10000, $0x38;
	[tilespmem:$0x18280] =	vst v63  }
0x11: {  	_ =	swait.ge [sflag:s8], $0x10000  }
0x12: {  	[sflag:s8] =	ssyncset.done $0x0  }
0x13: {  	s11 =	simm.s32 $0x80;
	s12 =	simm.s32 $0x0;
	[sflag:s8] =	ssyncadd.s32 $0xFFFF0000  }
.LBB2_2:
0x14: {  	v0 =	vld [tilespmem:s11+$0xFFFFFF80]  }
0x15: {  	v1 =	vld [tilespmem:s11+$0x0]  }
0x16: {  	v2 =	vld [tilespmem:$0x18000]  }
0x17: {  	v3 =	vld [tilespmem:$0x18080]  }
0x18: {  	v4 =	vld [tilespmem:$0x18100]  }
0x19: {  	v5 =	vld [tilespmem:$0x18180]  }
0x1a: {  	v6 =	vld [tilespmem:$0x18200]  }
0x1b: {  	v7 =	vld [tilespmem:$0x18010]  }
0x1c: {  	v8 =	vld [tilespmem:$0x18090]  }
0x1d: {  	v9 =	vld [tilespmem:$0x18110]  }
0x1e: {  	v10 =	vld [tilespmem:$0x18190]  }
0x1f: {  	v11 =	vld [tilespmem:$0x18210]  }
0x20: {  	v12 =	vld [tilespmem:$0x18020]  }
0x21: {  	v13 =	vld [tilespmem:$0x180A0]  }
0x22: {  	v14 =	vld [tilespmem:$0x18120]  }
0x23: {  	v15 =	vld [tilespmem:$0x181A0]  }
0x24: {  	v18 =	vld [tilespmem:$0x180B0]  }
0x25: {  	v21 =	vld [tilespmem:$0x181B0]  }
0x26: {  	v25 =	vld [tilespmem:$0x180C0]  }
0x27: {  	v37 =	vld [tilespmem:$0x180D0];
	v20 =	vmul.f32 v0, v0;
	v22 =	vmul.f32 v1, v1  }
0x28: {  	v42 =	vld [tilespmem:$0x181D0];
	v3 =	vmul.f32 v3, v0;
	v8 =	vmul.f32 v8, v0  }
0x29: {  	v16 =	vld [tilespmem:$0x18220];
	v5 =	vmul.f32 v5, v1;
	v33 =	vmul.f32 v13, v0  }
0x2a: {  	v17 =	vld [tilespmem:$0x18030];
	v36 =	vmul.f32 v18, v0;
	v10 =	vmul.f32 v10, v1  }
0x2b: {  	v19 =	vld [tilespmem:$0x18130];
	v43 =	vmul.f32 v15, v1;
	v45 =	vmul.f32 v21, v1  }
0x2c: {  	v24 =	vld [tilespmem:$0x18040];
	v49 =	vmul.f32 v25, v0;
	v51 =	vmul.f32 v37, v0  }
0x2d: {  	v34 =	vld [tilespmem:$0x18050];
	v59 =	vmul.f32 v42, v1;
	v2 =	vmul.f32 v2, v20  }
0x2e: {  	v29 =	vld [tilespmem:$0x18140];
	v7 =	vmul.f32 v7, v20;
	v28 =	vmul.f32 v4, v22  }
0x2f: {  	v39 =	vld [tilespmem:$0x18150];
	v30 =	vmul.f32 v9, v22;
	v32 =	vmul.f32 v12, v20  }
0x30: {  	v31 =	vld [tilespmem:$0x181C0];
	v35 =	vmul.f32 v17, v20;
	v38 =	vmul.f32 v14, v22  }
0x31: {  	v44 =	vld [tilespmem:$0x18060];
	v41 =	vmul.f32 v19, v22;
	v48 =	vmul.f32 v24, v20  }
0x32: {  	v52 =	vld [tilespmem:$0x18160];
	v13 =	vmul.f32 v34, v20;
	v2 =	vadd.f32 v3, v2;
	v7 =	vadd.f32 v8, v7  }
0x33: {  	v46 =	vld [tilespmem:$0x180E0];
	v4 =	vmul.f32 v29, v22;
	v3 =	vadd.f32 v33, v32;
	v40 =	vadd.f32 v36, v35  }
0x34: {  	v50 =	vld [tilespmem:$0x180F0];
	v14 =	vmul.f32 v39, v22;
	v13 =	vadd.f32 v51, v13;
	v2 =	vadd.f32 v28, v2  }
0x35: {  	v47 =	vld [tilespmem:$0x18070];
	v9 =	vmul.f32 v31, v1;
	v7 =	vadd.f32 v30, v7;
	v3 =	vadd.f32 v38, v3  }
0x36: {  	v53 =	vld [tilespmem:$0x18170];
	v55 =	vmul.f32 v44, v20;
	v13 =	vadd.f32 v14, v13;
	v2 =	vadd.f32 v5, v2  }
0x37: {  	v54 =	vld [tilespmem:$0x181E0];
	v60 =	vmul.f32 v52, v22;
	v7 =	vadd.f32 v10, v7;
	v5 =	vadd.f32 v41, v40  }
0x38: {  	v56 =	vld [tilespmem:$0x181F0];
	v8 =	vmul.f32 v46, v0;
	v3 =	vadd.f32 v43, v3;
	v63 =	vadd.f32 v59, v13  }
0x39: {  	v23 =	vld [tilespmem:$0x18230];
	v0 =	vmul.f32 v50, v0;
	v2 =	vadd.f32 v2, v6;
	v6 =	vadd.f32 v49, v48  }
0x3a: {  	v57 =	vld [tilespmem:$0x18240];
	v10 =	vmul.f32 v47, v20;
	v7 =	vadd.f32 v7, v11;
	v5 =	vadd.f32 v45, v5  }
0x3b: {  	v58 =	vld [tilespmem:$0x18250];
	v62 =	vmul.f32 v53, v22;
	v4 =	vadd.f32 v4, v6;
	v6 =	vadd.f32 v8, v55  }
0x3c: {  	v61 =	vld [tilespmem:$0x18260];
	v3 =	vadd.f32 v3, v16;
	v0 =	vadd.f32 v0, v10;
	v16 =	vmul.f32 v54, v1  }
0x3d: {  	v17 =	vld [tilespmem:$0x18270];
	v1 =	vmul.f32 v56, v1;
	v4 =	vadd.f32 v9, v4;
	v6 =	vadd.f32 v60, v6  }
0x3e: {  	v5 =	vadd.f32 v5, v23;
	v0 =	vadd.f32 v62, v0;
	v18 =	vmax.f32 v2, v7  }
0x3f: {  	v19 =	vmax.f32 v18, v3;
	v4 =	vadd.f32 v4, v57;
	v6 =	vadd.f32 v16, v6  }
0x40: {  	v20 =	vadd.f32 v63, v58;
	v0 =	vadd.f32 v1, v0;
	v21 =	vmax.f32 v19, v5  }
0x41: {  	v6 =	vadd.f32 v6, v61;
	v1 =	vmax.f32 v21, v4  }
0x42: {  	v0 =	vadd.f32 v0, v17;
	v1 =	vmax.f32 v1, v20  }
0x43: {  	v1 =	vmax.f32 v1, v6  }
0x44: {  	v1 =	vmax.f32 v1, v0  }
0x45: {  	v2 =	vsub.f32 v2, v1  }
0x46: {  	v7 =	vsub.f32 v7, v1  }
0x47: {  	v2 =	vmul.f32 $1.442695020e+00, v2  }
0x48: {  	v3 =	vsub.f32 v3, v1;
	v7 =	vmul.f32 $1.442695020e+00, v7  }
0x49: {  	(erf) = vpow2.f32 v2  }
0x4a: {  	v23 =	vsub.f32 v5, v1;
	v22 =	vmul.f32 $1.442695020e+00, v3;
	(erf) = vpow2.f32 v7;
	_ =	sdelay $0x1  }
0x4b: {  	v25 =	vsub.f32 v4, v1;
	v24 =	vmul.f32 $1.442695020e+00, v23;
	(erf) = vpow2.f32 v22;
	_ =	sdelay $0x1  }
0x4c: {  	v27 =	vsub.f32 v20, v1;
	v26 =	vmul.f32 $1.442695020e+00, v25;
	(erf) = vpow2.f32 v24;
	_ =	sdelay $0x1  }
0x4d: {  	v29 =	vsub.f32 v6, v1;
	v28 =	vmul.f32 $1.442695020e+00, v27;
	(erf) = vpow2.f32 v26;
	_ =	sdelay $0x1  }
0x4e: {  	v0 =	vsub.f32 v0, v1;
	v31 =	vmul.f32 $1.442695020e+00, v29;
	v30 =	vpop (erf);
	(erf) = vpow2.f32 v28  }
0x4f: {  	v32 =	vpop (erf)  }
0x50: {  	v0 =	vmul.f32 $1.442695020e+00, v0;
	(erf) = vpow2.f32 v31;
	v3 =	vadd.f32 v32, v30  }
0x51: {  	v33 =	vpop (erf)  }
0x52: {  	(erf) = vpow2.f32 v0;
	v2 =	vadd.f32 v3, v33  }
0x53: {  	v34 =	vpop (erf)  }
0x54: {  	v0 =	vadd.f32 v2, v34  }
0x55: {  	v35 =	vpop (erf)  }
0x56: {  	v0 =	vadd.f32 v0, v35  }
0x57: {  	v36 =	vpop (erf)  }
0x58: {  	v0 =	vadd.f32 v0, v36  }
0x59: {  	v37 =	vpop (erf)  }
0x5a: {  	v0 =	vadd.f32 v0, v37  }
0x5b: {  	v38 =	vpop (erf)  }
0x5c: {  	v0 =	vadd.f32 v0, v38;
	_ =	sdelay $0x1  }
0x5d: {  	v2 =	vmul.f32 $2.749113480e-04, v0;
	_ =	sdelay $0x1  }
0x5e: {  	v2 =	vadd.f32 $-7.451849520e-03, v2;
	_ =	sdelay $0x1  }
0x5f: {  	v2 =	vmul.f32 v2, v0;
	_ =	sdelay $0x1  }
0x60: {  	v2 =	vadd.f32 $8.095877610e-02, v2;
	_ =	sdelay $0x1  }
0x61: {  	v2 =	vmul.f32 v2, v0;
	_ =	sdelay $0x1  }
0x62: {  	v2 =	vadd.f32 $-4.594725070e-01, v2;
	_ =	sdelay $0x1  }
0x63: {  	v2 =	vmul.f32 v2, v0;
	_ =	sdelay $0x1  }
0x64: {  	v2 =	vadd.f32 $1.593553300e+00, v2;
	_ =	sdelay $0x1  }
0x65: {  	v2 =	vmul.f32 v2, v0;
	_ =	sdelay $0x1  }
0x66: {  	v2 =	vadd.f32 $-1.193646310e+00, v2;
	_ =	sdelay $0x1  }
0x67: {  	v39 =	vsub.f32 $0.0e+00, v2;
	_ =	sdelay $0x1  }
0x68: {  	v3 =	vmul.f32 $1.442695020e+00, v39;
	_ =	sdelay $0x1  }
0x69: {  	(erf) = vpow2.f32 v3;
	_ =	sdelay $0x8  }
0x6a: {  	v3 =	vpop (erf)  }
0x6b: {  	v3 =	vmul.f32 v3, v0;
	_ =	sdelay $0x1  }
0x6c: {  	v2 =	vadd.f32 v3, v2;
	_ =	sdelay $0x1  }
0x6d: {  	v2 =	vadd.f32 $-1.000000000e+00, v2;
	_ =	sdelay $0x1  }
0x6e: {  	v40 =	vsub.f32 $0.0e+00, v2;
	_ =	sdelay $0x1  }
0x6f: {  	v3 =	vmul.f32 $1.442695020e+00, v40;
	_ =	sdelay $0x1  }
0x70: {  	(erf) = vpow2.f32 v3;
	_ =	sdelay $0x8  }
0x71: {  	v3 =	vpop (erf)  }
0x72: {  	v0 =	vmul.f32 v3, v0;
	_ =	sdelay $0x1  }
0x73: {  	v0 =	vadd.f32 v0, v2;
	_ =	sdelay $0x1  }
0x74: {  	v0 =	vadd.f32 $-1.000000000e+00, v0;
	_ =	sdelay $0x1  }
0x75: {  	v0 =	vadd.f32 v0, v1  }
0x76: {  	s13 =	sshra.s32 s12, $0x2  }
0x77: {  	[tilespmem:s13+$0x10000] =	vst v0  }
0x78: {  	v0 =	vld [tilespmem:s11+$0xFFFFFF90]  }
0x79: {  	v1 =	vld [tilespmem:s11+$0x10]  }
0x7a: {  	v41 =	vld [tilespmem:$0x18000]  }
0x7b: {  	v42 =	vld [tilespmem:$0x18080]  }
0x7c: {  	v43 =	vld [tilespmem:$0x18100]  }
0x7d: {  	v44 =	vld [tilespmem:$0x18180]  }
0x7e: {  	v45 =	vld [tilespmem:$0x18200]  }
0x7f: {  	v46 =	vld [tilespmem:$0x18010]  }
0x80: {  	v47 =	vld [tilespmem:$0x18090]  }
0x81: {  	v48 =	vld [tilespmem:$0x18110]  }
0x82: {  	v49 =	vld [tilespmem:$0x18190]  }
0x83: {  	v50 =	vld [tilespmem:$0x18210]  }
0x84: {  	v51 =	vld [tilespmem:$0x18020]  }
0x85: {  	v52 =	vld [tilespmem:$0x180A0]  }
0x86: {  	v53 =	vld [tilespmem:$0x18120]  }
0x87: {  	v54 =	vld [tilespmem:$0x181A0]  }
0x88: {  	v55 =	vld [tilespmem:$0x18220]  }
0x89: {  	v56 =	vld [tilespmem:$0x18030]  }
0x8a: {  	v57 =	vld [tilespmem:$0x180B0]  }
0x8b: {  	v63 =	vld [tilespmem:$0x180C0]  }
0x8c: {  	v31 =	vld [tilespmem:$0x181C0]  }
0x8d: {  	v58 =	vld [tilespmem:$0x18130];
	v59 =	vmul.f32 v0, v0;
	v22 =	vmul.f32 v1, v1  }
0x8e: {  	v60 =	vld [tilespmem:$0x181B0];
	v3 =	vmul.f32 v42, v0;
	v8 =	vmul.f32 v47, v0  }
0x8f: {  	v61 =	vld [tilespmem:$0x18230];
	v5 =	vmul.f32 v44, v1;
	v33 =	vmul.f32 v52, v0  }
0x90: {  	v62 =	vld [tilespmem:$0x18040];
	v36 =	vmul.f32 v57, v0;
	v10 =	vmul.f32 v49, v1  }
0x91: {  	v34 =	vld [tilespmem:$0x18050];
	v49 =	vmul.f32 v63, v0;
	v9 =	vmul.f32 v31, v1  }
0x92: {  	v37 =	vld [tilespmem:$0x180D0];
	v2 =	vmul.f32 v41, v59;
	v7 =	vmul.f32 v46, v59  }
0x93: {  	v29 =	vld [tilespmem:$0x18140];
	v28 =	vmul.f32 v43, v22;
	v30 =	vmul.f32 v48, v22  }
0x94: {  	v39 =	vld [tilespmem:$0x18150];
	v32 =	vmul.f32 v51, v59;
	v35 =	vmul.f32 v56, v59;
	v7 =	vadd.f32 v8, v7  }
0x95: {  	v44 =	vld [tilespmem:$0x18060];
	v38 =	vmul.f32 v53, v22;
	v48 =	vmul.f32 v62, v59  }
0x96: {  	v47 =	vld [tilespmem:$0x18070];
	v13 =	vmul.f32 v34, v59;
	v2 =	vadd.f32 v3, v2;
	v7 =	vadd.f32 v30, v7  }
0x97: {  	v46 =	vld [tilespmem:$0x180E0];
	v51 =	vmul.f32 v37, v0;
	v3 =	vadd.f32 v33, v32;
	v40 =	vadd.f32 v36, v35  }
0x98: {  	v52 =	vld [tilespmem:$0x18160];
	v43 =	vmul.f32 v54, v1;
	v6 =	vadd.f32 v49, v48;
	v7 =	vadd.f32 v10, v7  }
0x99: {  	v4 =	vmul.f32 v29, v22;
	v53 =	vld [tilespmem:$0x18170];
	v13 =	vadd.f32 v51, v13;
	v2 =	vadd.f32 v28, v2  }
0x9a: {  	v14 =	vmul.f32 v39, v22;
	v3 =	vadd.f32 v38, v3;
	v7 =	vadd.f32 v7, v50;
	v50 =	vld [tilespmem:$0x180F0]  }
0x9b: {  	v41 =	vmul.f32 v58, v22;
	v54 =	vld [tilespmem:$0x181E0];
	v4 =	vadd.f32 v4, v6;
	v2 =	vadd.f32 v5, v2  }
0x9c: {  	v42 =	vld [tilespmem:$0x181D0];
	v13 =	vadd.f32 v14, v13;
	v8 =	vmul.f32 v46, v0;
	v3 =	vadd.f32 v43, v3  }
0x9d: {  	v56 =	vld [tilespmem:$0x181F0];
	v5 =	vadd.f32 v41, v40;
	v2 =	vadd.f32 v2, v45;
	v45 =	vmul.f32 v60, v1  }
0x9e: {  	v62 =	vmul.f32 v53, v22;
	v3 =	vadd.f32 v3, v55;
	v55 =	vmul.f32 v44, v59  }
0x9f: {  	v57 =	vld [tilespmem:$0x18240];
	v10 =	vmul.f32 v47, v59;
	v5 =	vadd.f32 v45, v5;
	v0 =	vmul.f32 v50, v0  }
0xa0: {  	v58 =	vld [tilespmem:$0x18250];
	v16 =	vmul.f32 v54, v1;
	v60 =	vmul.f32 v52, v22;
	v6 =	vadd.f32 v8, v55  }
0xa1: {  	v59 =	vmul.f32 v42, v1;
	v5 =	vadd.f32 v5, v61;
	v61 =	vld [tilespmem:$0x18260];
	v0 =	vadd.f32 v0, v10  }
0xa2: {  	v17 =	vld [tilespmem:$0x18270];
	v4 =	vadd.f32 v9, v4;
	v1 =	vmul.f32 v56, v1;
	v6 =	vadd.f32 v60, v6  }
0xa3: {  	v63 =	vadd.f32 v59, v13;
	v18 =	vmax.f32 v2, v7;
	v0 =	vadd.f32 v62, v0  }
0xa4: {  	v4 =	vadd.f32 v4, v57;
	v19 =	vmax.f32 v18, v3;
	v6 =	vadd.f32 v16, v6  }
0xa5: {  	v20 =	vadd.f32 v63, v58;
	v21 =	vmax.f32 v19, v5;
	v0 =	vadd.f32 v1, v0  }
0xa6: {  	v6 =	vadd.f32 v6, v61;
	v1 =	vmax.f32 v21, v4  }
0xa7: {  	v1 =	vmax.f32 v1, v20;
	v0 =	vadd.f32 v0, v17  }
0xa8: {  	v1 =	vmax.f32 v1, v6  }
0xa9: {  	v1 =	vmax.f32 v1, v0  }
0xaa: {  	v2 =	vsub.f32 v2, v1  }
0xab: {  	v7 =	vsub.f32 v7, v1  }
0xac: {  	v2 =	vmul.f32 $1.442695020e+00, v2  }
0xad: {  	v3 =	vsub.f32 v3, v1;
	v7 =	vmul.f32 $1.442695020e+00, v7  }
0xae: {  	(erf) = vpow2.f32 v2  }
0xaf: {  	v23 =	vsub.f32 v5, v1;
	v22 =	vmul.f32 $1.442695020e+00, v3;
	(erf) = vpow2.f32 v7;
	_ =	sdelay $0x1  }
0xb0: {  	v25 =	vsub.f32 v4, v1;
	v24 =	vmul.f32 $1.442695020e+00, v23;
	(erf) = vpow2.f32 v22;
	_ =	sdelay $0x1  }
0xb1: {  	v27 =	vsub.f32 v20, v1;
	v26 =	vmul.f32 $1.442695020e+00, v25;
	(erf) = vpow2.f32 v24;
	_ =	sdelay $0x1  }
0xb2: {  	v29 =	vsub.f32 v6, v1;
	v28 =	vmul.f32 $1.442695020e+00, v27;
	(erf) = vpow2.f32 v26;
	_ =	sdelay $0x1  }
0xb3: {  	v0 =	vsub.f32 v0, v1;
	v31 =	vmul.f32 $1.442695020e+00, v29;
	v30 =	vpop (erf);
	(erf) = vpow2.f32 v28  }
0xb4: {  	v32 =	vpop (erf)  }
0xb5: {  	v0 =	vmul.f32 $1.442695020e+00, v0;
	(erf) = vpow2.f32 v31;
	v3 =	vadd.f32 v32, v30  }
0xb6: {  	v33 =	vpop (erf)  }
0xb7: {  	(erf) = vpow2.f32 v0;
	v2 =	vadd.f32 v3, v33  }
0xb8: {  	v34 =	vpop (erf)  }
0xb9: {  	v0 =	vadd.f32 v2, v34  }
0xba: {  	v35 =	vpop (erf)  }
0xbb: {  	v0 =	vadd.f32 v0, v35  }
0xbc: {  	v36 =	vpop (erf)  }
0xbd: {  	v0 =	vadd.f32 v0, v36  }
0xbe: {  	v37 =	vpop (erf)  }
0xbf: {  	v0 =	vadd.f32 v0, v37  }
0xc0: {  	v38 =	vpop (erf)  }
0xc1: {  	v0 =	vadd.f32 v0, v38;
	_ =	sdelay $0x1  }
0xc2: {  	v2 =	vmul.f32 $2.749113480e-04, v0;
	_ =	sdelay $0x1  }
0xc3: {  	v2 =	vadd.f32 $-7.451849520e-03, v2;
	_ =	sdelay $0x1  }
0xc4: {  	v2 =	vmul.f32 v2, v0;
	_ =	sdelay $0x1  }
0xc5: {  	v2 =	vadd.f32 $8.095877610e-02, v2;
	_ =	sdelay $0x1  }
0xc6: {  	v2 =	vmul.f32 v2, v0;
	_ =	sdelay $0x1  }
0xc7: {  	v2 =	vadd.f32 $-4.594725070e-01, v2;
	_ =	sdelay $0x1  }
0xc8: {  	v2 =	vmul.f32 v2, v0;
	_ =	sdelay $0x1  }
0xc9: {  	v2 =	vadd.f32 $1.593553300e+00, v2;
	_ =	sdelay $0x1  }
0xca: {  	v2 =	vmul.f32 v2, v0;
	_ =	sdelay $0x1  }
0xcb: {  	v2 =	vadd.f32 $-1.193646310e+00, v2;
	_ =	sdelay $0x1  }
0xcc: {  	v39 =	vsub.f32 $0.0e+00, v2;
	_ =	sdelay $0x1  }
0xcd: {  	v3 =	vmul.f32 $1.442695020e+00, v39;
	_ =	sdelay $0x1  }
0xce: {  	(erf) = vpow2.f32 v3;
	_ =	sdelay $0x8  }
0xcf: {  	v3 =	vpop (erf)  }
0xd0: {  	v3 =	vmul.f32 v3, v0;
	_ =	sdelay $0x1  }
0xd1: {  	v2 =	vadd.f32 v3, v2;
	_ =	sdelay $0x1  }
0xd2: {  	v2 =	vadd.f32 $-1.000000000e+00, v2;
	_ =	sdelay $0x1  }
0xd3: {  	v40 =	vsub.f32 $0.0e+00, v2;
	_ =	sdelay $0x1  }
0xd4: {  	v3 =	vmul.f32 $1.442695020e+00, v40;
	_ =	sdelay $0x1  }
0xd5: {  	(erf) = vpow2.f32 v3;
	_ =	sdelay $0x8  }
0xd6: {  	v3 =	vpop (erf)  }
0xd7: {  	v0 =	vmul.f32 v3, v0;
	_ =	sdelay $0x1  }
0xd8: {  	v0 =	vadd.f32 v0, v2;
	_ =	sdelay $0x1  }
0xd9: {  	v0 =	vadd.f32 $-1.000000000e+00, v0;
	_ =	sdelay $0x1  }
0xda: {  	v0 =	vadd.f32 v0, v1;
	_ =	sdelay $0x1  }
0xdb: {  	[tilespmem:s13+$0x10010] =	vst v0  }
0xdc: {  	v0 =	vld [tilespmem:s11+$0xFFFFFFA0]  }
0xdd: {  	v1 =	vld [tilespmem:s11+$0x20]  }
0xde: {  	v41 =	vld [tilespmem:$0x18000]  }
0xdf: {  	v42 =	vld [tilespmem:$0x18080]  }
0xe0: {  	v43 =	vld [tilespmem:$0x18100]  }
0xe1: {  	v44 =	vld [tilespmem:$0x18180]  }
0xe2: {  	v45 =	vld [tilespmem:$0x18200]  }
0xe3: {  	v46 =	vld [tilespmem:$0x18010]  }
0xe4: {  	v47 =	vld [tilespmem:$0x18090]  }
0xe5: {  	v48 =	vld [tilespmem:$0x18110]  }
0xe6: {  	v49 =	vld [tilespmem:$0x18190]  }
0xe7: {  	v50 =	vld [tilespmem:$0x18210]  }
0xe8: {  	v51 =	vld [tilespmem:$0x18020]  }
0xe9: {  	v52 =	vld [tilespmem:$0x180A0]  }
0xea: {  	v53 =	vld [tilespmem:$0x18120]  }
0xeb: {  	v54 =	vld [tilespmem:$0x181A0]  }
0xec: {  	v55 =	vld [tilespmem:$0x18220]  }
0xed: {  	v56 =	vld [tilespmem:$0x18030]  }
0xee: {  	v57 =	vld [tilespmem:$0x180B0]  }
0xef: {  	v63 =	vld [tilespmem:$0x180C0]  }
0xf0: {  	v31 =	vld [tilespmem:$0x181C0]  }
0xf1: {  	v58 =	vld [tilespmem:$0x18130];
	v59 =	vmul.f32 v0, v0;
	v22 =	vmul.f32 v1, v1  }
0xf2: {  	v60 =	vld [tilespmem:$0x181B0];
	v3 =	vmul.f32 v42, v0;
	v8 =	vmul.f32 v47, v0  }
0xf3: {  	v61 =	vld [tilespmem:$0x18230];
	v5 =	vmul.f32 v44, v1;
	v33 =	vmul.f32 v52, v0  }
0xf4: {  	v62 =	vld [tilespmem:$0x18040];
	v36 =	vmul.f32 v57, v0;
	v10 =	vmul.f32 v49, v1  }
0xf5: {  	v34 =	vld [tilespmem:$0x18050];
	v49 =	vmul.f32 v63, v0;
	v9 =	vmul.f32 v31, v1  }
0xf6: {  	v37 =	vld [tilespmem:$0x180D0];
	v2 =	vmul.f32 v41, v59;
	v7 =	vmul.f32 v46, v59  }
0xf7: {  	v29 =	vld [tilespmem:$0x18140];
	v28 =	vmul.f32 v43, v22;
	v30 =	vmul.f32 v48, v22  }
0xf8: {  	v39 =	vld [tilespmem:$0x18150];
	v32 =	vmul.f32 v51, v59;
	v35 =	vmul.f32 v56, v59;
	v7 =	vadd.f32 v8, v7  }
0xf9: {  	v44 =	vld [tilespmem:$0x18060];
	v38 =	vmul.f32 v53, v22;
	v48 =	vmul.f32 v62, v59  }
0xfa: {  	v47 =	vld [tilespmem:$0x18070];
	v13 =	vmul.f32 v34, v59;
	v2 =	vadd.f32 v3, v2;
	v7 =	vadd.f32 v30, v7  }
0xfb: {  	v46 =	vld [tilespmem:$0x180E0];
	v51 =	vmul.f32 v37, v0;
	v3 =	vadd.f32 v33, v32;
	v40 =	vadd.f32 v36, v35  }
0xfc: {  	v52 =	vld [tilespmem:$0x18160];
	v43 =	vmul.f32 v54, v1;
	v6 =	vadd.f32 v49, v48;
	v7 =	vadd.f32 v10, v7  }
0xfd: {  	v4 =	vmul.f32 v29, v22;
	v53 =	vld [tilespmem:$0x18170];
	v13 =	vadd.f32 v51, v13;
	v2 =	vadd.f32 v28, v2  }
0xfe: {  	v14 =	vmul.f32 v39, v22;
	v3 =	vadd.f32 v38, v3;
	v7 =	vadd.f32 v7, v50;
	v50 =	vld [tilespmem:$0x180F0]  }
0xff: {  	v41 =	vmul.f32 v58, v22;
	v54 =	vld [tilespmem:$0x181E0];
	v4 =	vadd.f32 v4, v6;
	v2 =	vadd.f32 v5, v2  }
0x100: {  	v42 =	vld [tilespmem:$0x181D0];
	v13 =	vadd.f32 v14, v13;
	v8 =	vmul.f32 v46, v0;
	v3 =	vadd.f32 v43, v3  }
0x101: {  	v56 =	vld [tilespmem:$0x181F0];
	v5 =	vadd.f32 v41, v40;
	v2 =	vadd.f32 v2, v45;
	v45 =	vmul.f32 v60, v1  }
0x102: {  	v62 =	vmul.f32 v53, v22;
	v3 =	vadd.f32 v3, v55;
	v55 =	vmul.f32 v44, v59  }
0x103: {  	v57 =	vld [tilespmem:$0x18240];
	v10 =	vmul.f32 v47, v59;
	v5 =	vadd.f32 v45, v5;
	v0 =	vmul.f32 v50, v0  }
0x104: {  	v58 =	vld [tilespmem:$0x18250];
	v16 =	vmul.f32 v54, v1;
	v60 =	vmul.f32 v52, v22;
	v6 =	vadd.f32 v8, v55  }
0x105: {  	v59 =	vmul.f32 v42, v1;
	v5 =	vadd.f32 v5, v61;
	v61 =	vld [tilespmem:$0x18260];
	v0 =	vadd.f32 v0, v10  }
0x106: {  	v17 =	vld [tilespmem:$0x18270];
	v4 =	vadd.f32 v9, v4;
	v1 =	vmul.f32 v56, v1;
	v6 =	vadd.f32 v60, v6  }
0x107: {  	v63 =	vadd.f32 v59, v13;
	v18 =	vmax.f32 v2, v7;
	v0 =	vadd.f32 v62, v0  }
0x108: {  	v4 =	vadd.f32 v4, v57;
	v20 =	vmax.f32 v18, v3;
	v6 =	vadd.f32 v16, v6  }
0x109: {  	v21 =	vadd.f32 v63, v58;
	v22 =	vmax.f32 v20, v5;
	v0 =	vadd.f32 v1, v0  }
0x10a: {  	v6 =	vadd.f32 v6, v61;
	v1 =	vmax.f32 v22, v4  }
0x10b: {  	v1 =	vmax.f32 v1, v21;
	v0 =	vadd.f32 v0, v17  }
0x10c: {  	v1 =	vmax.f32 v1, v6  }
0x10d: {  	v1 =	vmax.f32 v1, v0  }
0x10e: {  	v2 =	vsub.f32 v2, v1  }
0x10f: {  	v7 =	vsub.f32 v7, v1  }
0x110: {  	v2 =	vmul.f32 $1.442695020e+00, v2  }
0x111: {  	v3 =	vsub.f32 v3, v1;
	v7 =	vmul.f32 $1.442695020e+00, v7  }
0x112: {  	(erf) = vpow2.f32 v2  }
0x113: {  	v24 =	vsub.f32 v5, v1;
	v23 =	vmul.f32 $1.442695020e+00, v3;
	(erf) = vpow2.f32 v7;
	_ =	sdelay $0x1  }
0x114: {  	v26 =	vsub.f32 v4, v1;
	v25 =	vmul.f32 $1.442695020e+00, v24;
	(erf) = vpow2.f32 v23;
	_ =	sdelay $0x1  }
0x115: {  	v28 =	vsub.f32 v21, v1;
	v27 =	vmul.f32 $1.442695020e+00, v26;
	(erf) = vpow2.f32 v25;
	_ =	sdelay $0x1  }
0x116: {  	v30 =	vsub.f32 v6, v1;
	v29 =	vmul.f32 $1.442695020e+00, v28;
	(erf) = vpow2.f32 v27;
	_ =	sdelay $0x1  }
0x117: {  	v0 =	vsub.f32 v0, v1;
	v32 =	vmul.f32 $1.442695020e+00, v30;
	v31 =	vpop (erf);
	(erf) = vpow2.f32 v29  }
0x118: {  	v33 =	vpop (erf)  }
0x119: {  	v0 =	vmul.f32 $1.442695020e+00, v0;
	(erf) = vpow2.f32 v32;
	v3 =	vadd.f32 v33, v31  }
0x11a: {  	v34 =	vpop (erf)  }
0x11b: {  	(erf) = vpow2.f32 v0;
	v2 =	vadd.f32 v3, v34  }
0x11c: {  	v35 =	vpop (erf)  }
0x11d: {  	v0 =	vadd.f32 v2, v35  }
0x11e: {  	v36 =	vpop (erf)  }
0x11f: {  	v0 =	vadd.f32 v0, v36  }
0x120: {  	v37 =	vpop (erf)  }
0x121: {  	v0 =	vadd.f32 v0, v37  }
0x122: {  	v38 =	vpop (erf)  }
0x123: {  	v0 =	vadd.f32 v0, v38  }
0x124: {  	v39 =	vpop (erf)  }
0x125: {  	v0 =	vadd.f32 v0, v39;
	_ =	sdelay $0x1  }
0x126: {  	v2 =	vmul.f32 $2.749113480e-04, v0;
	_ =	sdelay $0x1  }
0x127: {  	v2 =	vadd.f32 $-7.451849520e-03, v2;
	_ =	sdelay $0x1  }
0x128: {  	v2 =	vmul.f32 v2, v0;
	_ =	sdelay $0x1  }
0x129: {  	v2 =	vadd.f32 $8.095877610e-02, v2;
	_ =	sdelay $0x1  }
0x12a: {  	v2 =	vmul.f32 v2, v0;
	_ =	sdelay $0x1  }
0x12b: {  	v2 =	vadd.f32 $-4.594725070e-01, v2;
	_ =	sdelay $0x1  }
0x12c: {  	v2 =	vmul.f32 v2, v0;
	_ =	sdelay $0x1  }
0x12d: {  	v2 =	vadd.f32 $1.593553300e+00, v2;
	_ =	sdelay $0x1  }
0x12e: {  	v2 =	vmul.f32 v2, v0;
	_ =	sdelay $0x1  }
0x12f: {  	v2 =	vadd.f32 $-1.193646310e+00, v2;
	_ =	sdelay $0x1  }
0x130: {  	v40 =	vsub.f32 $0.0e+00, v2;
	_ =	sdelay $0x1  }
0x131: {  	v3 =	vmul.f32 $1.442695020e+00, v40;
	_ =	sdelay $0x1  }
0x132: {  	(erf) = vpow2.f32 v3;
	_ =	sdelay $0x8  }
0x133: {  	v3 =	vpop (erf)  }
0x134: {  	v3 =	vmul.f32 v3, v0;
	_ =	sdelay $0x1  }
0x135: {  	v2 =	vadd.f32 v3, v2;
	_ =	sdelay $0x1  }
0x136: {  	v2 =	vadd.f32 $-1.000000000e+00, v2;
	_ =	sdelay $0x1  }
0x137: {  	v41 =	vsub.f32 $0.0e+00, v2;
	_ =	sdelay $0x1  }
0x138: {  	v3 =	vmul.f32 $1.442695020e+00, v41;
	_ =	sdelay $0x1  }
0x139: {  	(erf) = vpow2.f32 v3;
	_ =	sdelay $0x8  }
0x13a: {  	v3 =	vpop (erf)  }
0x13b: {  	v0 =	vmul.f32 v3, v0;
	_ =	sdelay $0x1  }
0x13c: {  	v0 =	vadd.f32 v0, v2;
	_ =	sdelay $0x1  }
0x13d: {  	v0 =	vadd.f32 $-1.000000000e+00, v0;
	_ =	sdelay $0x1  }
0x13e: {  	v0 =	vadd.f32 v0, v1;
	_ =	sdelay $0x1  }
0x13f: {  	[tilespmem:s13+$0x10020] =	vst v0  }
0x140: {  	v0 =	vld [tilespmem:s11+$0xFFFFFFB0]  }
0x141: {  	v1 =	vld [tilespmem:s11+$0x30]  }
0x142: {  	v42 =	vld [tilespmem:$0x18000]  }
0x143: {  	v43 =	vld [tilespmem:$0x18080]  }
0x144: {  	v44 =	vld [tilespmem:$0x18100]  }
0x145: {  	v45 =	vld [tilespmem:$0x18180]  }
0x146: {  	v46 =	vld [tilespmem:$0x18200]  }
0x147: {  	v47 =	vld [tilespmem:$0x18010]  }
0x148: {  	v48 =	vld [tilespmem:$0x18090]  }
0x149: {  	v49 =	vld [tilespmem:$0x18110]  }
0x14a: {  	v50 =	vld [tilespmem:$0x18190]  }
0x14b: {  	v51 =	vld [tilespmem:$0x18210]  }
0x14c: {  	v52 =	vld [tilespmem:$0x18020]  }
0x14d: {  	v53 =	vld [tilespmem:$0x180A0]  }
0x14e: {  	v54 =	vld [tilespmem:$0x18120]  }
0x14f: {  	v55 =	vld [tilespmem:$0x181A0]  }
0x150: {  	v56 =	vld [tilespmem:$0x18220]  }
0x151: {  	v57 =	vld [tilespmem:$0x18030]  }
0x152: {  	v58 =	vld [tilespmem:$0x180B0]  }
0x153: {  	v28 =	vld [tilespmem:$0x180C0]  }
0x154: {  	v32 =	vld [tilespmem:$0x181C0]  }
0x155: {  	v59 =	vld [tilespmem:$0x18130];
	v60 =	vmul.f32 v0, v0;
	v22 =	vmul.f32 v1, v1  }
0x156: {  	v61 =	vld [tilespmem:$0x181B0];
	v3 =	vmul.f32 v43, v0;
	v8 =	vmul.f32 v48, v0  }
0x157: {  	v62 =	vld [tilespmem:$0x18230];
	v5 =	vmul.f32 v45, v1;
	v34 =	vmul.f32 v53, v0  }
0x158: {  	v63 =	vld [tilespmem:$0x18040];
	v37 =	vmul.f32 v58, v0;
	v10 =	vmul.f32 v50, v1  }
0x159: {  	v35 =	vld [tilespmem:$0x18050];
	v50 =	vmul.f32 v28, v0;
	v9 =	vmul.f32 v32, v1  }
0x15a: {  	v38 =	vld [tilespmem:$0x180D0];
	v2 =	vmul.f32 v42, v60;
	v7 =	vmul.f32 v47, v60  }
0x15b: {  	v30 =	vld [tilespmem:$0x18140];
	v29 =	vmul.f32 v44, v22;
	v31 =	vmul.f32 v49, v22  }
0x15c: {  	v40 =	vld [tilespmem:$0x18150];
	v33 =	vmul.f32 v52, v60;
	v36 =	vmul.f32 v57, v60;
	v7 =	vadd.f32 v8, v7  }
0x15d: {  	v45 =	vld [tilespmem:$0x18060];
	v39 =	vmul.f32 v54, v22;
	v49 =	vmul.f32 v63, v60  }
0x15e: {  	v48 =	vld [tilespmem:$0x18070];
	v13 =	vmul.f32 v35, v60;
	v2 =	vadd.f32 v3, v2;
	v7 =	vadd.f32 v31, v7  }
0x15f: {  	v47 =	vld [tilespmem:$0x180E0];
	v52 =	vmul.f32 v38, v0;
	v3 =	vadd.f32 v34, v33;
	v41 =	vadd.f32 v37, v36  }
0x160: {  	v53 =	vld [tilespmem:$0x18160];
	v44 =	vmul.f32 v55, v1;
	v6 =	vadd.f32 v50, v49;
	v7 =	vadd.f32 v10, v7  }
0x161: {  	v4 =	vmul.f32 v30, v22;
	v54 =	vld [tilespmem:$0x18170];
	v13 =	vadd.f32 v52, v13;
	v2 =	vadd.f32 v29, v2  }
0x162: {  	v14 =	vmul.f32 v40, v22;
	v3 =	vadd.f32 v39, v3;
	v7 =	vadd.f32 v7, v51;
	v51 =	vld [tilespmem:$0x180F0]  }
0x163: {  	v42 =	vmul.f32 v59, v22;
	v55 =	vld [tilespmem:$0x181E0];
	v4 =	vadd.f32 v4, v6;
	v2 =	vadd.f32 v5, v2  }
0x164: {  	v43 =	vld [tilespmem:$0x181D0];
	v13 =	vadd.f32 v14, v13;
	v8 =	vmul.f32 v47, v0;
	v3 =	vadd.f32 v44, v3  }
0x165: {  	v57 =	vld [tilespmem:$0x181F0];
	v5 =	vadd.f32 v42, v41;
	v2 =	vadd.f32 v2, v46;
	v46 =	vmul.f32 v61, v1  }
0x166: {  	v63 =	vmul.f32 v54, v22;
	v3 =	vadd.f32 v3, v56;
	v56 =	vmul.f32 v45, v60  }
0x167: {  	v58 =	vld [tilespmem:$0x18240];
	v10 =	vmul.f32 v48, v60;
	v5 =	vadd.f32 v46, v5;
	v0 =	vmul.f32 v51, v0  }
0x168: {  	v59 =	vld [tilespmem:$0x18250];
	v18 =	vmul.f32 v55, v1;
	v61 =	vmul.f32 v53, v22;
	v6 =	vadd.f32 v8, v56  }
0x169: {  	v60 =	vmul.f32 v43, v1;
	v5 =	vadd.f32 v5, v62;
	v62 =	vld [tilespmem:$0x18260];
	v0 =	vadd.f32 v0, v10  }
0x16a: {  	v20 =	vld [tilespmem:$0x18270];
	v4 =	vadd.f32 v9, v4;
	v1 =	vmul.f32 v57, v1;
	v6 =	vadd.f32 v61, v6  }
0x16b: {  	v17 =	vadd.f32 v60, v13;
	v21 =	vmax.f32 v2, v7;
	v0 =	vadd.f32 v63, v0  }
0x16c: {  	v4 =	vadd.f32 v4, v58;
	v22 =	vmax.f32 v21, v3;
	v6 =	vadd.f32 v18, v6  }
0x16d: {  	v23 =	vadd.f32 v17, v59;
	v24 =	vmax.f32 v22, v5;
	v0 =	vadd.f32 v1, v0  }
0x16e: {  	v6 =	vadd.f32 v6, v62;
	v1 =	vmax.f32 v24, v4  }
0x16f: {  	v1 =	vmax.f32 v1, v23;
	v0 =	vadd.f32 v0, v20  }
0x170: {  	v1 =	vmax.f32 v1, v6  }
0x171: {  	v1 =	vmax.f32 v1, v0  }
0x172: {  	v2 =	vsub.f32 v2, v1  }
0x173: {  	v7 =	vsub.f32 v7, v1  }
0x174: {  	v2 =	vmul.f32 $1.442695020e+00, v2  }
0x175: {  	v3 =	vsub.f32 v3, v1;
	v7 =	vmul.f32 $1.442695020e+00, v7  }
0x176: {  	(erf) = vpow2.f32 v2  }
0x177: {  	v26 =	vsub.f32 v5, v1;
	v25 =	vmul.f32 $1.442695020e+00, v3;
	(erf) = vpow2.f32 v7;
	_ =	sdelay $0x1  }
0x178: {  	v28 =	vsub.f32 v4, v1;
	v27 =	vmul.f32 $1.442695020e+00, v26;
	(erf) = vpow2.f32 v25;
	_ =	sdelay $0x1  }
0x179: {  	v30 =	vsub.f32 v23, v1;
	v29 =	vmul.f32 $1.442695020e+00, v28;
	(erf) = vpow2.f32 v27;
	_ =	sdelay $0x1  }
0x17a: {  	v32 =	vsub.f32 v6, v1;
	v31 =	vmul.f32 $1.442695020e+00, v30;
	(erf) = vpow2.f32 v29;
	_ =	sdelay $0x1  }
0x17b: {  	v0 =	vsub.f32 v0, v1;
	v34 =	vmul.f32 $1.442695020e+00, v32;
	v33 =	vpop (erf);
	(erf) = vpow2.f32 v31  }
0x17c: {  	v35 =	vpop (erf)  }
0x17d: {  	v0 =	vmul.f32 $1.442695020e+00, v0;
	(erf) = vpow2.f32 v34;
	v3 =	vadd.f32 v35, v33  }
0x17e: {  	v36 =	vpop (erf)  }
0x17f: {  	(erf) = vpow2.f32 v0;
	v2 =	vadd.f32 v3, v36  }
0x180: {  	v37 =	vpop (erf)  }
0x181: {  	v0 =	vadd.f32 v2, v37  }
0x182: {  	v38 =	vpop (erf)  }
0x183: {  	v0 =	vadd.f32 v0, v38  }
0x184: {  	v39 =	vpop (erf)  }
0x185: {  	v0 =	vadd.f32 v0, v39  }
0x186: {  	v40 =	vpop (erf)  }
0x187: {  	v0 =	vadd.f32 v0, v40  }
0x188: {  	v41 =	vpop (erf)  }
0x189: {  	v0 =	vadd.f32 v0, v41;
	_ =	sdelay $0x1  }
0x18a: {  	v2 =	vmul.f32 $2.749113480e-04, v0;
	_ =	sdelay $0x1  }
0x18b: {  	v2 =	vadd.f32 $-7.451849520e-03, v2;
	_ =	sdelay $0x1  }
0x18c: {  	v2 =	vmul.f32 v2, v0;
	_ =	sdelay $0x1  }
0x18d: {  	v2 =	vadd.f32 $8.095877610e-02, v2;
	_ =	sdelay $0x1  }
0x18e: {  	v2 =	vmul.f32 v2, v0;
	_ =	sdelay $0x1  }
0x18f: {  	v2 =	vadd.f32 $-4.594725070e-01, v2;
	_ =	sdelay $0x1  }
0x190: {  	v2 =	vmul.f32 v2, v0;
	_ =	sdelay $0x1  }
0x191: {  	v2 =	vadd.f32 $1.593553300e+00, v2;
	_ =	sdelay $0x1  }
0x192: {  	v2 =	vmul.f32 v2, v0;
	_ =	sdelay $0x1  }
0x193: {  	v2 =	vadd.f32 $-1.193646310e+00, v2;
	_ =	sdelay $0x1  }
0x194: {  	v42 =	vsub.f32 $0.0e+00, v2;
	_ =	sdelay $0x1  }
0x195: {  	v3 =	vmul.f32 $1.442695020e+00, v42;
	_ =	sdelay $0x1  }
0x196: {  	(erf) = vpow2.f32 v3;
	_ =	sdelay $0x8  }
0x197: {  	v3 =	vpop (erf)  }
0x198: {  	v3 =	vmul.f32 v3, v0;
	_ =	sdelay $0x1  }
0x199: {  	v2 =	vadd.f32 v3, v2;
	_ =	sdelay $0x1  }
0x19a: {  	v2 =	vadd.f32 $-1.000000000e+00, v2;
	_ =	sdelay $0x1  }
0x19b: {  	v43 =	vsub.f32 $0.0e+00, v2;
	_ =	sdelay $0x1  }
0x19c: {  	v3 =	vmul.f32 $1.442695020e+00, v43;
	_ =	sdelay $0x1  }
0x19d: {  	(erf) = vpow2.f32 v3;
	_ =	sdelay $0x8  }
0x19e: {  	v3 =	vpop (erf)  }
0x19f: {  	v0 =	vmul.f32 v3, v0;
	_ =	sdelay $0x1  }
0x1a0: {  	v0 =	vadd.f32 v0, v2;
	_ =	sdelay $0x1  }
0x1a1: {  	v0 =	vadd.f32 $-1.000000000e+00, v0;
	_ =	sdelay $0x1  }
0x1a2: {  	v0 =	vadd.f32 v0, v1;
	_ =	sdelay $0x1  }
0x1a3: {  	[tilespmem:s13+$0x10030] =	vst v0  }
0x1a4: {  	v0 =	vld [tilespmem:s11+$0xFFFFFFC0]  }
0x1a5: {  	v1 =	vld [tilespmem:s11+$0x40]  }
0x1a6: {  	v44 =	vld [tilespmem:$0x18000]  }
0x1a7: {  	v45 =	vld [tilespmem:$0x18080]  }
0x1a8: {  	v46 =	vld [tilespmem:$0x18100]  }
0x1a9: {  	v47 =	vld [tilespmem:$0x18180]  }
0x1aa: {  	v48 =	vld [tilespmem:$0x18200]  }
0x1ab: {  	v49 =	vld [tilespmem:$0x18010]  }
0x1ac: {  	v50 =	vld [tilespmem:$0x18090]  }
0x1ad: {  	v51 =	vld [tilespmem:$0x18110]  }
0x1ae: {  	v52 =	vld [tilespmem:$0x18190]  }
0x1af: {  	v53 =	vld [tilespmem:$0x18210]  }
0x1b0: {  	v54 =	vld [tilespmem:$0x18020]  }
0x1b1: {  	v55 =	vld [tilespmem:$0x180A0]  }
0x1b2: {  	v56 =	vld [tilespmem:$0x18120]  }
0x1b3: {  	v57 =	vld [tilespmem:$0x181A0]  }
0x1b4: {  	v58 =	vld [tilespmem:$0x18220]  }
0x1b5: {  	v60 =	vld [tilespmem:$0x180B0]  }
0x1b6: {  	v30 =	vld [tilespmem:$0x180C0]  }
0x1b7: {  	v34 =	vld [tilespmem:$0x181C0]  }
0x1b8: {  	v59 =	vld [tilespmem:$0x18030];
	v62 =	vmul.f32 v0, v0;
	v22 =	vmul.f32 v1, v1  }
0x1b9: {  	v61 =	vld [tilespmem:$0x18130];
	v3 =	vmul.f32 v45, v0;
	v8 =	vmul.f32 v50, v0  }
0x1ba: {  	v63 =	vld [tilespmem:$0x181B0];
	v5 =	vmul.f32 v47, v1;
	v36 =	vmul.f32 v55, v0  }
0x1bb: {  	v29 =	vld [tilespmem:$0x18040];
	v39 =	vmul.f32 v60, v0;
	v10 =	vmul.f32 v52, v1  }
0x1bc: {  	v37 =	vld [tilespmem:$0x18050];
	v52 =	vmul.f32 v30, v0;
	v9 =	vmul.f32 v34, v1  }
0x1bd: {  	v40 =	vld [tilespmem:$0x180D0];
	v2 =	vmul.f32 v44, v62;
	v7 =	vmul.f32 v49, v62  }
0x1be: {  	v32 =	vld [tilespmem:$0x18140];
	v31 =	vmul.f32 v46, v22;
	v33 =	vmul.f32 v51, v22  }
0x1bf: {  	v42 =	vld [tilespmem:$0x18150];
	v35 =	vmul.f32 v54, v62;
	v38 =	vmul.f32 v59, v62;
	v7 =	vadd.f32 v8, v7  }
0x1c0: {  	v45 =	vld [tilespmem:$0x181D0];
	v41 =	vmul.f32 v56, v22;
	v51 =	vmul.f32 v29, v62  }
0x1c1: {  	v49 =	vld [tilespmem:$0x180E0];
	v13 =	vmul.f32 v37, v62;
	v2 =	vadd.f32 v3, v2;
	v7 =	vadd.f32 v33, v7  }
0x1c2: {  	v54 =	vmul.f32 v40, v0;
	v56 =	vld [tilespmem:$0x18170];
	v3 =	vadd.f32 v36, v35;
	v43 =	vadd.f32 v39, v38  }
0x1c3: {  	v50 =	vld [tilespmem:$0x18070];
	v4 =	vmul.f32 v32, v22;
	v6 =	vadd.f32 v52, v51;
	v7 =	vadd.f32 v10, v7  }
0x1c4: {  	v47 =	vld [tilespmem:$0x18060];
	v14 =	vmul.f32 v42, v22;
	v13 =	vadd.f32 v54, v13;
	v2 =	vadd.f32 v31, v2  }
0x1c5: {  	v46 =	vmul.f32 v57, v1;
	v3 =	vadd.f32 v41, v3;
	v7 =	vadd.f32 v7, v53;
	v53 =	vld [tilespmem:$0x180F0]  }
0x1c6: {  	v55 =	vld [tilespmem:$0x18160];
	v44 =	vmul.f32 v61, v22;
	v4 =	vadd.f32 v4, v6;
	v13 =	vadd.f32 v14, v13  }
0x1c7: {  	v57 =	vld [tilespmem:$0x181E0];
	v8 =	vmul.f32 v49, v0;
	v18 =	vmul.f32 v56, v22;
	v3 =	vadd.f32 v46, v3  }
0x1c8: {  	v59 =	vld [tilespmem:$0x181F0];
	v2 =	vadd.f32 v5, v2;
	v5 =	vadd.f32 v44, v43;
	v10 =	vmul.f32 v50, v62  }
0x1c9: {  	v28 =	vld [tilespmem:$0x18230];
	v4 =	vadd.f32 v9, v4;
	v3 =	vadd.f32 v3, v58;
	v58 =	vmul.f32 v47, v62  }
0x1ca: {  	v60 =	vld [tilespmem:$0x18240];
	v2 =	vadd.f32 v2, v48;
	v48 =	vmul.f32 v63, v1;
	v0 =	vmul.f32 v53, v0  }
0x1cb: {  	v61 =	vld [tilespmem:$0x18250];
	v62 =	vmul.f32 v45, v1;
	v63 =	vmul.f32 v55, v22;
	v6 =	vadd.f32 v8, v58  }
0x1cc: {  	v17 =	vld [tilespmem:$0x18260];
	v21 =	vmul.f32 v57, v1;
	v5 =	vadd.f32 v48, v5;
	v0 =	vadd.f32 v0, v10  }
0x1cd: {  	v22 =	vld [tilespmem:$0x18270];
	v1 =	vmul.f32 v59, v1;
	v20 =	vadd.f32 v62, v13;
	v6 =	vadd.f32 v63, v6  }
0x1ce: {  	v23 =	vmax.f32 v2, v7;
	v5 =	vadd.f32 v5, v28;
	v0 =	vadd.f32 v18, v0  }
0x1cf: {  	v4 =	vadd.f32 v4, v60;
	v24 =	vmax.f32 v23, v3;
	v6 =	vadd.f32 v21, v6  }
0x1d0: {  	v25 =	vadd.f32 v20, v61;
	v26 =	vmax.f32 v24, v5;
	v0 =	vadd.f32 v1, v0  }
0x1d1: {  	v6 =	vadd.f32 v6, v17;
	v1 =	vmax.f32 v26, v4  }
0x1d2: {  	v1 =	vmax.f32 v1, v25;
	v0 =	vadd.f32 v0, v22  }
0x1d3: {  	v1 =	vmax.f32 v1, v6  }
0x1d4: {  	v1 =	vmax.f32 v1, v0  }
0x1d5: {  	v2 =	vsub.f32 v2, v1  }
0x1d6: {  	v7 =	vsub.f32 v7, v1  }
0x1d7: {  	v2 =	vmul.f32 $1.442695020e+00, v2  }
0x1d8: {  	v3 =	vsub.f32 v3, v1;
	v7 =	vmul.f32 $1.442695020e+00, v7  }
0x1d9: {  	(erf) = vpow2.f32 v2  }
0x1da: {  	v28 =	vsub.f32 v5, v1;
	v27 =	vmul.f32 $1.442695020e+00, v3;
	(erf) = vpow2.f32 v7;
	_ =	sdelay $0x1  }
0x1db: {  	v30 =	vsub.f32 v4, v1;
	v29 =	vmul.f32 $1.442695020e+00, v28;
	(erf) = vpow2.f32 v27;
	_ =	sdelay $0x1  }
0x1dc: {  	v32 =	vsub.f32 v25, v1;
	v31 =	vmul.f32 $1.442695020e+00, v30;
	(erf) = vpow2.f32 v29;
	_ =	sdelay $0x1  }
0x1dd: {  	v34 =	vsub.f32 v6, v1;
	v33 =	vmul.f32 $1.442695020e+00, v32;
	(erf) = vpow2.f32 v31;
	_ =	sdelay $0x1  }
0x1de: {  	v0 =	vsub.f32 v0, v1;
	v36 =	vmul.f32 $1.442695020e+00, v34;
	v35 =	vpop (erf);
	(erf) = vpow2.f32 v33  }
0x1df: {  	v37 =	vpop (erf)  }
0x1e0: {  	v0 =	vmul.f32 $1.442695020e+00, v0;
	(erf) = vpow2.f32 v36;
	v3 =	vadd.f32 v37, v35  }
0x1e1: {  	v38 =	vpop (erf)  }
0x1e2: {  	(erf) = vpow2.f32 v0;
	v2 =	vadd.f32 v3, v38  }
0x1e3: {  	v39 =	vpop (erf)  }
0x1e4: {  	v0 =	vadd.f32 v2, v39  }
0x1e5: {  	v40 =	vpop (erf)  }
0x1e6: {  	v0 =	vadd.f32 v0, v40  }
0x1e7: {  	v41 =	vpop (erf)  }
0x1e8: {  	v0 =	vadd.f32 v0, v41  }
0x1e9: {  	v42 =	vpop (erf)  }
0x1ea: {  	v0 =	vadd.f32 v0, v42  }
0x1eb: {  	v43 =	vpop (erf)  }
0x1ec: {  	v0 =	vadd.f32 v0, v43;
	_ =	sdelay $0x1  }
0x1ed: {  	v2 =	vmul.f32 $2.749113480e-04, v0;
	_ =	sdelay $0x1  }
0x1ee: {  	v2 =	vadd.f32 $-7.451849520e-03, v2;
	_ =	sdelay $0x1  }
0x1ef: {  	v2 =	vmul.f32 v2, v0;
	_ =	sdelay $0x1  }
0x1f0: {  	v2 =	vadd.f32 $8.095877610e-02, v2;
	_ =	sdelay $0x1  }
0x1f1: {  	v2 =	vmul.f32 v2, v0;
	_ =	sdelay $0x1  }
0x1f2: {  	v2 =	vadd.f32 $-4.594725070e-01, v2;
	_ =	sdelay $0x1  }
0x1f3: {  	v2 =	vmul.f32 v2, v0;
	_ =	sdelay $0x1  }
0x1f4: {  	v2 =	vadd.f32 $1.593553300e+00, v2;
	_ =	sdelay $0x1  }
0x1f5: {  	v2 =	vmul.f32 v2, v0;
	_ =	sdelay $0x1  }
0x1f6: {  	v2 =	vadd.f32 $-1.193646310e+00, v2;
	_ =	sdelay $0x1  }
0x1f7: {  	v44 =	vsub.f32 $0.0e+00, v2;
	_ =	sdelay $0x1  }
0x1f8: {  	v3 =	vmul.f32 $1.442695020e+00, v44;
	_ =	sdelay $0x1  }
0x1f9: {  	(erf) = vpow2.f32 v3;
	_ =	sdelay $0x8  }
0x1fa: {  	v3 =	vpop (erf)  }
0x1fb: {  	v3 =	vmul.f32 v3, v0;
	_ =	sdelay $0x1  }
0x1fc: {  	v2 =	vadd.f32 v3, v2;
	_ =	sdelay $0x1  }
0x1fd: {  	v2 =	vadd.f32 $-1.000000000e+00, v2;
	_ =	sdelay $0x1  }
0x1fe: {  	v45 =	vsub.f32 $0.0e+00, v2;
	_ =	sdelay $0x1  }
0x1ff: {  	v3 =	vmul.f32 $1.442695020e+00, v45;
	_ =	sdelay $0x1  }
0x200: {  	(erf) = vpow2.f32 v3;
	_ =	sdelay $0x8  }
0x201: {  	v3 =	vpop (erf)  }
0x202: {  	v0 =	vmul.f32 v3, v0;
	_ =	sdelay $0x1  }
0x203: {  	v0 =	vadd.f32 v0, v2;
	_ =	sdelay $0x1  }
0x204: {  	v0 =	vadd.f32 $-1.000000000e+00, v0;
	_ =	sdelay $0x1  }
0x205: {  	v0 =	vadd.f32 v0, v1;
	_ =	sdelay $0x1  }
0x206: {  	[tilespmem:s13+$0x10040] =	vst v0  }
0x207: {  	v0 =	vld [tilespmem:s11+$0xFFFFFFD0]  }
0x208: {  	v1 =	vld [tilespmem:s11+$0x50]  }
0x209: {  	v46 =	vld [tilespmem:$0x18000]  }
0x20a: {  	v47 =	vld [tilespmem:$0x18080]  }
0x20b: {  	v48 =	vld [tilespmem:$0x18100]  }
0x20c: {  	v49 =	vld [tilespmem:$0x18180]  }
0x20d: {  	v6 =	vld [tilespmem:$0x18200]  }
0x20e: {  	v50 =	vld [tilespmem:$0x18010]  }
0x20f: {  	v51 =	vld [tilespmem:$0x18090]  }
0x210: {  	v52 =	vld [tilespmem:$0x18110]  }
0x211: {  	v53 =	vld [tilespmem:$0x18190]  }
0x212: {  	v54 =	vld [tilespmem:$0x18210]  }
0x213: {  	v55 =	vld [tilespmem:$0x18020]  }
0x214: {  	v56 =	vld [tilespmem:$0x180A0]  }
0x215: {  	v57 =	vld [tilespmem:$0x18120]  }
0x216: {  	v58 =	vld [tilespmem:$0x181A0]  }
0x217: {  	v59 =	vld [tilespmem:$0x18220]  }
0x218: {  	v61 =	vld [tilespmem:$0x180B0]  }
0x219: {  	v42 =	vld [tilespmem:$0x180D0]  }
0x21a: {  	v36 =	vld [tilespmem:$0x181C0];
	v63 =	vmul.f32 v0, v0  }
0x21b: {  	v60 =	vld [tilespmem:$0x18030];
	v29 =	vmul.f32 v1, v1;
	v3 =	vmul.f32 v47, v0  }
0x21c: {  	v62 =	vld [tilespmem:$0x18130];
	v8 =	vmul.f32 v51, v0;
	v5 =	vmul.f32 v49, v1  }
0x21d: {  	v28 =	vld [tilespmem:$0x181B0];
	v38 =	vmul.f32 v56, v0;
	v41 =	vmul.f32 v61, v0  }
0x21e: {  	v30 =	vld [tilespmem:$0x18230];
	v10 =	vmul.f32 v53, v1;
	v56 =	vmul.f32 v42, v0  }
0x21f: {  	v31 =	vld [tilespmem:$0x18040];
	v9 =	vmul.f32 v36, v1;
	v2 =	vmul.f32 v46, v63  }
0x220: {  	v39 =	vld [tilespmem:$0x18050];
	v7 =	vmul.f32 v50, v63;
	v33 =	vmul.f32 v48, v29  }
0x221: {  	v34 =	vld [tilespmem:$0x18140];
	v35 =	vmul.f32 v52, v29;
	v37 =	vmul.f32 v55, v63  }
0x222: {  	v44 =	vld [tilespmem:$0x18150];
	v40 =	vmul.f32 v60, v63;
	v43 =	vmul.f32 v57, v29  }
0x223: {  	v49 =	vld [tilespmem:$0x18060];
	v46 =	vmul.f32 v62, v29;
	v48 =	vmul.f32 v58, v1  }
0x224: {  	v51 =	vld [tilespmem:$0x180E0];
	v50 =	vmul.f32 v28, v1;
	v53 =	vmul.f32 v31, v63;
	v7 =	vadd.f32 v8, v7  }
0x225: {  	v32 =	vld [tilespmem:$0x180C0];
	v13 =	vmul.f32 v39, v63;
	v2 =	vadd.f32 v3, v2;
	v3 =	vadd.f32 v38, v37  }
0x226: {  	v47 =	vld [tilespmem:$0x181D0];
	v4 =	vmul.f32 v34, v29;
	v45 =	vadd.f32 v41, v40;
	v7 =	vadd.f32 v35, v7  }
0x227: {  	v52 =	vld [tilespmem:$0x18070];
	v14 =	vmul.f32 v44, v29;
	v13 =	vadd.f32 v56, v13;
	v3 =	vadd.f32 v43, v3  }
0x228: {  	v55 =	vld [tilespmem:$0x180F0];
	v60 =	vmul.f32 v49, v63;
	v2 =	vadd.f32 v33, v2;
	v7 =	vadd.f32 v10, v7  }
0x229: {  	v57 =	vld [tilespmem:$0x18160];
	v8 =	vmul.f32 v51, v0;
	v13 =	vadd.f32 v14, v13;
	v3 =	vadd.f32 v48, v3  }
0x22a: {  	v58 =	vld [tilespmem:$0x18170];
	v2 =	vadd.f32 v5, v2;
	v7 =	vadd.f32 v7, v54;
	v54 =	vmul.f32 v32, v0  }
0x22b: {  	v20 =	vmul.f32 v47, v1;
	v5 =	vadd.f32 v46, v45;
	v3 =	vadd.f32 v3, v59;
	v59 =	vld [tilespmem:$0x181E0]  }
0x22c: {  	v61 =	vld [tilespmem:$0x181F0];
	v10 =	vmul.f32 v52, v63;
	v2 =	vadd.f32 v2, v6;
	v6 =	vadd.f32 v54, v53  }
0x22d: {  	v62 =	vld [tilespmem:$0x18240];
	v25 =	vadd.f32 v20, v13;
	v5 =	vadd.f32 v50, v5;
	v0 =	vmul.f32 v55, v0  }
0x22e: {  	v21 =	vmul.f32 v57, v29;
	v63 =	vld [tilespmem:$0x18250];
	v4 =	vadd.f32 v4, v6;
	v6 =	vadd.f32 v8, v60  }
0x22f: {  	v23 =	vld [tilespmem:$0x18260];
	v24 =	vmul.f32 v58, v29;
	v5 =	vadd.f32 v5, v30;
	v0 =	vadd.f32 v0, v10  }
0x230: {  	v27 =	vld [tilespmem:$0x18270];
	v26 =	vmul.f32 v59, v1;
	v4 =	vadd.f32 v9, v4;
	v6 =	vadd.f32 v21, v6  }
0x231: {  	v28 =	vmax.f32 v2, v7;
	v0 =	vadd.f32 v24, v0;
	v1 =	vmul.f32 v61, v1  }
0x232: {  	v29 =	vmax.f32 v28, v3;
	v4 =	vadd.f32 v4, v62;
	v6 =	vadd.f32 v26, v6  }
0x233: {  	v30 =	vadd.f32 v25, v63;
	v31 =	vmax.f32 v29, v5;
	v0 =	vadd.f32 v1, v0  }
0x234: {  	v6 =	vadd.f32 v6, v23;
	v1 =	vmax.f32 v31, v4  }
0x235: {  	v0 =	vadd.f32 v0, v27;
	v1 =	vmax.f32 v1, v30  }
0x236: {  	v1 =	vmax.f32 v1, v6  }
0x237: {  	v1 =	vmax.f32 v1, v0  }
0x238: {  	v2 =	vsub.f32 v2, v1  }
0x239: {  	v7 =	vsub.f32 v7, v1  }
0x23a: {  	v2 =	vmul.f32 $1.442695020e+00, v2  }
0x23b: {  	v3 =	vsub.f32 v3, v1;
	v7 =	vmul.f32 $1.442695020e+00, v7  }
0x23c: {  	(erf) = vpow2.f32 v2  }
0x23d: {  	v33 =	vsub.f32 v5, v1;
	v32 =	vmul.f32 $1.442695020e+00, v3;
	(erf) = vpow2.f32 v7;
	_ =	sdelay $0x1  }
0x23e: {  	v35 =	vsub.f32 v4, v1;
	v34 =	vmul.f32 $1.442695020e+00, v33;
	(erf) = vpow2.f32 v32;
	_ =	sdelay $0x1  }
0x23f: {  	v37 =	vsub.f32 v30, v1;
	v36 =	vmul.f32 $1.442695020e+00, v35;
	(erf) = vpow2.f32 v34;
	_ =	sdelay $0x1  }
0x240: {  	v39 =	vsub.f32 v6, v1;
	v38 =	vmul.f32 $1.442695020e+00, v37;
	(erf) = vpow2.f32 v36;
	_ =	sdelay $0x1  }
0x241: {  	v0 =	vsub.f32 v0, v1;
	v41 =	vmul.f32 $1.442695020e+00, v39;
	v40 =	vpop (erf);
	(erf) = vpow2.f32 v38  }
0x242: {  	v42 =	vpop (erf)  }
0x243: {  	v0 =	vmul.f32 $1.442695020e+00, v0;
	(erf) = vpow2.f32 v41;
	v3 =	vadd.f32 v42, v40  }
0x244: {  	v43 =	vpop (erf)  }
0x245: {  	(erf) = vpow2.f32 v0;
	v2 =	vadd.f32 v3, v43  }
0x246: {  	v44 =	vpop (erf)  }
0x247: {  	v0 =	vadd.f32 v2, v44  }
0x248: {  	v45 =	vpop (erf)  }
0x249: {  	v0 =	vadd.f32 v0, v45  }
0x24a: {  	v46 =	vpop (erf)  }
0x24b: {  	v0 =	vadd.f32 v0, v46  }
0x24c: {  	v47 =	vpop (erf)  }
0x24d: {  	v0 =	vadd.f32 v0, v47  }
0x24e: {  	v48 =	vpop (erf)  }
0x24f: {  	v0 =	vadd.f32 v0, v48;
	_ =	sdelay $0x1  }
0x250: {  	v2 =	vmul.f32 $2.749113480e-04, v0;
	_ =	sdelay $0x1  }
0x251: {  	v2 =	vadd.f32 $-7.451849520e-03, v2;
	_ =	sdelay $0x1  }
0x252: {  	v2 =	vmul.f32 v2, v0;
	_ =	sdelay $0x1  }
0x253: {  	v2 =	vadd.f32 $8.095877610e-02, v2;
	_ =	sdelay $0x1  }
0x254: {  	v2 =	vmul.f32 v2, v0;
	_ =	sdelay $0x1  }
0x255: {  	v2 =	vadd.f32 $-4.594725070e-01, v2;
	_ =	sdelay $0x1  }
0x256: {  	v2 =	vmul.f32 v2, v0;
	_ =	sdelay $0x1  }
0x257: {  	v2 =	vadd.f32 $1.593553300e+00, v2;
	_ =	sdelay $0x1  }
0x258: {  	v2 =	vmul.f32 v2, v0;
	_ =	sdelay $0x1  }
0x259: {  	v2 =	vadd.f32 $-1.193646310e+00, v2;
	_ =	sdelay $0x1  }
0x25a: {  	v49 =	vsub.f32 $0.0e+00, v2;
	_ =	sdelay $0x1  }
0x25b: {  	v3 =	vmul.f32 $1.442695020e+00, v49;
	_ =	sdelay $0x1  }
0x25c: {  	(erf) = vpow2.f32 v3;
	_ =	sdelay $0x8  }
0x25d: {  	v3 =	vpop (erf)  }
0x25e: {  	v3 =	vmul.f32 v3, v0;
	_ =	sdelay $0x1  }
0x25f: {  	v2 =	vadd.f32 v3, v2;
	_ =	sdelay $0x1  }
0x260: {  	v2 =	vadd.f32 $-1.000000000e+00, v2;
	_ =	sdelay $0x1  }
0x261: {  	v50 =	vsub.f32 $0.0e+00, v2;
	_ =	sdelay $0x1  }
0x262: {  	v3 =	vmul.f32 $1.442695020e+00, v50;
	_ =	sdelay $0x1  }
0x263: {  	(erf) = vpow2.f32 v3;
	_ =	sdelay $0x8  }
0x264: {  	v3 =	vpop (erf)  }
0x265: {  	v0 =	vmul.f32 v3, v0;
	_ =	sdelay $0x1  }
0x266: {  	v0 =	vadd.f32 v0, v2;
	_ =	sdelay $0x1  }
0x267: {  	v0 =	vadd.f32 $-1.000000000e+00, v0;
	_ =	sdelay $0x1  }
0x268: {  	v0 =	vadd.f32 v0, v1;
	_ =	sdelay $0x1  }
0x269: {  	[tilespmem:s13+$0x10050] =	vst v0  }
0x26a: {  	v0 =	vld [tilespmem:s11+$0xFFFFFFE0]  }
0x26b: {  	v1 =	vld [tilespmem:s11+$0x60]  }
0x26c: {  	v51 =	vld [tilespmem:$0x18000]  }
0x26d: {  	v52 =	vld [tilespmem:$0x18080]  }
0x26e: {  	v53 =	vld [tilespmem:$0x18100]  }
0x26f: {  	v54 =	vld [tilespmem:$0x18180]  }
0x270: {  	v6 =	vld [tilespmem:$0x18200]  }
0x271: {  	v55 =	vld [tilespmem:$0x18010]  }
0x272: {  	v56 =	vld [tilespmem:$0x18090]  }
0x273: {  	v57 =	vld [tilespmem:$0x18110]  }
0x274: {  	v58 =	vld [tilespmem:$0x18190]  }
0x275: {  	v59 =	vld [tilespmem:$0x18210]  }
0x276: {  	v60 =	vld [tilespmem:$0x18020]  }
0x277: {  	v61 =	vld [tilespmem:$0x180A0]  }
0x278: {  	v62 =	vld [tilespmem:$0x18120]  }
0x279: {  	v63 =	vld [tilespmem:$0x181A0]  }
0x27a: {  	v28 =	vld [tilespmem:$0x18220]  }
0x27b: {  	v30 =	vld [tilespmem:$0x180B0]  }
0x27c: {  	v47 =	vld [tilespmem:$0x180D0]  }
0x27d: {  	v41 =	vld [tilespmem:$0x181C0];
	v32 =	vmul.f32 v0, v0  }
0x27e: {  	v29 =	vld [tilespmem:$0x18030];
	v34 =	vmul.f32 v1, v1;
	v3 =	vmul.f32 v52, v0  }
0x27f: {  	v31 =	vld [tilespmem:$0x18130];
	v8 =	vmul.f32 v56, v0;
	v5 =	vmul.f32 v54, v1  }
0x280: {  	v33 =	vld [tilespmem:$0x181B0];
	v43 =	vmul.f32 v61, v0;
	v46 =	vmul.f32 v30, v0  }
0x281: {  	v36 =	vld [tilespmem:$0x18040];
	v10 =	vmul.f32 v58, v1;
	v61 =	vmul.f32 v47, v0  }
0x282: {  	v39 =	vld [tilespmem:$0x18140];
	v9 =	vmul.f32 v41, v1;
	v2 =	vmul.f32 v51, v32  }
0x283: {  	v44 =	vld [tilespmem:$0x18050];
	v7 =	vmul.f32 v55, v32;
	v38 =	vmul.f32 v53, v34  }
0x284: {  	v49 =	vld [tilespmem:$0x18150];
	v40 =	vmul.f32 v57, v34;
	v42 =	vmul.f32 v60, v32  }
0x285: {  	v54 =	vld [tilespmem:$0x18060];
	v45 =	vmul.f32 v29, v32;
	v48 =	vmul.f32 v62, v34  }
0x286: {  	v56 =	vld [tilespmem:$0x180E0];
	v51 =	vmul.f32 v31, v34;
	v53 =	vmul.f32 v63, v1  }
0x287: {  	v52 =	vld [tilespmem:$0x181D0];
	v55 =	vmul.f32 v33, v1;
	v58 =	vmul.f32 v36, v32;
	v7 =	vadd.f32 v8, v7  }
0x288: {  	v37 =	vld [tilespmem:$0x180C0];
	v13 =	vmul.f32 v44, v32;
	v4 =	vmul.f32 v39, v34;
	v2 =	vadd.f32 v3, v2  }
0x289: {  	v63 =	vld [tilespmem:$0x18170];
	v14 =	vmul.f32 v49, v34;
	v3 =	vadd.f32 v43, v42;
	v7 =	vadd.f32 v40, v7  }
0x28a: {  	v57 =	vld [tilespmem:$0x18070];
	v50 =	vadd.f32 v46, v45;
	v13 =	vadd.f32 v61, v13;
	v23 =	vmul.f32 v54, v32  }
0x28b: {  	v60 =	vld [tilespmem:$0x180F0];
	v8 =	vmul.f32 v56, v0;
	v2 =	vadd.f32 v38, v2;
	v7 =	vadd.f32 v10, v7  }
0x28c: {  	v62 =	vld [tilespmem:$0x18160];
	v27 =	vmul.f32 v52, v1;
	v3 =	vadd.f32 v48, v3;
	v13 =	vadd.f32 v14, v13  }
0x28d: {  	v21 =	vld [tilespmem:$0x181E0];
	v2 =	vadd.f32 v5, v2;
	v7 =	vadd.f32 v7, v59;
	v59 =	vmul.f32 v37, v0  }
0x28e: {  	v24 =	vld [tilespmem:$0x181F0];
	v30 =	vmul.f32 v63, v34;
	v5 =	vadd.f32 v51, v50;
	v3 =	vadd.f32 v53, v3  }
0x28f: {  	v35 =	vld [tilespmem:$0x18230];
	v10 =	vmul.f32 v57, v32;
	v2 =	vadd.f32 v2, v6;
	v6 =	vadd.f32 v59, v58  }
0x290: {  	v25 =	vld [tilespmem:$0x18240];
	v31 =	vadd.f32 v27, v13;
	v3 =	vadd.f32 v3, v28;
	v0 =	vmul.f32 v60, v0  }
0x291: {  	v26 =	vld [tilespmem:$0x18250];
	v28 =	vmul.f32 v62, v34;
	v4 =	vadd.f32 v4, v6;
	v6 =	vadd.f32 v8, v23  }
0x292: {  	v29 =	vld [tilespmem:$0x18260];
	v32 =	vmul.f32 v21, v1;
	v5 =	vadd.f32 v55, v5;
	v0 =	vadd.f32 v0, v10  }
0x293: {  	v33 =	vld [tilespmem:$0x18270];
	v1 =	vmul.f32 v24, v1;
	v4 =	vadd.f32 v9, v4;
	v6 =	vadd.f32 v28, v6  }
0x294: {  	v5 =	vadd.f32 v5, v35;
	v34 =	vmax.f32 v2, v7;
	v0 =	vadd.f32 v30, v0  }
0x295: {  	v35 =	vmax.f32 v34, v3;
	v4 =	vadd.f32 v4, v25;
	v6 =	vadd.f32 v32, v6  }
0x296: {  	v36 =	vadd.f32 v31, v26;
	v37 =	vmax.f32 v35, v5;
	v0 =	vadd.f32 v1, v0  }
0x297: {  	v6 =	vadd.f32 v6, v29;
	v1 =	vmax.f32 v37, v4  }
0x298: {  	v0 =	vadd.f32 v0, v33;
	v1 =	vmax.f32 v1, v36  }
0x299: {  	v1 =	vmax.f32 v1, v6  }
0x29a: {  	v1 =	vmax.f32 v1, v0  }
0x29b: {  	v2 =	vsub.f32 v2, v1  }
0x29c: {  	v7 =	vsub.f32 v7, v1  }
0x29d: {  	v2 =	vmul.f32 $1.442695020e+00, v2  }
0x29e: {  	v3 =	vsub.f32 v3, v1;
	v7 =	vmul.f32 $1.442695020e+00, v7  }
0x29f: {  	(erf) = vpow2.f32 v2  }
0x2a0: {  	v39 =	vsub.f32 v5, v1;
	v38 =	vmul.f32 $1.442695020e+00, v3;
	(erf) = vpow2.f32 v7;
	_ =	sdelay $0x1  }
0x2a1: {  	v41 =	vsub.f32 v4, v1;
	v40 =	vmul.f32 $1.442695020e+00, v39;
	(erf) = vpow2.f32 v38;
	_ =	sdelay $0x1  }
0x2a2: {  	v43 =	vsub.f32 v36, v1;
	v42 =	vmul.f32 $1.442695020e+00, v41;
	(erf) = vpow2.f32 v40;
	_ =	sdelay $0x1  }
0x2a3: {  	v45 =	vsub.f32 v6, v1;
	v44 =	vmul.f32 $1.442695020e+00, v43;
	(erf) = vpow2.f32 v42;
	_ =	sdelay $0x1  }
0x2a4: {  	v0 =	vsub.f32 v0, v1;
	v47 =	vmul.f32 $1.442695020e+00, v45;
	v46 =	vpop (erf);
	(erf) = vpow2.f32 v44  }
0x2a5: {  	v48 =	vpop (erf)  }
0x2a6: {  	v0 =	vmul.f32 $1.442695020e+00, v0;
	(erf) = vpow2.f32 v47;
	v3 =	vadd.f32 v48, v46  }
0x2a7: {  	v49 =	vpop (erf)  }
0x2a8: {  	(erf) = vpow2.f32 v0;
	v2 =	vadd.f32 v3, v49  }
0x2a9: {  	v50 =	vpop (erf)  }
0x2aa: {  	v0 =	vadd.f32 v2, v50  }
0x2ab: {  	v51 =	vpop (erf)  }
0x2ac: {  	v0 =	vadd.f32 v0, v51  }
0x2ad: {  	v52 =	vpop (erf)  }
0x2ae: {  	v0 =	vadd.f32 v0, v52  }
0x2af: {  	v53 =	vpop (erf)  }
0x2b0: {  	v0 =	vadd.f32 v0, v53  }
0x2b1: {  	v54 =	vpop (erf)  }
0x2b2: {  	v0 =	vadd.f32 v0, v54;
	_ =	sdelay $0x1  }
0x2b3: {  	v2 =	vmul.f32 $2.749113480e-04, v0;
	_ =	sdelay $0x1  }
0x2b4: {  	v2 =	vadd.f32 $-7.451849520e-03, v2;
	_ =	sdelay $0x1  }
0x2b5: {  	v2 =	vmul.f32 v2, v0;
	_ =	sdelay $0x1  }
0x2b6: {  	v2 =	vadd.f32 $8.095877610e-02, v2;
	_ =	sdelay $0x1  }
0x2b7: {  	v2 =	vmul.f32 v2, v0;
	_ =	sdelay $0x1  }
0x2b8: {  	v2 =	vadd.f32 $-4.594725070e-01, v2;
	_ =	sdelay $0x1  }
0x2b9: {  	v2 =	vmul.f32 v2, v0;
	_ =	sdelay $0x1  }
0x2ba: {  	v2 =	vadd.f32 $1.593553300e+00, v2;
	_ =	sdelay $0x1  }
0x2bb: {  	v2 =	vmul.f32 v2, v0;
	_ =	sdelay $0x1  }
0x2bc: {  	v2 =	vadd.f32 $-1.193646310e+00, v2;
	_ =	sdelay $0x1  }
0x2bd: {  	v55 =	vsub.f32 $0.0e+00, v2;
	_ =	sdelay $0x1  }
0x2be: {  	v3 =	vmul.f32 $1.442695020e+00, v55;
	_ =	sdelay $0x1  }
0x2bf: {  	(erf) = vpow2.f32 v3;
	_ =	sdelay $0x8  }
0x2c0: {  	v3 =	vpop (erf)  }
0x2c1: {  	v3 =	vmul.f32 v3, v0;
	_ =	sdelay $0x1  }
0x2c2: {  	v2 =	vadd.f32 v3, v2;
	_ =	sdelay $0x1  }
0x2c3: {  	v2 =	vadd.f32 $-1.000000000e+00, v2;
	_ =	sdelay $0x1  }
0x2c4: {  	v56 =	vsub.f32 $0.0e+00, v2;
	_ =	sdelay $0x1  }
0x2c5: {  	v3 =	vmul.f32 $1.442695020e+00, v56;
	_ =	sdelay $0x1  }
0x2c6: {  	(erf) = vpow2.f32 v3;
	_ =	sdelay $0x8  }
0x2c7: {  	v3 =	vpop (erf)  }
0x2c8: {  	v0 =	vmul.f32 v3, v0;
	_ =	sdelay $0x1  }
0x2c9: {  	v0 =	vadd.f32 v0, v2;
	_ =	sdelay $0x1  }
0x2ca: {  	v0 =	vadd.f32 $-1.000000000e+00, v0;
	_ =	sdelay $0x1  }
0x2cb: {  	v0 =	vadd.f32 v0, v1;
	_ =	sdelay $0x1  }
0x2cc: {  	[tilespmem:s13+$0x10060] =	vst v0  }
0x2cd: {  	v0 =	vld [tilespmem:s11+$0xFFFFFFF0]  }
0x2ce: {  	v1 =	vld [tilespmem:s11+$0x70]  }
0x2cf: {  	v57 =	vld [tilespmem:$0x18000]  }
0x2d0: {  	v58 =	vld [tilespmem:$0x18080]  }
0x2d1: {  	v59 =	vld [tilespmem:$0x18100]  }
0x2d2: {  	v60 =	vld [tilespmem:$0x18180]  }
0x2d3: {  	v6 =	vld [tilespmem:$0x18200]  }
0x2d4: {  	v61 =	vld [tilespmem:$0x18010]  }
0x2d5: {  	v62 =	vld [tilespmem:$0x18090]  }
0x2d6: {  	v63 =	vld [tilespmem:$0x18110]  }
0x2d7: {  	v28 =	vld [tilespmem:$0x18190]  }
0x2d8: {  	v29 =	vld [tilespmem:$0x18210]  }
0x2d9: {  	v30 =	vld [tilespmem:$0x18020]  }
0x2da: {  	v31 =	vld [tilespmem:$0x180A0]  }
0x2db: {  	v32 =	vld [tilespmem:$0x18120]  }
0x2dc: {  	v33 =	vld [tilespmem:$0x181A0]  }
0x2dd: {  	v36 =	vld [tilespmem:$0x180B0]  }
0x2de: {  	v43 =	vld [tilespmem:$0x180C0]  }
0x2df: {  	v47 =	vld [tilespmem:$0x181C0]  }
0x2e0: {  	v53 =	vld [tilespmem:$0x180D0];
	v38 =	vmul.f32 v0, v0  }
0x2e1: {  	v34 =	vld [tilespmem:$0x18220];
	v40 =	vmul.f32 v1, v1;
	v3 =	vmul.f32 v58, v0  }
0x2e2: {  	v35 =	vld [tilespmem:$0x18030];
	v8 =	vmul.f32 v62, v0;
	v5 =	vmul.f32 v60, v1  }
0x2e3: {  	v37 =	vld [tilespmem:$0x18130];
	v49 =	vmul.f32 v31, v0;
	v52 =	vmul.f32 v36, v0  }
0x2e4: {  	v39 =	vld [tilespmem:$0x181B0];
	v10 =	vmul.f32 v28, v1;
	v24 =	vmul.f32 v43, v0  }
0x2e5: {  	v50 =	vld [tilespmem:$0x18050];
	v26 =	vmul.f32 v53, v0;
	v9 =	vmul.f32 v47, v1  }
0x2e6: {  	v41 =	vld [tilespmem:$0x18230];
	v2 =	vmul.f32 v57, v38;
	v7 =	vmul.f32 v61, v38  }
0x2e7: {  	v55 =	vld [tilespmem:$0x18150];
	v44 =	vmul.f32 v59, v40;
	v46 =	vmul.f32 v63, v40  }
0x2e8: {  	v42 =	vld [tilespmem:$0x18040];
	v48 =	vmul.f32 v30, v38;
	v51 =	vmul.f32 v35, v38  }
0x2e9: {  	v45 =	vld [tilespmem:$0x18140];
	v54 =	vmul.f32 v32, v40;
	v57 =	vmul.f32 v37, v40  }
0x2ea: {  	v58 =	vld [tilespmem:$0x181D0];
	v59 =	vmul.f32 v33, v1;
	v13 =	vmul.f32 v50, v38;
	v2 =	vadd.f32 v3, v2  }
0x2eb: {  	v60 =	vld [tilespmem:$0x18060];
	v61 =	vmul.f32 v39, v1;
	v7 =	vadd.f32 v8, v7;
	v3 =	vadd.f32 v49, v48  }
0x2ec: {  	v62 =	vld [tilespmem:$0x180E0];
	v14 =	vmul.f32 v55, v40;
	v56 =	vadd.f32 v52, v51;
	v13 =	vadd.f32 v26, v13  }
0x2ed: {  	v25 =	vld [tilespmem:$0x180F0];
	v21 =	vmul.f32 v42, v38;
	v2 =	vadd.f32 v44, v2;
	v7 =	vadd.f32 v46, v7  }
0x2ee: {  	v63 =	vld [tilespmem:$0x18070];
	v4 =	vmul.f32 v45, v40;
	v3 =	vadd.f32 v54, v3;
	v13 =	vadd.f32 v14, v13  }
0x2ef: {  	v27 =	vld [tilespmem:$0x18160];
	v35 =	vmul.f32 v58, v1;
	v2 =	vadd.f32 v5, v2;
	v7 =	vadd.f32 v10, v7  }
0x2f0: {  	v28 =	vld [tilespmem:$0x18170];
	v12 =	vmul.f32 v60, v38;
	v5 =	vadd.f32 v57, v56;
	v3 =	vadd.f32 v59, v3  }
0x2f1: {  	v30 =	vmul.f32 v62, v0;
	v39 =	vadd.f32 v35, v13;
	v7 =	vadd.f32 v7, v29;
	v29 =	vld [tilespmem:$0x181E0]  }
0x2f2: {  	v32 =	vld [tilespmem:$0x181F0];
	v0 =	vmul.f32 v25, v0;
	v2 =	vadd.f32 v2, v6;
	v6 =	vadd.f32 v24, v21  }
0x2f3: {  	v33 =	vld [tilespmem:$0x18240];
	v31 =	vmul.f32 v63, v38;
	v5 =	vadd.f32 v61, v5;
	v3 =	vadd.f32 v3, v34  }
0x2f4: {  	v36 =	vmul.f32 v27, v40;
	v34 =	vld [tilespmem:$0x18250];
	v4 =	vadd.f32 v4, v6;
	v6 =	vadd.f32 v30, v12  }
0x2f5: {  	v37 =	vmul.f32 v28, v40;
	v38 =	vld [tilespmem:$0x18260];
	v0 =	vadd.f32 v0, v31;
	v5 =	vadd.f32 v5, v41  }
0x2f6: {  	v41 =	vld [tilespmem:$0x18270];
	v4 =	vadd.f32 v9, v4;
	v6 =	vadd.f32 v36, v6;
	v40 =	vmul.f32 v29, v1  }
0x2f7: {  	v0 =	vadd.f32 v37, v0;
	v42 =	vmax.f32 v2, v7;
	v1 =	vmul.f32 v32, v1  }
0x2f8: {  	v8 =	vmax.f32 v42, v3;
	v4 =	vadd.f32 v4, v33;
	v6 =	vadd.f32 v40, v6  }
0x2f9: {  	v44 =	vmax.f32 v8, v5;
	v43 =	vadd.f32 v39, v34;
	v0 =	vadd.f32 v1, v0  }
0x2fa: {  	v1 =	vmax.f32 v44, v4;
	v6 =	vadd.f32 v6, v38  }
0x2fb: {  	v0 =	vadd.f32 v0, v41;
	v1 =	vmax.f32 v1, v43  }
0x2fc: {  	v1 =	vmax.f32 v1, v6  }
0x2fd: {  	v1 =	vmax.f32 v1, v0  }
0x2fe: {  	v2 =	vsub.f32 v2, v1  }
0x2ff: {  	v7 =	vsub.f32 v7, v1  }
0x300: {  	v2 =	vmul.f32 $1.442695020e+00, v2  }
0x301: {  	v3 =	vsub.f32 v3, v1;
	v7 =	vmul.f32 $1.442695020e+00, v7  }
0x302: {  	(erf) = vpow2.f32 v2  }
0x303: {  	v46 =	vsub.f32 v5, v1;
	v45 =	vmul.f32 $1.442695020e+00, v3;
	(erf) = vpow2.f32 v7;
	_ =	sdelay $0x1  }
0x304: {  	v48 =	vsub.f32 v4, v1;
	v47 =	vmul.f32 $1.442695020e+00, v46;
	(erf) = vpow2.f32 v45;
	_ =	sdelay $0x1  }
0x305: {  	v50 =	vsub.f32 v43, v1;
	v49 =	vmul.f32 $1.442695020e+00, v48;
	(erf) = vpow2.f32 v47;
	_ =	sdelay $0x1  }
0x306: {  	v52 =	vsub.f32 v6, v1;
	v51 =	vmul.f32 $1.442695020e+00, v50;
	(erf) = vpow2.f32 v49;
	_ =	sdelay $0x1  }
0x307: {  	v0 =	vsub.f32 v0, v1;
	v54 =	vmul.f32 $1.442695020e+00, v52;
	v53 =	vpop (erf);
	(erf) = vpow2.f32 v51  }
0x308: {  	v55 =	vpop (erf)  }
0x309: {  	v0 =	vmul.f32 $1.442695020e+00, v0;
	(erf) = vpow2.f32 v54;
	v3 =	vadd.f32 v55, v53  }
0x30a: {  	v56 =	vpop (erf)  }
0x30b: {  	(erf) = vpow2.f32 v0;
	v2 =	vadd.f32 v3, v56  }
0x30c: {  	v57 =	vpop (erf)  }
0x30d: {  	v0 =	vadd.f32 v2, v57  }
0x30e: {  	v58 =	vpop (erf)  }
0x30f: {  	v0 =	vadd.f32 v0, v58  }
0x310: {  	v59 =	vpop (erf)  }
0x311: {  	v0 =	vadd.f32 v0, v59  }
0x312: {  	v60 =	vpop (erf)  }
0x313: {  	v0 =	vadd.f32 v0, v60  }
0x314: {  	v61 =	vpop (erf)  }
0x315: {  	v0 =	vadd.f32 v0, v61;
	_ =	sdelay $0x1  }
0x316: {  	v2 =	vmul.f32 $2.749113480e-04, v0;
	_ =	sdelay $0x1  }
0x317: {  	v2 =	vadd.f32 $-7.451849520e-03, v2;
	_ =	sdelay $0x1  }
0x318: {  	v2 =	vmul.f32 v2, v0;
	_ =	sdelay $0x1  }
0x319: {  	v2 =	vadd.f32 $8.095877610e-02, v2;
	_ =	sdelay $0x1  }
0x31a: {  	v2 =	vmul.f32 v2, v0;
	_ =	sdelay $0x1  }
0x31b: {  	v2 =	vadd.f32 $-4.594725070e-01, v2;
	_ =	sdelay $0x1  }
0x31c: {  	v2 =	vmul.f32 v2, v0;
	_ =	sdelay $0x1  }
0x31d: {  	v2 =	vadd.f32 $1.593553300e+00, v2;
	_ =	sdelay $0x1  }
0x31e: {  	v2 =	vmul.f32 v2, v0;
	_ =	sdelay $0x1  }
0x31f: {  	v2 =	vadd.f32 $-1.193646310e+00, v2;
	_ =	sdelay $0x1  }
0x320: {  	v62 =	vsub.f32 $0.0e+00, v2;
	_ =	sdelay $0x1  }
0x321: {  	v3 =	vmul.f32 $1.442695020e+00, v62;
	_ =	sdelay $0x1  }
0x322: {  	(erf) = vpow2.f32 v3;
	_ =	sdelay $0x8  }
0x323: {  	v3 =	vpop (erf)  }
0x324: {  	v3 =	vmul.f32 v3, v0;
	_ =	sdelay $0x1  }
0x325: {  	v2 =	vadd.f32 v3, v2;
	_ =	sdelay $0x1  }
0x326: {  	v2 =	vadd.f32 $-1.000000000e+00, v2;
	_ =	sdelay $0x1  }
0x327: {  	v63 =	vsub.f32 $0.0e+00, v2;
	_ =	sdelay $0x1  }
0x328: {  	v3 =	vmul.f32 $1.442695020e+00, v63;
	_ =	sdelay $0x1  }
0x329: {  	(erf) = vpow2.f32 v3;
	_ =	sdelay $0x8  }
0x32a: {  	v3 =	vpop (erf)  }
0x32b: {  	v0 =	vmul.f32 v3, v0;
	_ =	sdelay $0x1  }
0x32c: {  	v0 =	vadd.f32 v0, v2  }
0x32d: {  	p0 =	sne.s32 s12, $0x1FE00  }
.Ltmp0:
0x32e: {  	v0 =	vadd.f32 $-1.000000000e+00, v0;
	(pc) =	sbr.rel @p0 .LBB2_2-.Ltmp0, $3  }
0x32f: {  	_ = 	snop  }
0x330: {  	v0 =	vadd.f32 v0, v1;
	_ =	sdelay $0x1  }
0x331: {  	s12 =	sadd.s32 $0x200, s12;
	s11 =	sadd.s32 $0x100, s11;
	[tilespmem:s13+$0x10070] =	vst v0  }
0x332: {  	s10 =	sadd.s32 $0x1, s10  }
0x333: {  	p0 =	sne.s32 s10, s6  }
.Ltmp1:
0x334: {  	_ = 	snop;
	(pc) =	sbr.rel @p0 .LBB2_1-.Ltmp1, $4  }
0x335: {  	[hbm4b:s5+s3] =	stream.linear.scatter [tilespmem:s9], [sflag:$0x1], $0x8000, $0x38;
	[tilespmem:$0x18280] =	vst v63  }
0x336: {  	_ =	swait.ge [sflag:s8], $0x8000  }
0x337: {  	[sflag:s8] =	ssyncset.done $0x0  }
0x338: {  	[sflag:s8] =	ssyncadd.s32 $0xFFFF8000  }
0x339: {  	_ =	sfence.sel $0x180000  }
0x33a: {  	[bflag:$0x0] =	sbarrier.arrive $0xFFFF  }
0x33b: {  	p0 =	sne.s32 s1, $0x0;
	_ =	strace $0x90000047  }
0x33c: {  	s0 =	sadd.s32 @!p0 $0x100000, s0;
	[bflag:$0x2] =	sbarrier.arrive $0xFFFF  }
0x33d: {  	[sflag:s0] =	ssyncadd.tile.s32 @!p0 $0x1;
	_ =	shalt  }
.Lfunc_end2:
_tile_overlayer_lowered:
.L_overlay_start_2:
0x33e: {  	(tag) =	ssettag $0x2  }
0x33f: {  	s0 =	rddreg [dreg:$0x0];
	s2 =	stileid.u32  }
0x340: {  	s1 =	rddreg [dreg:$0x1];
	p0 =	sne.s32 s2, $0x0  }
0x341: {  	s3 =	rddreg [dreg:$0x2];
	[bflag:$0x3] =	sbarrier.arrive $0xFFFF;
	s2 =	simm.s32 @!p0 $0x1C01  }
0x342: {  	[timem:s3], [sflag:s2] =	dma.local @!p0 [hbm:s0], s1  }
0x343: {  	s0 =	simm.s32 @!p0 $0x1  }
0x344: {  	_ =	swait.ge @!p0 [sflag:s0], s1  }
0x345: {  	s1 =	ssub.s32 @!p0 $0x0, s1;
	[sflag:s0] =	ssyncset.done @!p0 $0x0  }
0x346: {  	[sflag:s0] =	ssyncadd.s32 @!p0 s1  }
0x347: {  	[bflag:$0x3] =	sbarrier.arrive $0xFFFF  }
0x348: {  	_ =	shalt  }

</sc_bundles>
